<compile_context>
chip_gen: v7x
topology: tpu7x:2x2x1
jax: 0.10.2.dev20260603
libtpu: 0.0.44.dev20260713+nightly
codegen_flags: <defaults>
</compile_context>

<pallas_src>
import functools

import jax
import jax.numpy as jnp
from jax import lax
from jax.experimental import pallas as pl
from jax.experimental.pallas import tpu as pltpu
from jax.experimental.pallas import tpu_sc as plsc

def _pick_chunk(per_tile):
    for c in range(128, 0, -8):
        if per_tile % c == 0:
            return c
    raise ValueError(per_tile)


def _gather_sc(hidden, rela_embed, sub, rel):
    E = sub.shape[0]
    d = hidden.shape[1]
    mesh = plsc.VectorSubcoreMesh(core_axis_name="c", subcore_axis_name="s")
    NC, NS = 2, 16
    per_tile = E // (NC * NS)
    CHUNK = _pick_chunk(per_tile)
    n_chunks = per_tile // CHUNK
    assert per_tile % CHUNK == 0 and n_chunks >= 3

    @functools.partial(
        pl.kernel,
        mesh=mesh,
        out_type=jax.ShapeDtypeStruct((E, d), jnp.float32),
        scratch_types=[
            pltpu.VMEM((CHUNK,), jnp.int32),
            pltpu.VMEM((CHUNK,), jnp.int32),
            pltpu.VMEM((CHUNK,), jnp.int32),
            pltpu.VMEM((CHUNK,), jnp.int32),
            pltpu.VMEM((CHUNK, d), jnp.float32),
            pltpu.VMEM((CHUNK, d), jnp.float32),
            pltpu.VMEM((CHUNK, d), jnp.float32),
            pltpu.VMEM((CHUNK, d), jnp.float32),
            pltpu.SemaphoreType.DMA,
            pltpu.SemaphoreType.DMA,
            pltpu.SemaphoreType.DMA,
            pltpu.SemaphoreType.DMA,
            pltpu.SemaphoreType.DMA,
            pltpu.SemaphoreType.DMA,
        ],
    )
    def k(hid_hbm, rel_hbm, sub_hbm, reli_hbm, g_out,
          ia0, ia1, ib0, ib1, ra0, ra1, rb0, rb1,
          si0, si1, sg0, sg1, sw0, sw1):
        ci = lax.axis_index("c")
        sci = lax.axis_index("s")
        base = (sci * NC + ci) * per_tile
        idxa, idxb = (ia0, ia1), (ib0, ib1)
        rowsa, rowsb = (ra0, ra1), (rb0, rb1)
        sem_i, sem_g, sem_w = (si0, si1), (sg0, sg1), (sw0, sw1)

        def start_idx(s, off):
            pltpu.make_async_copy(sub_hbm.at[pl.ds(off, CHUNK)],
                                  idxa[s], sem_i[s]).start()
            pltpu.make_async_copy(reli_hbm.at[pl.ds(off, CHUNK)],
                                  idxb[s], sem_i[s]).start()

        def wait_idx(s):
            pltpu.make_async_copy(sub_hbm.at[pl.ds(0, CHUNK)],
                                  idxa[s], sem_i[s]).wait()
            pltpu.make_async_copy(reli_hbm.at[pl.ds(0, CHUNK)],
                                  idxb[s], sem_i[s]).wait()

        def start_gather(s):
            pltpu.make_async_copy(hid_hbm.at[idxa[s]], rowsa[s],
                                  sem_g[s]).start()
            pltpu.make_async_copy(rel_hbm.at[idxb[s]], rowsb[s],
                                  sem_g[s]).start()

        def wait_gather(s):
            pltpu.make_async_copy(hid_hbm.at[idxa[s]], rowsa[s],
                                  sem_g[s]).wait()
            pltpu.make_async_copy(rel_hbm.at[idxb[s]], rowsb[s],
                                  sem_g[s]).wait()

        def start_wb(s, off):
            pltpu.make_async_copy(rowsa[s], g_out.at[pl.ds(off, CHUNK)],
                                  sem_w[s]).start()

        def wait_wb(s):
            pltpu.make_async_copy(rowsa[s], g_out.at[pl.ds(0, CHUNK)],
                                  sem_w[s]).wait()

        def add_rows(s):
            ra, rb = rowsa[s], rowsb[s]

            def body(r, carry):
                for cc in range(d // 16):
                    sl = pl.ds(cc * 16, 16)
                    ra[r, sl] = ra[r, sl] + rb[r, sl]
                return carry

            lax.fori_loop(0, CHUNK, body, 0)

        start_idx(0, base)
        wait_idx(0)
        start_gather(0)
        start_idx(1, base + CHUNK)

        def chunk_body(c, carry):
            off = base + c * CHUNK
            for s in (0, 1):
                o = 1 - s

                @pl.when((c & 1) == s)
                def _():
                    @pl.when(c + 1 < n_chunks)
                    def _():
                        wait_idx(o)

                        @pl.when(c >= 1)
                        def _():
                            wait_wb(o)

                        start_gather(o)

                    wait_gather(s)
                    add_rows(s)
                    start_wb(s, off)

                    @pl.when(c + 2 < n_chunks)
                    def _():
                        start_idx(s, off + 2 * CHUNK)

            return carry

        lax.fori_loop(0, n_chunks, chunk_body, 0)
        wait_wb(0)
        wait_wb(1)

    return k(hidden, rela_embed, sub, rel)


def _dense_tc(g, h_sub, W1, Ws_attn, w_alpha_w, w_alpha_b2, row0):
    E, d = g.shape
    attn = Ws_attn.shape[1]
    BE = 3200
    grid = E // BE
    blk0 = row0 // BE
    assert E % BE == 0 and row0 % BE == 0

    def body(g_ref, hb_ref, w1_ref, ws_ref, ww_ref, wb_ref,
             msg_ref, alpha_ref):
        x = g_ref[...] + hb_ref[...]
        m = jnp.dot(x, w1_ref[...], preferred_element_type=jnp.float32)
        t = jnp.maximum(
            jnp.dot(m, ws_ref[...], preferred_element_type=jnp.float32), 0.0)
        logit = jnp.dot(t, ww_ref[...], preferred_element_type=jnp.float32)
        a = jax.nn.sigmoid(logit + wb_ref[0, 0])
        msg_ref[...] = a * m
        alpha_ref[...] = a

    return pl.pallas_call(
        body,
        grid=(grid,),
        in_specs=[
            pl.BlockSpec((BE, d), lambda i: (i, 0)),
            pl.BlockSpec((BE, d), lambda i: (i + blk0, 0)),
            pl.BlockSpec((d, d), lambda i: (0, 0)),
            pl.BlockSpec((d, attn), lambda i: (0, 0)),
            pl.BlockSpec((attn, 1), lambda i: (0, 0)),
            pl.BlockSpec((1, 1), lambda i: (0, 0)),
        ],
        out_specs=[
            pl.BlockSpec((BE, d), lambda i: (i, 0)),
            pl.BlockSpec((BE, 1), lambda i: (i, 0)),
        ],
        out_shape=[
            jax.ShapeDtypeStruct((E, d), jnp.float32),
            jax.ShapeDtypeStruct((E, 1), jnp.float32),
        ],
    )(g, h_sub, W1, Ws_attn, w_alpha_w, w_alpha_b2)


def _scatter_sc(msg, obj, zeros_init):
    E, d = msg.shape
    n_pad = zeros_init.shape[0]
    mesh = plsc.VectorSubcoreMesh(core_axis_name="c", subcore_axis_name="s")
    NC, NS = 2, 16
    per_tile = E // (NC * NS)
    CHUNK = _pick_chunk(per_tile)
    n_chunks = per_tile // CHUNK
    rows_per_tile = n_pad // NS
    assert per_tile % CHUNK == 0 and n_pad % NS == 0 and rows_per_tile % 8 == 0

    @functools.partial(
        pl.kernel,
        mesh=mesh,
        out_type=jax.ShapeDtypeStruct((NC, n_pad, d), jnp.float32),
        scratch_types=[
            pltpu.VMEM((CHUNK,), jnp.int32),
            pltpu.VMEM((CHUNK,), jnp.int32),
            pltpu.VMEM((CHUNK, d), jnp.float32),
            pltpu.VMEM((CHUNK, d), jnp.float32),
            pltpu.VMEM_SHARED((n_pad, d), jnp.float32),
            pltpu.SemaphoreType.DMA,
            pltpu.SemaphoreType.DMA,
            pltpu.SemaphoreType.DMA,
            pltpu.SemaphoreType.DMA,
        ],
    )
    def k(msg_hbm, obj_hbm, zero_hbm, out_hbm,
          ix0, ix1, rw0, rw1, acc, sl0, sl1, ss0, ss1):
        ci = lax.axis_index("c")
        si = lax.axis_index("s")
        zbase = si * rows_per_tile
        idx, rows = (ix0, ix1), (rw0, rw1)
        sem_l, sem_s = (sl0, sl1), (ss0, ss1)
        pltpu.sync_copy(zero_hbm.at[pl.ds(zbase, rows_per_tile)],
                        acc.at[pl.ds(zbase, rows_per_tile)])
        plsc.subcore_barrier()

        base = (ci * NS + si) * per_tile

        def start_load(s, off):
            pltpu.make_async_copy(obj_hbm.at[pl.ds(off, CHUNK)],
                                  idx[s], sem_l[s]).start()
            pltpu.make_async_copy(msg_hbm.at[pl.ds(off, CHUNK)],
                                  rows[s], sem_l[s]).start()

        def wait_load(s):
            pltpu.make_async_copy(obj_hbm.at[pl.ds(0, CHUNK)],
                                  idx[s], sem_l[s]).wait()
            pltpu.make_async_copy(msg_hbm.at[pl.ds(0, CHUNK)],
                                  rows[s], sem_l[s]).wait()

        def start_scat(s):
            pltpu.async_copy(rows[s], acc.at[idx[s]], sem_s[s], add=True)

        def wait_scat(s):
            pltpu.make_async_copy(rows[s], acc.at[idx[s]], sem_s[s]).wait()

        start_load(0, base)

        def body(c, carry):
            off = base + c * CHUNK
            for s in (0, 1):
                o = 1 - s

                @pl.when((c & 1) == s)
                def _():
                    wait_load(s)

                    @pl.when(c >= 1)
                    def _():
                        wait_scat(o)

                    @pl.when(c + 1 < n_chunks)
                    def _():
                        start_load(o, off + CHUNK)

                    start_scat(s)

            return carry

        lax.fori_loop(0, n_chunks, body, 0)
        wait_scat((n_chunks - 1) & 1)
        plsc.subcore_barrier()
        pltpu.sync_copy(acc.at[pl.ds(zbase, rows_per_tile)],
                        out_hbm.at[ci, pl.ds(zbase, rows_per_tile)])

    return k(msg, obj, zeros_init)


def _final_tc(parts, W_h, n):
    d = parts[0].shape[2]
    BN = 2000
    grid = n // BN
    np_ = len(parts)

    def body(*refs):
        prefs, wh_ref, out_ref = refs[:2 * np_], refs[2 * np_], refs[-1]
        acc = prefs[0][0]
        for r in prefs[1:]:
            acc = acc + r[0]
        out_ref[...] = jnp.dot(acc, wh_ref[...],
                               preferred_element_type=jnp.float32)

    in_specs = []
    args = []
    for pa in parts:
        in_specs.append(pl.BlockSpec((1, BN, d), lambda i: (0, i, 0)))
        in_specs.append(pl.BlockSpec((1, BN, d), lambda i: (1, i, 0)))
        args += [pa, pa]
    in_specs.append(pl.BlockSpec((d, d), lambda i: (0, 0)))

    return pl.pallas_call(
        body,
        grid=(grid,),
        in_specs=in_specs,
        out_specs=pl.BlockSpec((BN, d), lambda i: (i, 0)),
        out_shape=jax.ShapeDtypeStruct((n, d), jnp.float32),
    )(*args, W_h)


def kernel(q_sub, hidden, edges, n_node, old_nodes_new_idx,
           entity_pretrain_emb, h_sub, rela_embed, W1, Ws_attn,
           w_alpha_w, w_alpha_b, W_h):
    n = hidden.shape[0]
    sub = edges[:, 4].astype(jnp.int32)
    rel = edges[:, 2].astype(jnp.int32)
    obj = jnp.minimum(edges[:, 5], n_node - 1).astype(jnp.int32)

    n_pad = ((n + 127) // 128) * 128
    zeros = jnp.zeros((n_pad, hidden.shape[1]), jnp.float32)
    wb2 = w_alpha_b.reshape(1, 1)
    E = sub.shape[0]
    split = E * 64 // 100 // 6400 * 6400
    parts, alphas = [], []
    for lo, hi in ((0, split), (split, E)):
        g = _gather_sc(hidden, rela_embed, sub[lo:hi], rel[lo:hi])
        msg, alpha = _dense_tc(g, h_sub, W1, Ws_attn, w_alpha_w, wb2, lo)
        parts.append(_scatter_sc(msg, obj[lo:hi], zeros))
        alphas.append(alpha)
    hidden_new = _final_tc(parts, W_h, n)
    return (hidden_new, jnp.concatenate(alphas, axis=0))

# --- scband reference (transcript-rebuilt; emitter-appended) ---
"""Pipeline reference for scband-red-gnn-trans-10763188043795 (READ-ONLY COPY).

The authoritative reference and input builder live on the scoring server;
editing this copy changes nothing except your own understanding.
"""

import jax, jax.numpy as jnp
import numpy as np


def setup_inputs(seed: int = 0):
    key = jax.random.key(seed)
    ks = jax.random.split(key, 12)
    n_node = 10000
    E = 320000
    d = 128
    attn_dim = 64
    n_rel = 10000
    q_sub = jax.random.randint(ks[0], (1024,), 0, n_node)
    hidden = jax.random.normal(ks[1], (n_node, d), dtype=jnp.float32)
    edges = jax.random.randint(ks[2], (E, 6), 0, n_node)
    old_nodes_new_idx = jax.random.randint(ks[3], (1024,), 0, n_node)
    entity_pretrain_emb = jax.random.normal(ks[4], (n_node, d), dtype=jnp.float32)
    h_sub = jax.random.normal(ks[5], (E, d), dtype=jnp.float32)
    rela_embed = jax.random.normal(ks[6], (n_rel, d), dtype=jnp.float32) / np.sqrt(d)
    W1 = jax.random.normal(ks[7], (d, d), dtype=jnp.float32) / np.sqrt(d)
    Ws_attn = jax.random.normal(ks[8], (d, attn_dim), dtype=jnp.float32) / np.sqrt(d)
    w_alpha_w = jax.random.normal(ks[9], (attn_dim, 1), dtype=jnp.float32) / np.sqrt(attn_dim)
    w_alpha_b = jnp.zeros((1,), dtype=jnp.float32)
    W_h = jax.random.normal(ks[10], (d, d), dtype=jnp.float32) / np.sqrt(d)
    return {"q_sub": q_sub, "hidden": hidden, "edges": edges, "n_node": n_node, "old_nodes_new_idx": old_nodes_new_idx, "entity_pretrain_emb": entity_pretrain_emb, "h_sub": h_sub, "rela_embed": rela_embed, "W1": W1, "Ws_attn": Ws_attn, "w_alpha_w": w_alpha_w, "w_alpha_b": w_alpha_b, "W_h": W_h}


def reference(q_sub, hidden, edges, n_node, old_nodes_new_idx, entity_pretrain_emb, h_sub, rela_embed, W1, Ws_attn, w_alpha_w, w_alpha_b, W_h):
    # GNNLayer.forward of RED_GNN_trans (act = identity, combine_by sum/att path)
    sub = edges[:, 4]
    rel = edges[:, 2]
    obj = edges[:, 5]
    hs = jnp.take(hidden, sub, axis=0)
    hr = jnp.take(rela_embed, rel, axis=0)
    message = (hs + hr + h_sub) @ W1
    alpha = jax.nn.sigmoid(jax.nn.relu(message @ Ws_attn) @ w_alpha_w + w_alpha_b)
    message = alpha * message
    num_segments = hidden.shape[0]
    obj = jnp.minimum(obj, n_node - 1)
    message_agg = jax.ops.segment_sum(message, obj, num_segments=num_segments)
    hidden_new = message_agg @ W_h
    return (hidden_new, alpha)

if __name__ == "__main__":
    import jax
    _d = setup_inputs()
    print(jax.jit(kernel)(*tuple(_d.values())))

</pallas_src>

<mosaic_0001>
#map = affine_map<(d0, d1) -> (0, 0)>
#map1 = affine_map<(d0, d1) -> (0)>
module attributes {stable_mosaic.version = 14 : i64} {
  func.func @k(%arg0: i32, %arg1: i32, %arg2: memref<10000x128xf32, #tpu.memory_space<hbm>>, %arg3: memref<10000x128xf32, #tpu.memory_space<hbm>>, %arg4: memref<115200xi32, #tpu.memory_space<hbm>>, %arg5: memref<115200xi32, #tpu.memory_space<hbm>>, %arg6: memref<115200x128xf32, #tpu.memory_space<hbm>>, %arg7: memref<120xi32, #tpu.memory_space<vmem>>, %arg8: memref<120xi32, #tpu.memory_space<vmem>>, %arg9: memref<120xi32, #tpu.memory_space<vmem>>, %arg10: memref<120xi32, #tpu.memory_space<vmem>>, %arg11: memref<120x128xf32, #tpu.memory_space<vmem>>, %arg12: memref<120x128xf32, #tpu.memory_space<vmem>>, %arg13: memref<120x128xf32, #tpu.memory_space<vmem>>, %arg14: memref<120x128xf32, #tpu.memory_space<vmem>>, %arg15: memref<!tpu.dma_semaphore, #tpu.memory_space<semaphore_mem>>, %arg16: memref<!tpu.dma_semaphore, #tpu.memory_space<semaphore_mem>>, %arg17: memref<!tpu.dma_semaphore, #tpu.memory_space<semaphore_mem>>, %arg18: memref<!tpu.dma_semaphore, #tpu.memory_space<semaphore_mem>>, %arg19: memref<!tpu.dma_semaphore, #tpu.memory_space<semaphore_mem>>, %arg20: memref<!tpu.dma_semaphore, #tpu.memory_space<semaphore_mem>>) attributes {dimension_semantics = [#tpu.dimension_semantics<core_parallel>, #tpu.dimension_semantics<subcore_parallel>], iteration_bounds = array<i64: 2, 16>, scalar_prefetch = 0 : i64, scratch_operands = 14 : i64, tpu.core_type = #tpu.core_type<sc_vector_subcore>, window_params = [{transform_indices = #map}, {transform_indices = #map}, {transform_indices = #map1}, {transform_indices = #map1}, {transform_indices = #map}]} {
    %mul3A = arith.constant 2 : i32
    %mul3A_0 = arith.muli %arg1, %mul3A : i32
    %add3A = arith.addi %mul3A_0, %arg0 : i32
    %mul3A_1 = arith.constant 3600 : i32
    %mul3A_2 = arith.muli %add3A, %mul3A_1 : i32
    %dma_start3A = tpu.memref_slice %arg4[%mul3A_2] : memref<115200xi32, #tpu.memory_space<hbm>> -> memref<120xi32, #tpu.memory_space<hbm>>
    %dma_start3A_3 = tpu.memref_slice %arg4[%mul3A_2] : memref<115200xi32, #tpu.memory_space<hbm>> -> memref<120xi32, #tpu.memory_space<hbm>>
    tpu.enqueue_dma source(%dma_start3A_3 : memref<120xi32, #tpu.memory_space<hbm>>) target(%arg7 : memref<120xi32, #tpu.memory_space<vmem>>) target_semaphore(%arg15 : memref<!tpu.dma_semaphore, #tpu.memory_space<semaphore_mem>>)
    %dma_start3A_4 = tpu.memref_slice %arg5[%mul3A_2] : memref<115200xi32, #tpu.memory_space<hbm>> -> memref<120xi32, #tpu.memory_space<hbm>>
    %dma_start3A_5 = tpu.memref_slice %arg5[%mul3A_2] : memref<115200xi32, #tpu.memory_space<hbm>> -> memref<120xi32, #tpu.memory_space<hbm>>
    tpu.enqueue_dma source(%dma_start3A_5 : memref<120xi32, #tpu.memory_space<hbm>>) target(%arg9 : memref<120xi32, #tpu.memory_space<vmem>>) target_semaphore(%arg15 : memref<!tpu.dma_semaphore, #tpu.memory_space<semaphore_mem>>)
    %dma_wait3A = arith.constant 0 : i32
    %dma_wait3A_6 = tpu.memref_slice %arg4[%dma_wait3A] : memref<115200xi32, #tpu.memory_space<hbm>> -> memref<120xi32, #tpu.memory_space<hbm>>
    %dma_wait3A_7 = arith.constant 0 : i32
    %dma_wait3A_8 = tpu.memref_slice %arg4[%dma_wait3A_7] : memref<115200xi32, #tpu.memory_space<hbm>> -> memref<120xi32, #tpu.memory_space<hbm>>
    tpu.wait_dma2 semaphore(%arg15 : memref<!tpu.dma_semaphore, #tpu.memory_space<semaphore_mem>>) src(%dma_wait3A_8 : memref<120xi32, #tpu.memory_space<hbm>>) dst(%arg7 : memref<120xi32, #tpu.memory_space<vmem>>)
    %dma_wait3A_9 = arith.constant 0 : i32
    %dma_wait3A_10 = tpu.memref_slice %arg5[%dma_wait3A_9] : memref<115200xi32, #tpu.memory_space<hbm>> -> memref<120xi32, #tpu.memory_space<hbm>>
    %dma_wait3A_11 = arith.constant 0 : i32
    %dma_wait3A_12 = tpu.memref_slice %arg5[%dma_wait3A_11] : memref<115200xi32, #tpu.memory_space<hbm>> -> memref<120xi32, #tpu.memory_space<hbm>>
    tpu.wait_dma2 semaphore(%arg15 : memref<!tpu.dma_semaphore, #tpu.memory_space<semaphore_mem>>) src(%dma_wait3A_12 : memref<120xi32, #tpu.memory_space<hbm>>) dst(%arg9 : memref<120xi32, #tpu.memory_space<vmem>>)
    %dma_start3A_13 = arith.constant 0 : i32
    %dma_start3A_14 = arith.constant 0 : i32
    %dma_start3A_15 = tpu.memref_slice %arg2[%dma_start3A_13, %dma_start3A_14] : memref<10000x128xf32, #tpu.memory_space<hbm>> -> memref<10000x128xf32, #tpu.memory_space<hbm>>
    tpu.enqueue_indirect_dma source(%dma_start3A_15 : memref<10000x128xf32, #tpu.memory_space<hbm>>) target(%arg11 : memref<120x128xf32, #tpu.memory_space<vmem>>) offsets(%arg7 : memref<120xi32, #tpu.memory_space<vmem>>) semaphore(%arg17 : memref<!tpu.dma_semaphore, #tpu.memory_space<semaphore_mem>>)
    %dma_start3A_16 = arith.constant 0 : i32
    %dma_start3A_17 = arith.constant 0 : i32
    %dma_start3A_18 = tpu.memref_slice %arg3[%dma_start3A_16, %dma_start3A_17] : memref<10000x128xf32, #tpu.memory_space<hbm>> -> memref<10000x128xf32, #tpu.memory_space<hbm>>
    tpu.enqueue_indirect_dma source(%dma_start3A_18 : memref<10000x128xf32, #tpu.memory_space<hbm>>) target(%arg13 : memref<120x128xf32, #tpu.memory_space<vmem>>) offsets(%arg9 : memref<120xi32, #tpu.memory_space<vmem>>) semaphore(%arg17 : memref<!tpu.dma_semaphore, #tpu.memory_space<semaphore_mem>>)
    %add3A_19 = arith.constant 120 : i32
    %add3A_20 = arith.addi %mul3A_2, %add3A_19 : i32
    %dma_start3A_21 = tpu.memref_slice %arg4[%add3A_20] : memref<115200xi32, #tpu.memory_space<hbm>> -> memref<120xi32, #tpu.memory_space<hbm>>
    %dma_start3A_22 = tpu.memref_slice %arg4[%add3A_20] : memref<115200xi32, #tpu.memory_space<hbm>> -> memref<120xi32, #tpu.memory_space<hbm>>
    tpu.enqueue_dma source(%dma_start3A_22 : memref<120xi32, #tpu.memory_space<hbm>>) target(%arg8 : memref<120xi32, #tpu.memory_space<vmem>>) target_semaphore(%arg16 : memref<!tpu.dma_semaphore, #tpu.memory_space<semaphore_mem>>)
    %dma_start3A_23 = tpu.memref_slice %arg5[%add3A_20] : memref<115200xi32, #tpu.memory_space<hbm>> -> memref<120xi32, #tpu.memory_space<hbm>>
    %dma_start3A_24 = tpu.memref_slice %arg5[%add3A_20] : memref<115200xi32, #tpu.memory_space<hbm>> -> memref<120xi32, #tpu.memory_space<hbm>>
    tpu.enqueue_dma source(%dma_start3A_24 : memref<120xi32, #tpu.memory_space<hbm>>) target(%arg10 : memref<120xi32, #tpu.memory_space<vmem>>) target_semaphore(%arg16 : memref<!tpu.dma_semaphore, #tpu.memory_space<semaphore_mem>>)
    %scan3A = arith.constant 0 : i32
    %scan3A_25 = arith.constant 0 : i32
    %scan3A_26 = arith.constant 30 : i32
    %scan3A_27 = arith.addi %scan3A_25, %scan3A_26 : i32
    %scan3A_28 = arith.constant 1 : i32
    scf.for %scan3A_42 = %scan3A_25 to %scan3A_27 step %scan3A_28  : i32 {
      %mul3A_43 = arith.constant 120 : i32
      %mul3A_44 = arith.muli %scan3A_42, %mul3A_43 : i32
      %add3A_45 = arith.addi %mul3A_2, %mul3A_44 : i32
      %and3A = arith.constant 1 : i32
      %and3A_46 = arith.andi %scan3A_42, %and3A : i32
      %eq3A = arith.constant 0 : i32
      %eq3A_47 = arith.cmpi eq, %and3A_46, %eq3A : i32
      %convert_element_type3A = arith.extui %eq3A_47 : i1 to i32
      %cond3A = arith.constant 0 : i32
      %cond3A_48 = arith.cmpi ne, %convert_element_type3A, %cond3A : i32
      scf.if %cond3A_48 {
        %add3A_56 = arith.constant 1 : i32
        %add3A_57 = arith.addi %scan3A_42, %add3A_56 : i32
        %lt3A = arith.constant 30 : i32
        %lt3A_58 = arith.cmpi slt, %add3A_57, %lt3A : i32
        %convert_element_type3A_59 = arith.extui %lt3A_58 : i1 to i32
        %cond3A_60 = arith.constant 0 : i32
        %cond3A_61 = arith.cmpi ne, %convert_element_type3A_59, %cond3A_60 : i32
        scf.if %cond3A_61 {
          %dma_wait3A_85 = arith.constant 0 : i32
          %dma_wait3A_86 = tpu.memref_slice %arg4[%dma_wait3A_85] : memref<115200xi32, #tpu.memory_space<hbm>> -> memref<120xi32, #tpu.memory_space<hbm>>
          %dma_wait3A_87 = arith.constant 0 : i32
          %dma_wait3A_88 = tpu.memref_slice %arg4[%dma_wait3A_87] : memref<115200xi32, #tpu.memory_space<hbm>> -> memref<120xi32, #tpu.memory_space<hbm>>
          tpu.wait_dma2 semaphore(%arg16 : memref<!tpu.dma_semaphore, #tpu.memory_space<semaphore_mem>>) src(%dma_wait3A_88 : memref<120xi32, #tpu.memory_space<hbm>>) dst(%arg8 : memref<120xi32, #tpu.memory_space<vmem>>)
          %dma_wait3A_89 = arith.constant 0 : i32
          %dma_wait3A_90 = tpu.memref_slice %arg5[%dma_wait3A_89] : memref<115200xi32, #tpu.memory_space<hbm>> -> memref<120xi32, #tpu.memory_space<hbm>>
          %dma_wait3A_91 = arith.constant 0 : i32
          %dma_wait3A_92 = tpu.memref_slice %arg5[%dma_wait3A_91] : memref<115200xi32, #tpu.memory_space<hbm>> -> memref<120xi32, #tpu.memory_space<hbm>>
          tpu.wait_dma2 semaphore(%arg16 : memref<!tpu.dma_semaphore, #tpu.memory_space<semaphore_mem>>) src(%dma_wait3A_92 : memref<120xi32, #tpu.memory_space<hbm>>) dst(%arg10 : memref<120xi32, #tpu.memory_space<vmem>>)
          %ge3A = arith.constant 1 : i32
          %ge3A_93 = arith.cmpi sge, %scan3A_42, %ge3A : i32
          %convert_element_type3A_94 = arith.extui %ge3A_93 : i1 to i32
          %cond3A_95 = arith.constant 0 : i32
          %cond3A_96 = arith.cmpi ne, %convert_element_type3A_94, %cond3A_95 : i32
          scf.if %cond3A_96 {
            %dma_wait3A_103 = arith.constant 0 : i32
            %dma_wait3A_104 = arith.constant 0 : i32
            %dma_wait3A_105 = tpu.memref_slice %arg6[%dma_wait3A_103, %dma_wait3A_104] : memref<115200x128xf32, #tpu.memory_space<hbm>> -> memref<120x128xf32, #tpu.memory_space<hbm>>
            %dma_wait3A_106 = arith.constant 0 : i32
            %dma_wait3A_107 = arith.constant 0 : i32
            %dma_wait3A_108 = tpu.memref_slice %arg6[%dma_wait3A_106, %dma_wait3A_107] : memref<115200x128xf32, #tpu.memory_space<hbm>> -> memref<120x128xf32, #tpu.memory_space<hbm>>
            tpu.wait_dma2 semaphore(%arg20 : memref<!tpu.dma_semaphore, #tpu.memory_space<semaphore_mem>>) src(%arg12 : memref<120x128xf32, #tpu.memory_space<vmem>>) dst(%dma_wait3A_108 : memref<120x128xf32, #tpu.memory_space<hbm>>)
          } else {
          }
          %dma_start3A_97 = arith.constant 0 : i32
          %dma_start3A_98 = arith.constant 0 : i32
          %dma_start3A_99 = tpu.memref_slice %arg2[%dma_start3A_97, %dma_start3A_98] : memref<10000x128xf32, #tpu.memory_space<hbm>> -> memref<10000x128xf32, #tpu.memory_space<hbm>>
          tpu.enqueue_indirect_dma source(%dma_start3A_99 : memref<10000x128xf32, #tpu.memory_space<hbm>>) target(%arg12 : memref<120x128xf32, #tpu.memory_space<vmem>>) offsets(%arg8 : memref<120xi32, #tpu.memory_space<vmem>>) semaphore(%arg18 : memref<!tpu.dma_semaphore, #tpu.memory_space<semaphore_mem>>)
          %dma_start3A_100 = arith.constant 0 : i32
          %dma_start3A_101 = arith.constant 0 : i32
          %dma_start3A_102 = tpu.memref_slice %arg3[%dma_start3A_100, %dma_start3A_101] : memref<10000x128xf32, #tpu.memory_space<hbm>> -> memref<10000x128xf32, #tpu.memory_space<hbm>>
          tpu.enqueue_indirect_dma source(%dma_start3A_102 : memref<10000x128xf32, #tpu.memory_space<hbm>>) target(%arg14 : memref<120x128xf32, #tpu.memory_space<vmem>>) offsets(%arg10 : memref<120xi32, #tpu.memory_space<vmem>>) semaphore(%arg18 : memref<!tpu.dma_semaphore, #tpu.memory_space<semaphore_mem>>)
        } else {
        }
        %dma_wait3A_62 = arith.constant 0 : i32
        %dma_wait3A_63 = arith.constant 0 : i32
        %dma_wait3A_64 = tpu.memref_slice %arg2[%dma_wait3A_62, %dma_wait3A_63] : memref<10000x128xf32, #tpu.memory_space<hbm>> -> memref<10000x128xf32, #tpu.memory_space<hbm>>
        tpu.wait_indirect_dma semaphore(%arg17 : memref<!tpu.dma_semaphore, #tpu.memory_space<semaphore_mem>>) src(%dma_wait3A_64 : memref<10000x128xf32, #tpu.memory_space<hbm>>) dst(%arg11 : memref<120x128xf32, #tpu.memory_space<vmem>>)
        %dma_wait3A_65 = arith.constant 0 : i32
        %dma_wait3A_66 = arith.constant 0 : i32
        %dma_wait3A_67 = tpu.memref_slice %arg3[%dma_wait3A_65, %dma_wait3A_66] : memref<10000x128xf32, #tpu.memory_space<hbm>> -> memref<10000x128xf32, #tpu.memory_space<hbm>>
        tpu.wait_indirect_dma semaphore(%arg17 : memref<!tpu.dma_semaphore, #tpu.memory_space<semaphore_mem>>) src(%dma_wait3A_67 : memref<10000x128xf32, #tpu.memory_space<hbm>>) dst(%arg13 : memref<120x128xf32, #tpu.memory_space<vmem>>)
        %scan3A_68 = arith.constant 0 : i32
        %scan3A_69 = arith.constant 0 : i32
        %scan3A_70 = arith.constant 120 : i32
        %scan3A_71 = arith.addi %scan3A_69, %scan3A_70 : i32
        %scan3A_72 = arith.constant 1 : i32
        scf.for %scan3A_85 = %scan3A_69 to %scan3A_71 step %scan3A_72  : i32 {
          %get3A = arith.index_cast %scan3A_85 : i32 to index
          %get3A_86 = arith.constant 0 : index
          %get3A_87 = tpu.vector_load %arg11[%get3A, %get3A_86] {strides = array<i32>} : memref<120x128xf32, #tpu.memory_space<vmem>>, vector<1x16xf32>,
          %get3A_88 = vector.shape_cast %get3A_87 : vector<1x16xf32> to vector<16xf32>
          %get3A_89 = arith.index_cast %scan3A_85 : i32 to index
          %get3A_90 = arith.constant 0 : index
          %get3A_91 = tpu.vector_load %arg13[%get3A_89, %get3A_90] {strides = array<i32>} : memref<120x128xf32, #tpu.memory_space<vmem>>, vector<1x16xf32>,
          %get3A_92 = vector.shape_cast %get3A_91 : vector<1x16xf32> to vector<16xf32>
          %add3A_93 = arith.addf %get3A_88, %get3A_92 : vector<16xf32>
          %swap3A = arith.index_cast %scan3A_85 : i32 to index
          %swap3A_94 = arith.constant 0 : index
          %swap3A_95 = tpu.vector_load %arg11[%swap3A, %swap3A_94] {strides = array<i32>} : memref<120x128xf32, #tpu.memory_space<vmem>>, vector<1x16xf32>,
          %swap3A_96 = vector.shape_cast %swap3A_95 : vector<1x16xf32> to vector<16xf32>
          %swap3A_97 = vector.shape_cast %add3A_93 : vector<16xf32> to vector<1x16xf32>
          tpu.vector_store %arg11[%swap3A, %swap3A_94], %swap3A_97 {strides = array<i32>} : memref<120x128xf32, #tpu.memory_space<vmem>>, vector<1x16xf32>,
          %get3A_98 = arith.index_cast %scan3A_85 : i32 to index
          %get3A_99 = arith.constant 16 : index
          %get3A_100 = tpu.vector_load %arg11[%get3A_98, %get3A_99] {strides = array<i32>} : memref<120x128xf32, #tpu.memory_space<vmem>>, vector<1x16xf32>,
          %get3A_101 = vector.shape_cast %get3A_100 : vector<1x16xf32> to vector<16xf32>
          %get3A_102 = arith.index_cast %scan3A_85 : i32 to index
          %get3A_103 = arith.constant 16 : index
          %get3A_104 = tpu.vector_load %arg13[%get3A_102, %get3A_103] {strides = array<i32>} : memref<120x128xf32, #tpu.memory_space<vmem>>, vector<1x16xf32>,
          %get3A_105 = vector.shape_cast %get3A_104 : vector<1x16xf32> to vector<16xf32>
          %add3A_106 = arith.addf %get3A_101, %get3A_105 : vector<16xf32>
          %swap3A_107 = arith.index_cast %scan3A_85 : i32 to index
          %swap3A_108 = arith.constant 16 : index
          %swap3A_109 = tpu.vector_load %arg11[%swap3A_107, %swap3A_108] {strides = array<i32>} : memref<120x128xf32, #tpu.memory_space<vmem>>, vector<1x16xf32>,
          %swap3A_110 = vector.shape_cast %swap3A_109 : vector<1x16xf32> to vector<16xf32>
          %swap3A_111 = vector.shape_cast %add3A_106 : vector<16xf32> to vector<1x16xf32>
          tpu.vector_store %arg11[%swap3A_107, %swap3A_108], %swap3A_111 {strides = array<i32>} : memref<120x128xf32, #tpu.memory_space<vmem>>, vector<1x16xf32>,
          %get3A_112 = arith.index_cast %scan3A_85 : i32 to index
          %get3A_113 = arith.constant 32 : index
          %get3A_114 = tpu.vector_load %arg11[%get3A_112, %get3A_113] {strides = array<i32>} : memref<120x128xf32, #tpu.memory_space<vmem>>, vector<1x16xf32>,
          %get3A_115 = vector.shape_cast %get3A_114 : vector<1x16xf32> to vector<16xf32>
          %get3A_116 = arith.index_cast %scan3A_85 : i32 to index
          %get3A_117 = arith.constant 32 : index
          %get3A_118 = tpu.vector_load %arg13[%get3A_116, %get3A_117] {strides = array<i32>} : memref<120x128xf32, #tpu.memory_space<vmem>>, vector<1x16xf32>,
          %get3A_119 = vector.shape_cast %get3A_118 : vector<1x16xf32> to vector<16xf32>
          %add3A_120 = arith.addf %get3A_115, %get3A_119 : vector<16xf32>
          %swap3A_121 = arith.index_cast %scan3A_85 : i32 to index
          %swap3A_122 = arith.constant 32 : index
          %swap3A_123 = tpu.vector_load %arg11[%swap3A_121, %swap3A_122] {strides = array<i32>} : memref<120x128xf32, #tpu.memory_space<vmem>>, vector<1x16xf32>,
          %swap3A_124 = vector.shape_cast %swap3A_123 : vector<1x16xf32> to vector<16xf32>
          %swap3A_125 = vector.shape_cast %add3A_120 : vector<16xf32> to vector<1x16xf32>
          tpu.vector_store %arg11[%swap3A_121, %swap3A_122], %swap3A_125 {strides = array<i32>} : memref<120x128xf32, #tpu.memory_space<vmem>>, vector<1x16xf32>,
          %get3A_126 = arith.index_cast %scan3A_85 : i32 to index
          %get3A_127 = arith.constant 48 : index
          %get3A_128 = tpu.vector_load %arg11[%get3A_126, %get3A_127] {strides = array<i32>} : memref<120x128xf32, #tpu.memory_space<vmem>>, vector<1x16xf32>,
          %get3A_129 = vector.shape_cast %get3A_128 : vector<1x16xf32> to vector<16xf32>
          %get3A_130 = arith.index_cast %scan3A_85 : i32 to index
          %get3A_131 = arith.constant 48 : index
          %get3A_132 = tpu.vector_load %arg13[%get3A_130, %get3A_131] {strides = array<i32>} : memref<120x128xf32, #tpu.memory_space<vmem>>, vector<1x16xf32>,
          %get3A_133 = vector.shape_cast %get3A_132 : vector<1x16xf32> to vector<16xf32>
          %add3A_134 = arith.addf %get3A_129, %get3A_133 : vector<16xf32>
          %swap3A_135 = arith.index_cast %scan3A_85 : i32 to index
          %swap3A_136 = arith.constant 48 : index
          %swap3A_137 = tpu.vector_load %arg11[%swap3A_135, %swap3A_136] {strides = array<i32>} : memref<120x128xf32, #tpu.memory_space<vmem>>, vector<1x16xf32>,
          %swap3A_138 = vector.shape_cast %swap3A_137 : vector<1x16xf32> to vector<16xf32>
          %swap3A_139 = vector.shape_cast %add3A_134 : vector<16xf32> to vector<1x16xf32>
          tpu.vector_store %arg11[%swap3A_135, %swap3A_136], %swap3A_139 {strides = array<i32>} : memref<120x128xf32, #tpu.memory_space<vmem>>, vector<1x16xf32>,
          %get3A_140 = arith.index_cast %scan3A_85 : i32 to index
          %get3A_141 = arith.constant 64 : index
          %get3A_142 = tpu.vector_load %arg11[%get3A_140, %get3A_141] {strides = array<i32>} : memref<120x128xf32, #tpu.memory_space<vmem>>, vector<1x16xf32>,
          %get3A_143 = vector.shape_cast %get3A_142 : vector<1x16xf32> to vector<16xf32>
          %get3A_144 = arith.index_cast %scan3A_85 : i32 to index
          %get3A_145 = arith.constant 64 : index
          %get3A_146 = tpu.vector_load %arg13[%get3A_144, %get3A_145] {strides = array<i32>} : memref<120x128xf32, #tpu.memory_space<vmem>>, vector<1x16xf32>,
          %get3A_147 = vector.shape_cast %get3A_146 : vector<1x16xf32> to vector<16xf32>
          %add3A_148 = arith.addf %get3A_143, %get3A_147 : vector<16xf32>
          %swap3A_149 = arith.index_cast %scan3A_85 : i32 to index
          %swap3A_150 = arith.constant 64 : index
          %swap3A_151 = tpu.vector_load %arg11[%swap3A_149, %swap3A_150] {strides = array<i32>} : memref<120x128xf32, #tpu.memory_space<vmem>>, vector<1x16xf32>,
          %swap3A_152 = vector.shape_cast %swap3A_151 : vector<1x16xf32> to vector<16xf32>
          %swap3A_153 = vector.shape_cast %add3A_148 : vector<16xf32> to vector<1x16xf32>
          tpu.vector_store %arg11[%swap3A_149, %swap3A_150], %swap3A_153 {strides = array<i32>} : memref<120x128xf32, #tpu.memory_space<vmem>>, vector<1x16xf32>,
          %get3A_154 = arith.index_cast %scan3A_85 : i32 to index
          %get3A_155 = arith.constant 80 : index
          %get3A_156 = tpu.vector_load %arg11[%get3A_154, %get3A_155] {strides = array<i32>} : memref<120x128xf32, #tpu.memory_space<vmem>>, vector<1x16xf32>,
          %get3A_157 = vector.shape_cast %get3A_156 : vector<1x16xf32> to vector<16xf32>
          %get3A_158 = arith.index_cast %scan3A_85 : i32 to index
          %get3A_159 = arith.constant 80 : index
          %get3A_160 = tpu.vector_load %arg13[%get3A_158, %get3A_159] {strides = array<i32>} : memref<120x128xf32, #tpu.memory_space<vmem>>, vector<1x16xf32>,
          %get3A_161 = vector.shape_cast %get3A_160 : vector<1x16xf32> to vector<16xf32>
          %add3A_162 = arith.addf %get3A_157, %get3A_161 : vector<16xf32>
          %swap3A_163 = arith.index_cast %scan3A_85 : i32 to index
          %swap3A_164 = arith.constant 80 : index
          %swap3A_165 = tpu.vector_load %arg11[%swap3A_163, %swap3A_164] {strides = array<i32>} : memref<120x128xf32, #tpu.memory_space<vmem>>, vector<1x16xf32>,
          %swap3A_166 = vector.shape_cast %swap3A_165 : vector<1x16xf32> to vector<16xf32>
          %swap3A_167 = vector.shape_cast %add3A_162 : vector<16xf32> to vector<1x16xf32>
          tpu.vector_store %arg11[%swap3A_163, %swap3A_164], %swap3A_167 {strides = array<i32>} : memref<120x128xf32, #tpu.memory_space<vmem>>, vector<1x16xf32>,
          %get3A_168 = arith.index_cast %scan3A_85 : i32 to index
          %get3A_169 = arith.constant 96 : index
          %get3A_170 = tpu.vector_load %arg11[%get3A_168, %get3A_169] {strides = array<i32>} : memref<120x128xf32, #tpu.memory_space<vmem>>, vector<1x16xf32>,
          %get3A_171 = vector.shape_cast %get3A_170 : vector<1x16xf32> to vector<16xf32>
          %get3A_172 = arith.index_cast %scan3A_85 : i32 to index
          %get3A_173 = arith.constant 96 : index
          %get3A_174 = tpu.vector_load %arg13[%get3A_172, %get3A_173] {strides = array<i32>} : memref<120x128xf32, #tpu.memory_space<vmem>>, vector<1x16xf32>,
          %get3A_175 = vector.shape_cast %get3A_174 : vector<1x16xf32> to vector<16xf32>
          %add3A_176 = arith.addf %get3A_171, %get3A_175 : vector<16xf32>
          %swap3A_177 = arith.index_cast %scan3A_85 : i32 to index
          %swap3A_178 = arith.constant 96 : index
          %swap3A_179 = tpu.vector_load %arg11[%swap3A_177, %swap3A_178] {strides = array<i32>} : memref<120x128xf32, #tpu.memory_space<vmem>>, vector<1x16xf32>,
          %swap3A_180 = vector.shape_cast %swap3A_179 : vector<1x16xf32> to vector<16xf32>
          %swap3A_181 = vector.shape_cast %add3A_176 : vector<16xf32> to vector<1x16xf32>
          tpu.vector_store %arg11[%swap3A_177, %swap3A_178], %swap3A_181 {strides = array<i32>} : memref<120x128xf32, #tpu.memory_space<vmem>>, vector<1x16xf32>,
          %get3A_182 = arith.index_cast %scan3A_85 : i32 to index
          %get3A_183 = arith.constant 112 : index
          %get3A_184 = tpu.vector_load %arg11[%get3A_182, %get3A_183] {strides = array<i32>} : memref<120x128xf32, #tpu.memory_space<vmem>>, vector<1x16xf32>,
          %get3A_185 = vector.shape_cast %get3A_184 : vector<1x16xf32> to vector<16xf32>
          %get3A_186 = arith.index_cast %scan3A_85 : i32 to index
          %get3A_187 = arith.constant 112 : index
          %get3A_188 = tpu.vector_load %arg13[%get3A_186, %get3A_187] {strides = array<i32>} : memref<120x128xf32, #tpu.memory_space<vmem>>, vector<1x16xf32>,
          %get3A_189 = vector.shape_cast %get3A_188 : vector<1x16xf32> to vector<16xf32>
          %add3A_190 = arith.addf %get3A_185, %get3A_189 : vector<16xf32>
          %swap3A_191 = arith.index_cast %scan3A_85 : i32 to index
          %swap3A_192 = arith.constant 112 : index
          %swap3A_193 = tpu.vector_load %arg11[%swap3A_191, %swap3A_192] {strides = array<i32>} : memref<120x128xf32, #tpu.memory_space<vmem>>, vector<1x16xf32>,
          %swap3A_194 = vector.shape_cast %swap3A_193 : vector<1x16xf32> to vector<16xf32>
          %swap3A_195 = vector.shape_cast %add3A_190 : vector<16xf32> to vector<1x16xf32>
          tpu.vector_store %arg11[%swap3A_191, %swap3A_192], %swap3A_195 {strides = array<i32>} : memref<120x128xf32, #tpu.memory_space<vmem>>, vector<1x16xf32>,
        }
        %scan3A_73 = arith.constant 120 : i32
        %dma_start3A_74 = arith.constant 0 : i32
        %dma_start3A_75 = tpu.memref_slice %arg6[%add3A_45, %dma_start3A_74] : memref<115200x128xf32, #tpu.memory_space<hbm>> -> memref<120x128xf32, #tpu.memory_space<hbm>>
        %dma_start3A_76 = arith.constant 0 : i32
        %dma_start3A_77 = tpu.memref_slice %arg6[%add3A_45, %dma_start3A_76] : memref<115200x128xf32, #tpu.memory_space<hbm>> -> memref<120x128xf32, #tpu.memory_space<hbm>>
        tpu.enqueue_dma source(%arg11 : memref<120x128xf32, #tpu.memory_space<vmem>>) target(%dma_start3A_77 : memref<120x128xf32, #tpu.memory_space<hbm>>) target_semaphore(%arg19 : memref<!tpu.dma_semaphore, #tpu.memory_space<semaphore_mem>>)
        %add3A_78 = arith.constant 2 : i32
        %add3A_79 = arith.addi %scan3A_42, %add3A_78 : i32
        %lt3A_80 = arith.constant 30 : i32
        %lt3A_81 = arith.cmpi slt, %add3A_79, %lt3A_80 : i32
        %convert_element_type3A_82 = arith.extui %lt3A_81 : i1 to i32
        %cond3A_83 = arith.constant 0 : i32
        %cond3A_84 = arith.cmpi ne, %convert_element_type3A_82, %cond3A_83 : i32
        scf.if %cond3A_84 {
          %add3A_85 = arith.constant 240 : i32
          %add3A_86 = arith.addi %add3A_45, %add3A_85 : i32
          %dma_start3A_87 = tpu.memref_slice %arg4[%add3A_86] : memref<115200xi32, #tpu.memory_space<hbm>> -> memref<120xi32, #tpu.memory_space<hbm>>
          %dma_start3A_88 = tpu.memref_slice %arg4[%add3A_86] : memref<115200xi32, #tpu.memory_space<hbm>> -> memref<120xi32, #tpu.memory_space<hbm>>
          tpu.enqueue_dma source(%dma_start3A_88 : memref<120xi32, #tpu.memory_space<hbm>>) target(%arg7 : memref<120xi32, #tpu.memory_space<vmem>>) target_semaphore(%arg15 : memref<!tpu.dma_semaphore, #tpu.memory_space<semaphore_mem>>)
          %dma_start3A_89 = tpu.memref_slice %arg5[%add3A_86] : memref<115200xi32, #tpu.memory_space<hbm>> -> memref<120xi32, #tpu.memory_space<hbm>>
          %dma_start3A_90 = tpu.memref_slice %arg5[%add3A_86] : memref<115200xi32, #tpu.memory_space<hbm>> -> memref<120xi32, #tpu.memory_space<hbm>>
          tpu.enqueue_dma source(%dma_start3A_90 : memref<120xi32, #tpu.memory_space<hbm>>) target(%arg9 : memref<120xi32, #tpu.memory_space<vmem>>) target_semaphore(%arg15 : memref<!tpu.dma_semaphore, #tpu.memory_space<semaphore_mem>>)
        } else {
        }
      } else {
      }
      %and3A_49 = arith.constant 1 : i32
      %and3A_50 = arith.andi %scan3A_42, %and3A_49 : i32
      %eq3A_51 = arith.constant 1 : i32
      %eq3A_52 = arith.cmpi eq, %and3A_50, %eq3A_51 : i32
      %convert_element_type3A_53 = arith.extui %eq3A_52 : i1 to i32
      %cond3A_54 = arith.constant 0 : i32
      %cond3A_55 = arith.cmpi ne, %convert_element_type3A_53, %cond3A_54 : i32
      scf.if %cond3A_55 {
        %add3A_56 = arith.constant 1 : i32
        %add3A_57 = arith.addi %scan3A_42, %add3A_56 : i32
        %lt3A = arith.constant 30 : i32
        %lt3A_58 = arith.cmpi slt, %add3A_57, %lt3A : i32
        %convert_element_type3A_59 = arith.extui %lt3A_58 : i1 to i32
        %cond3A_60 = arith.constant 0 : i32
        %cond3A_61 = arith.cmpi ne, %convert_element_type3A_59, %cond3A_60 : i32
        scf.if %cond3A_61 {
          %dma_wait3A_85 = arith.constant 0 : i32
          %dma_wait3A_86 = tpu.memref_slice %arg4[%dma_wait3A_85] : memref<115200xi32, #tpu.memory_space<hbm>> -> memref<120xi32, #tpu.memory_space<hbm>>
          %dma_wait3A_87 = arith.constant 0 : i32
          %dma_wait3A_88 = tpu.memref_slice %arg4[%dma_wait3A_87] : memref<115200xi32, #tpu.memory_space<hbm>> -> memref<120xi32, #tpu.memory_space<hbm>>
          tpu.wait_dma2 semaphore(%arg15 : memref<!tpu.dma_semaphore, #tpu.memory_space<semaphore_mem>>) src(%dma_wait3A_88 : memref<120xi32, #tpu.memory_space<hbm>>) dst(%arg7 : memref<120xi32, #tpu.memory_space<vmem>>)
          %dma_wait3A_89 = arith.constant 0 : i32
          %dma_wait3A_90 = tpu.memref_slice %arg5[%dma_wait3A_89] : memref<115200xi32, #tpu.memory_space<hbm>> -> memref<120xi32, #tpu.memory_space<hbm>>
          %dma_wait3A_91 = arith.constant 0 : i32
          %dma_wait3A_92 = tpu.memref_slice %arg5[%dma_wait3A_91] : memref<115200xi32, #tpu.memory_space<hbm>> -> memref<120xi32, #tpu.memory_space<hbm>>
          tpu.wait_dma2 semaphore(%arg15 : memref<!tpu.dma_semaphore, #tpu.memory_space<semaphore_mem>>) src(%dma_wait3A_92 : memref<120xi32, #tpu.memory_space<hbm>>) dst(%arg9 : memref<120xi32, #tpu.memory_space<vmem>>)
          %ge3A = arith.constant 1 : i32
          %ge3A_93 = arith.cmpi sge, %scan3A_42, %ge3A : i32
          %convert_element_type3A_94 = arith.extui %ge3A_93 : i1 to i32
          %cond3A_95 = arith.constant 0 : i32
          %cond3A_96 = arith.cmpi ne, %convert_element_type3A_94, %cond3A_95 : i32
          scf.if %cond3A_96 {
            %dma_wait3A_103 = arith.constant 0 : i32
            %dma_wait3A_104 = arith.constant 0 : i32
            %dma_wait3A_105 = tpu.memref_slice %arg6[%dma_wait3A_103, %dma_wait3A_104] : memref<115200x128xf32, #tpu.memory_space<hbm>> -> memref<120x128xf32, #tpu.memory_space<hbm>>
            %dma_wait3A_106 = arith.constant 0 : i32
            %dma_wait3A_107 = arith.constant 0 : i32
            %dma_wait3A_108 = tpu.memref_slice %arg6[%dma_wait3A_106, %dma_wait3A_107] : memref<115200x128xf32, #tpu.memory_space<hbm>> -> memref<120x128xf32, #tpu.memory_space<hbm>>
            tpu.wait_dma2 semaphore(%arg19 : memref<!tpu.dma_semaphore, #tpu.memory_space<semaphore_mem>>) src(%arg11 : memref<120x128xf32, #tpu.memory_space<vmem>>) dst(%dma_wait3A_108 : memref<120x128xf32, #tpu.memory_space<hbm>>)
          } else {
          }
          %dma_start3A_97 = arith.constant 0 : i32
          %dma_start3A_98 = arith.constant 0 : i32
          %dma_start3A_99 = tpu.memref_slice %arg2[%dma_start3A_97, %dma_start3A_98] : memref<10000x128xf32, #tpu.memory_space<hbm>> -> memref<10000x128xf32, #tpu.memory_space<hbm>>
          tpu.enqueue_indirect_dma source(%dma_start3A_99 : memref<10000x128xf32, #tpu.memory_space<hbm>>) target(%arg11 : memref<120x128xf32, #tpu.memory_space<vmem>>) offsets(%arg7 : memref<120xi32, #tpu.memory_space<vmem>>) semaphore(%arg17 : memref<!tpu.dma_semaphore, #tpu.memory_space<semaphore_mem>>)
          %dma_start3A_100 = arith.constant 0 : i32
          %dma_start3A_101 = arith.constant 0 : i32
          %dma_start3A_102 = tpu.memref_slice %arg3[%dma_start3A_100, %dma_start3A_101] : memref<10000x128xf32, #tpu.memory_space<hbm>> -> memref<10000x128xf32, #tpu.memory_space<hbm>>
          tpu.enqueue_indirect_dma source(%dma_start3A_102 : memref<10000x128xf32, #tpu.memory_space<hbm>>) target(%arg13 : memref<120x128xf32, #tpu.memory_space<vmem>>) offsets(%arg9 : memref<120xi32, #tpu.memory_space<vmem>>) semaphore(%arg17 : memref<!tpu.dma_semaphore, #tpu.memory_space<semaphore_mem>>)
        } else {
        }
        %dma_wait3A_62 = arith.constant 0 : i32
        %dma_wait3A_63 = arith.constant 0 : i32
        %dma_wait3A_64 = tpu.memref_slice %arg2[%dma_wait3A_62, %dma_wait3A_63] : memref<10000x128xf32, #tpu.memory_space<hbm>> -> memref<10000x128xf32, #tpu.memory_space<hbm>>
        tpu.wait_indirect_dma semaphore(%arg18 : memref<!tpu.dma_semaphore, #tpu.memory_space<semaphore_mem>>) src(%dma_wait3A_64 : memref<10000x128xf32, #tpu.memory_space<hbm>>) dst(%arg12 : memref<120x128xf32, #tpu.memory_space<vmem>>)
        %dma_wait3A_65 = arith.constant 0 : i32
        %dma_wait3A_66 = arith.constant 0 : i32
        %dma_wait3A_67 = tpu.memref_slice %arg3[%dma_wait3A_65, %dma_wait3A_66] : memref<10000x128xf32, #tpu.memory_space<hbm>> -> memref<10000x128xf32, #tpu.memory_space<hbm>>
        tpu.wait_indirect_dma semaphore(%arg18 : memref<!tpu.dma_semaphore, #tpu.memory_space<semaphore_mem>>) src(%dma_wait3A_67 : memref<10000x128xf32, #tpu.memory_space<hbm>>) dst(%arg14 : memref<120x128xf32, #tpu.memory_space<vmem>>)
        %scan3A_68 = arith.constant 0 : i32
        %scan3A_69 = arith.constant 0 : i32
        %scan3A_70 = arith.constant 120 : i32
        %scan3A_71 = arith.addi %scan3A_69, %scan3A_70 : i32
        %scan3A_72 = arith.constant 1 : i32
        scf.for %scan3A_85 = %scan3A_69 to %scan3A_71 step %scan3A_72  : i32 {
          %get3A = arith.index_cast %scan3A_85 : i32 to index
          %get3A_86 = arith.constant 0 : index
          %get3A_87 = tpu.vector_load %arg12[%get3A, %get3A_86] {strides = array<i32>} : memref<120x128xf32, #tpu.memory_space<vmem>>, vector<1x16xf32>,
          %get3A_88 = vector.shape_cast %get3A_87 : vector<1x16xf32> to vector<16xf32>
          %get3A_89 = arith.index_cast %scan3A_85 : i32 to index
          %get3A_90 = arith.constant 0 : index
          %get3A_91 = tpu.vector_load %arg14[%get3A_89, %get3A_90] {strides = array<i32>} : memref<120x128xf32, #tpu.memory_space<vmem>>, vector<1x16xf32>,
          %get3A_92 = vector.shape_cast %get3A_91 : vector<1x16xf32> to vector<16xf32>
          %add3A_93 = arith.addf %get3A_88, %get3A_92 : vector<16xf32>
          %swap3A = arith.index_cast %scan3A_85 : i32 to index
          %swap3A_94 = arith.constant 0 : index
          %swap3A_95 = tpu.vector_load %arg12[%swap3A, %swap3A_94] {strides = array<i32>} : memref<120x128xf32, #tpu.memory_space<vmem>>, vector<1x16xf32>,
          %swap3A_96 = vector.shape_cast %swap3A_95 : vector<1x16xf32> to vector<16xf32>
          %swap3A_97 = vector.shape_cast %add3A_93 : vector<16xf32> to vector<1x16xf32>
          tpu.vector_store %arg12[%swap3A, %swap3A_94], %swap3A_97 {strides = array<i32>} : memref<120x128xf32, #tpu.memory_space<vmem>>, vector<1x16xf32>,
          %get3A_98 = arith.index_cast %scan3A_85 : i32 to index
          %get3A_99 = arith.constant 16 : index
          %get3A_100 = tpu.vector_load %arg12[%get3A_98, %get3A_99] {strides = array<i32>} : memref<120x128xf32, #tpu.memory_space<vmem>>, vector<1x16xf32>,
          %get3A_101 = vector.shape_cast %get3A_100 : vector<1x16xf32> to vector<16xf32>
          %get3A_102 = arith.index_cast %scan3A_85 : i32 to index
          %get3A_103 = arith.constant 16 : index
          %get3A_104 = tpu.vector_load %arg14[%get3A_102, %get3A_103] {strides = array<i32>} : memref<120x128xf32, #tpu.memory_space<vmem>>, vector<1x16xf32>,
          %get3A_105 = vector.shape_cast %get3A_104 : vector<1x16xf32> to vector<16xf32>
          %add3A_106 = arith.addf %get3A_101, %get3A_105 : vector<16xf32>
          %swap3A_107 = arith.index_cast %scan3A_85 : i32 to index
          %swap3A_108 = arith.constant 16 : index
          %swap3A_109 = tpu.vector_load %arg12[%swap3A_107, %swap3A_108] {strides = array<i32>} : memref<120x128xf32, #tpu.memory_space<vmem>>, vector<1x16xf32>,
          %swap3A_110 = vector.shape_cast %swap3A_109 : vector<1x16xf32> to vector<16xf32>
          %swap3A_111 = vector.shape_cast %add3A_106 : vector<16xf32> to vector<1x16xf32>
          tpu.vector_store %arg12[%swap3A_107, %swap3A_108], %swap3A_111 {strides = array<i32>} : memref<120x128xf32, #tpu.memory_space<vmem>>, vector<1x16xf32>,
          %get3A_112 = arith.index_cast %scan3A_85 : i32 to index
          %get3A_113 = arith.constant 32 : index
          %get3A_114 = tpu.vector_load %arg12[%get3A_112, %get3A_113] {strides = array<i32>} : memref<120x128xf32, #tpu.memory_space<vmem>>, vector<1x16xf32>,
          %get3A_115 = vector.shape_cast %get3A_114 : vector<1x16xf32> to vector<16xf32>
          %get3A_116 = arith.index_cast %scan3A_85 : i32 to index
          %get3A_117 = arith.constant 32 : index
          %get3A_118 = tpu.vector_load %arg14[%get3A_116, %get3A_117] {strides = array<i32>} : memref<120x128xf32, #tpu.memory_space<vmem>>, vector<1x16xf32>,
          %get3A_119 = vector.shape_cast %get3A_118 : vector<1x16xf32> to vector<16xf32>
          %add3A_120 = arith.addf %get3A_115, %get3A_119 : vector<16xf32>
          %swap3A_121 = arith.index_cast %scan3A_85 : i32 to index
          %swap3A_122 = arith.constant 32 : index
          %swap3A_123 = tpu.vector_load %arg12[%swap3A_121, %swap3A_122] {strides = array<i32>} : memref<120x128xf32, #tpu.memory_space<vmem>>, vector<1x16xf32>,
          %swap3A_124 = vector.shape_cast %swap3A_123 : vector<1x16xf32> to vector<16xf32>
          %swap3A_125 = vector.shape_cast %add3A_120 : vector<16xf32> to vector<1x16xf32>
          tpu.vector_store %arg12[%swap3A_121, %swap3A_122], %swap3A_125 {strides = array<i32>} : memref<120x128xf32, #tpu.memory_space<vmem>>, vector<1x16xf32>,
          %get3A_126 = arith.index_cast %scan3A_85 : i32 to index
          %get3A_127 = arith.constant 48 : index
          %get3A_128 = tpu.vector_load %arg12[%get3A_126, %get3A_127] {strides = array<i32>} : memref<120x128xf32, #tpu.memory_space<vmem>>, vector<1x16xf32>,
          %get3A_129 = vector.shape_cast %get3A_128 : vector<1x16xf32> to vector<16xf32>
          %get3A_130 = arith.index_cast %scan3A_85 : i32 to index
          %get3A_131 = arith.constant 48 : index
          %get3A_132 = tpu.vector_load %arg14[%get3A_130, %get3A_131] {strides = array<i32>} : memref<120x128xf32, #tpu.memory_space<vmem>>, vector<1x16xf32>,
          %get3A_133 = vector.shape_cast %get3A_132 : vector<1x16xf32> to vector<16xf32>
          %add3A_134 = arith.addf %get3A_129, %get3A_133 : vector<16xf32>
          %swap3A_135 = arith.index_cast %scan3A_85 : i32 to index
          %swap3A_136 = arith.constant 48 : index
          %swap3A_137 = tpu.vector_load %arg12[%swap3A_135, %swap3A_136] {strides = array<i32>} : memref<120x128xf32, #tpu.memory_space<vmem>>, vector<1x16xf32>,
          %swap3A_138 = vector.shape_cast %swap3A_137 : vector<1x16xf32> to vector<16xf32>
          %swap3A_139 = vector.shape_cast %add3A_134 : vector<16xf32> to vector<1x16xf32>
          tpu.vector_store %arg12[%swap3A_135, %swap3A_136], %swap3A_139 {strides = array<i32>} : memref<120x128xf32, #tpu.memory_space<vmem>>, vector<1x16xf32>,
          %get3A_140 = arith.index_cast %scan3A_85 : i32 to index
          %get3A_141 = arith.constant 64 : index
          %get3A_142 = tpu.vector_load %arg12[%get3A_140, %get3A_141] {strides = array<i32>} : memref<120x128xf32, #tpu.memory_space<vmem>>, vector<1x16xf32>,
          %get3A_143 = vector.shape_cast %get3A_142 : vector<1x16xf32> to vector<16xf32>
          %get3A_144 = arith.index_cast %scan3A_85 : i32 to index
          %get3A_145 = arith.constant 64 : index
          %get3A_146 = tpu.vector_load %arg14[%get3A_144, %get3A_145] {strides = array<i32>} : memref<120x128xf32, #tpu.memory_space<vmem>>, vector<1x16xf32>,
          %get3A_147 = vector.shape_cast %get3A_146 : vector<1x16xf32> to vector<16xf32>
          %add3A_148 = arith.addf %get3A_143, %get3A_147 : vector<16xf32>
          %swap3A_149 = arith.index_cast %scan3A_85 : i32 to index
          %swap3A_150 = arith.constant 64 : index
          %swap3A_151 = tpu.vector_load %arg12[%swap3A_149, %swap3A_150] {strides = array<i32>} : memref<120x128xf32, #tpu.memory_space<vmem>>, vector<1x16xf32>,
          %swap3A_152 = vector.shape_cast %swap3A_151 : vector<1x16xf32> to vector<16xf32>
          %swap3A_153 = vector.shape_cast %add3A_148 : vector<16xf32> to vector<1x16xf32>
          tpu.vector_store %arg12[%swap3A_149, %swap3A_150], %swap3A_153 {strides = array<i32>} : memref<120x128xf32, #tpu.memory_space<vmem>>, vector<1x16xf32>,
          %get3A_154 = arith.index_cast %scan3A_85 : i32 to index
          %get3A_155 = arith.constant 80 : index
          %get3A_156 = tpu.vector_load %arg12[%get3A_154, %get3A_155] {strides = array<i32>} : memref<120x128xf32, #tpu.memory_space<vmem>>, vector<1x16xf32>,
          %get3A_157 = vector.shape_cast %get3A_156 : vector<1x16xf32> to vector<16xf32>
          %get3A_158 = arith.index_cast %scan3A_85 : i32 to index
          %get3A_159 = arith.constant 80 : index
          %get3A_160 = tpu.vector_load %arg14[%get3A_158, %get3A_159] {strides = array<i32>} : memref<120x128xf32, #tpu.memory_space<vmem>>, vector<1x16xf32>,
          %get3A_161 = vector.shape_cast %get3A_160 : vector<1x16xf32> to vector<16xf32>
          %add3A_162 = arith.addf %get3A_157, %get3A_161 : vector<16xf32>
          %swap3A_163 = arith.index_cast %scan3A_85 : i32 to index
          %swap3A_164 = arith.constant 80 : index
          %swap3A_165 = tpu.vector_load %arg12[%swap3A_163, %swap3A_164] {strides = array<i32>} : memref<120x128xf32, #tpu.memory_space<vmem>>, vector<1x16xf32>,
          %swap3A_166 = vector.shape_cast %swap3A_165 : vector<1x16xf32> to vector<16xf32>
          %swap3A_167 = vector.shape_cast %add3A_162 : vector<16xf32> to vector<1x16xf32>
          tpu.vector_store %arg12[%swap3A_163, %swap3A_164], %swap3A_167 {strides = array<i32>} : memref<120x128xf32, #tpu.memory_space<vmem>>, vector<1x16xf32>,
          %get3A_168 = arith.index_cast %scan3A_85 : i32 to index
          %get3A_169 = arith.constant 96 : index
          %get3A_170 = tpu.vector_load %arg12[%get3A_168, %get3A_169] {strides = array<i32>} : memref<120x128xf32, #tpu.memory_space<vmem>>, vector<1x16xf32>,
          %get3A_171 = vector.shape_cast %get3A_170 : vector<1x16xf32> to vector<16xf32>
          %get3A_172 = arith.index_cast %scan3A_85 : i32 to index
          %get3A_173 = arith.constant 96 : index
          %get3A_174 = tpu.vector_load %arg14[%get3A_172, %get3A_173] {strides = array<i32>} : memref<120x128xf32, #tpu.memory_space<vmem>>, vector<1x16xf32>,
          %get3A_175 = vector.shape_cast %get3A_174 : vector<1x16xf32> to vector<16xf32>
          %add3A_176 = arith.addf %get3A_171, %get3A_175 : vector<16xf32>
          %swap3A_177 = arith.index_cast %scan3A_85 : i32 to index
          %swap3A_178 = arith.constant 96 : index
          %swap3A_179 = tpu.vector_load %arg12[%swap3A_177, %swap3A_178] {strides = array<i32>} : memref<120x128xf32, #tpu.memory_space<vmem>>, vector<1x16xf32>,
          %swap3A_180 = vector.shape_cast %swap3A_179 : vector<1x16xf32> to vector<16xf32>
          %swap3A_181 = vector.shape_cast %add3A_176 : vector<16xf32> to vector<1x16xf32>
          tpu.vector_store %arg12[%swap3A_177, %swap3A_178], %swap3A_181 {strides = array<i32>} : memref<120x128xf32, #tpu.memory_space<vmem>>, vector<1x16xf32>,
          %get3A_182 = arith.index_cast %scan3A_85 : i32 to index
          %get3A_183 = arith.constant 112 : index
          %get3A_184 = tpu.vector_load %arg12[%get3A_182, %get3A_183] {strides = array<i32>} : memref<120x128xf32, #tpu.memory_space<vmem>>, vector<1x16xf32>,
          %get3A_185 = vector.shape_cast %get3A_184 : vector<1x16xf32> to vector<16xf32>
          %get3A_186 = arith.index_cast %scan3A_85 : i32 to index
          %get3A_187 = arith.constant 112 : index
          %get3A_188 = tpu.vector_load %arg14[%get3A_186, %get3A_187] {strides = array<i32>} : memref<120x128xf32, #tpu.memory_space<vmem>>, vector<1x16xf32>,
          %get3A_189 = vector.shape_cast %get3A_188 : vector<1x16xf32> to vector<16xf32>
          %add3A_190 = arith.addf %get3A_185, %get3A_189 : vector<16xf32>
          %swap3A_191 = arith.index_cast %scan3A_85 : i32 to index
          %swap3A_192 = arith.constant 112 : index
          %swap3A_193 = tpu.vector_load %arg12[%swap3A_191, %swap3A_192] {strides = array<i32>} : memref<120x128xf32, #tpu.memory_space<vmem>>, vector<1x16xf32>,
          %swap3A_194 = vector.shape_cast %swap3A_193 : vector<1x16xf32> to vector<16xf32>
          %swap3A_195 = vector.shape_cast %add3A_190 : vector<16xf32> to vector<1x16xf32>
          tpu.vector_store %arg12[%swap3A_191, %swap3A_192], %swap3A_195 {strides = array<i32>} : memref<120x128xf32, #tpu.memory_space<vmem>>, vector<1x16xf32>,
        }
        %scan3A_73 = arith.constant 120 : i32
        %dma_start3A_74 = arith.constant 0 : i32
        %dma_start3A_75 = tpu.memref_slice %arg6[%add3A_45, %dma_start3A_74] : memref<115200x128xf32, #tpu.memory_space<hbm>> -> memref<120x128xf32, #tpu.memory_space<hbm>>
        %dma_start3A_76 = arith.constant 0 : i32
        %dma_start3A_77 = tpu.memref_slice %arg6[%add3A_45, %dma_start3A_76] : memref<115200x128xf32, #tpu.memory_space<hbm>> -> memref<120x128xf32, #tpu.memory_space<hbm>>
        tpu.enqueue_dma source(%arg12 : memref<120x128xf32, #tpu.memory_space<vmem>>) target(%dma_start3A_77 : memref<120x128xf32, #tpu.memory_space<hbm>>) target_semaphore(%arg20 : memref<!tpu.dma_semaphore, #tpu.memory_space<semaphore_mem>>)
        %add3A_78 = arith.constant 2 : i32
        %add3A_79 = arith.addi %scan3A_42, %add3A_78 : i32
        %lt3A_80 = arith.constant 30 : i32
        %lt3A_81 = arith.cmpi slt, %add3A_79, %lt3A_80 : i32
        %convert_element_type3A_82 = arith.extui %lt3A_81 : i1 to i32
        %cond3A_83 = arith.constant 0 : i32
        %cond3A_84 = arith.cmpi ne, %convert_element_type3A_82, %cond3A_83 : i32
        scf.if %cond3A_84 {
          %add3A_85 = arith.constant 240 : i32
          %add3A_86 = arith.addi %add3A_45, %add3A_85 : i32
          %dma_start3A_87 = tpu.memref_slice %arg4[%add3A_86] : memref<115200xi32, #tpu.memory_space<hbm>> -> memref<120xi32, #tpu.memory_space<hbm>>
          %dma_start3A_88 = tpu.memref_slice %arg4[%add3A_86] : memref<115200xi32, #tpu.memory_space<hbm>> -> memref<120xi32, #tpu.memory_space<hbm>>
          tpu.enqueue_dma source(%dma_start3A_88 : memref<120xi32, #tpu.memory_space<hbm>>) target(%arg8 : memref<120xi32, #tpu.memory_space<vmem>>) target_semaphore(%arg16 : memref<!tpu.dma_semaphore, #tpu.memory_space<semaphore_mem>>)
          %dma_start3A_89 = tpu.memref_slice %arg5[%add3A_86] : memref<115200xi32, #tpu.memory_space<hbm>> -> memref<120xi32, #tpu.memory_space<hbm>>
          %dma_start3A_90 = tpu.memref_slice %arg5[%add3A_86] : memref<115200xi32, #tpu.memory_space<hbm>> -> memref<120xi32, #tpu.memory_space<hbm>>
          tpu.enqueue_dma source(%dma_start3A_90 : memref<120xi32, #tpu.memory_space<hbm>>) target(%arg10 : memref<120xi32, #tpu.memory_space<vmem>>) target_semaphore(%arg16 : memref<!tpu.dma_semaphore, #tpu.memory_space<semaphore_mem>>)
        } else {
        }
      } else {
      }
    }
    %scan3A_29 = arith.constant 30 : i32
    %dma_wait3A_30 = arith.constant 0 : i32
    %dma_wait3A_31 = arith.constant 0 : i32
    %dma_wait3A_32 = tpu.memref_slice %arg6[%dma_wait3A_30, %dma_wait3A_31] : memref<115200x128xf32, #tpu.memory_space<hbm>> -> memref<120x128xf32, #tpu.memory_space<hbm>>
    %dma_wait3A_33 = arith.constant 0 : i32
    %dma_wait3A_34 = arith.constant 0 : i32
    %dma_wait3A_35 = tpu.memref_slice %arg6[%dma_wait3A_33, %dma_wait3A_34] : memref<115200x128xf32, #tpu.memory_space<hbm>> -> memref<120x128xf32, #tpu.memory_space<hbm>>
    tpu.wait_dma2 semaphore(%arg19 : memref<!tpu.dma_semaphore, #tpu.memory_space<semaphore_mem>>) src(%arg11 : memref<120x128xf32, #tpu.memory_space<vmem>>) dst(%dma_wait3A_35 : memref<120x128xf32, #tpu.memory_space<hbm>>)
    %dma_wait3A_36 = arith.constant 0 : i32
    %dma_wait3A_37 = arith.constant 0 : i32
    %dma_wait3A_38 = tpu.memref_slice %arg6[%dma_wait3A_36, %dma_wait3A_37] : memref<115200x128xf32, #tpu.memory_space<hbm>> -> memref<120x128xf32, #tpu.memory_space<hbm>>
    %dma_wait3A_39 = arith.constant 0 : i32
    %dma_wait3A_40 = arith.constant 0 : i32
    %dma_wait3A_41 = tpu.memref_slice %arg6[%dma_wait3A_39, %dma_wait3A_40] : memref<115200x128xf32, #tpu.memory_space<hbm>> -> memref<120x128xf32, #tpu.memory_space<hbm>>
    tpu.wait_dma2 semaphore(%arg20 : memref<!tpu.dma_semaphore, #tpu.memory_space<semaphore_mem>>) src(%arg12 : memref<120x128xf32, #tpu.memory_space<vmem>>) dst(%dma_wait3A_41 : memref<120x128xf32, #tpu.memory_space<hbm>>)
    return
  }
}

#map = affine_map<(d0, d1) -> (0, 0)>
#map1 = affine_map<(d0, d1) -> (0)>
module attributes {stable_mosaic.version = 14 : i64} {
  func.func @k(%arg0: i32, %arg1: i32, %arg2: memref<10000x128xf32, #tpu.memory_space<hbm>>, %arg3: memref<10000x128xf32, #tpu.memory_space<hbm>>, %arg4: memref<204800xi32, #tpu.memory_space<hbm>>, %arg5: memref<204800xi32, #tpu.memory_space<hbm>>, %arg6: memref<204800x128xf32, #tpu.memory_space<hbm>>, %arg7: memref<128xi32, #tpu.memory_space<vmem>>, %arg8: memref<128xi32, #tpu.memory_space<vmem>>, %arg9: memref<128xi32, #tpu.memory_space<vmem>>, %arg10: memref<128xi32, #tpu.memory_space<vmem>>, %arg11: memref<128x128xf32, #tpu.memory_space<vmem>>, %arg12: memref<128x128xf32, #tpu.memory_space<vmem>>, %arg13: memref<128x128xf32, #tpu.memory_space<vmem>>, %arg14: memref<128x128xf32, #tpu.memory_space<vmem>>, %arg15: memref<!tpu.dma_semaphore, #tpu.memory_space<semaphore_mem>>, %arg16: memref<!tpu.dma_semaphore, #tpu.memory_space<semaphore_mem>>, %arg17: memref<!tpu.dma_semaphore, #tpu.memory_space<semaphore_mem>>, %arg18: memref<!tpu.dma_semaphore, #tpu.memory_space<semaphore_mem>>, %arg19: memref<!tpu.dma_semaphore, #tpu.memory_space<semaphore_mem>>, %arg20: memref<!tpu.dma_semaphore, #tpu.memory_space<semaphore_mem>>) attributes {dimension_semantics = [#tpu.dimension_semantics<core_parallel>, #tpu.dimension_semantics<subcore_parallel>], iteration_bounds = array<i64: 2, 16>, scalar_prefetch = 0 : i64, scratch_operands = 14 : i64, tpu.core_type = #tpu.core_type<sc_vector_subcore>, window_params = [{transform_indices = #map}, {transform_indices = #map}, {transform_indices = #map1}, {transform_indices = #map1}, {transform_indices = #map}]} {
    %mul3A = arith.constant 2 : i32
    %mul3A_0 = arith.muli %arg1, %mul3A : i32
    %add3A = arith.addi %mul3A_0, %arg0 : i32
    %mul3A_1 = arith.constant 6400 : i32
    %mul3A_2 = arith.muli %add3A, %mul3A_1 : i32
    %dma_start3A = tpu.memref_slice %arg4[%mul3A_2] : memref<204800xi32, #tpu.memory_space<hbm>> -> memref<128xi32, #tpu.memory_space<hbm>>
    %dma_start3A_3 = tpu.memref_slice %arg4[%mul3A_2] : memref<204800xi32, #tpu.memory_space<hbm>> -> memref<128xi32, #tpu.memory_space<hbm>>
    tpu.enqueue_dma source(%dma_start3A_3 : memref<128xi32, #tpu.memory_space<hbm>>) target(%arg7 : memref<128xi32, #tpu.memory_space<vmem>>) target_semaphore(%arg15 : memref<!tpu.dma_semaphore, #tpu.memory_space<semaphore_mem>>)
    %dma_start3A_4 = tpu.memref_slice %arg5[%mul3A_2] : memref<204800xi32, #tpu.memory_space<hbm>> -> memref<128xi32, #tpu.memory_space<hbm>>
    %dma_start3A_5 = tpu.memref_slice %arg5[%mul3A_2] : memref<204800xi32, #tpu.memory_space<hbm>> -> memref<128xi32, #tpu.memory_space<hbm>>
    tpu.enqueue_dma source(%dma_start3A_5 : memref<128xi32, #tpu.memory_space<hbm>>) target(%arg9 : memref<128xi32, #tpu.memory_space<vmem>>) target_semaphore(%arg15 : memref<!tpu.dma_semaphore, #tpu.memory_space<semaphore_mem>>)
    %dma_wait3A = arith.constant 0 : i32
    %dma_wait3A_6 = tpu.memref_slice %arg4[%dma_wait3A] : memref<204800xi32, #tpu.memory_space<hbm>> -> memref<128xi32, #tpu.memory_space<hbm>>
    %dma_wait3A_7 = arith.constant 0 : i32
    %dma_wait3A_8 = tpu.memref_slice %arg4[%dma_wait3A_7] : memref<204800xi32, #tpu.memory_space<hbm>> -> memref<128xi32, #tpu.memory_space<hbm>>
    tpu.wait_dma2 semaphore(%arg15 : memref<!tpu.dma_semaphore, #tpu.memory_space<semaphore_mem>>) src(%dma_wait3A_8 : memref<128xi32, #tpu.memory_space<hbm>>) dst(%arg7 : memref<128xi32, #tpu.memory_space<vmem>>)
    %dma_wait3A_9 = arith.constant 0 : i32
    %dma_wait3A_10 = tpu.memref_slice %arg5[%dma_wait3A_9] : memref<204800xi32, #tpu.memory_space<hbm>> -> memref<128xi32, #tpu.memory_space<hbm>>
    %dma_wait3A_11 = arith.constant 0 : i32
    %dma_wait3A_12 = tpu.memref_slice %arg5[%dma_wait3A_11] : memref<204800xi32, #tpu.memory_space<hbm>> -> memref<128xi32, #tpu.memory_space<hbm>>
    tpu.wait_dma2 semaphore(%arg15 : memref<!tpu.dma_semaphore, #tpu.memory_space<semaphore_mem>>) src(%dma_wait3A_12 : memref<128xi32, #tpu.memory_space<hbm>>) dst(%arg9 : memref<128xi32, #tpu.memory_space<vmem>>)
    %dma_start3A_13 = arith.constant 0 : i32
    %dma_start3A_14 = arith.constant 0 : i32
    %dma_start3A_15 = tpu.memref_slice %arg2[%dma_start3A_13, %dma_start3A_14] : memref<10000x128xf32, #tpu.memory_space<hbm>> -> memref<10000x128xf32, #tpu.memory_space<hbm>>
    tpu.enqueue_indirect_dma source(%dma_start3A_15 : memref<10000x128xf32, #tpu.memory_space<hbm>>) target(%arg11 : memref<128x128xf32, #tpu.memory_space<vmem>>) offsets(%arg7 : memref<128xi32, #tpu.memory_space<vmem>>) semaphore(%arg17 : memref<!tpu.dma_semaphore, #tpu.memory_space<semaphore_mem>>)
    %dma_start3A_16 = arith.constant 0 : i32
    %dma_start3A_17 = arith.constant 0 : i32
    %dma_start3A_18 = tpu.memref_slice %arg3[%dma_start3A_16, %dma_start3A_17] : memref<10000x128xf32, #tpu.memory_space<hbm>> -> memref<10000x128xf32, #tpu.memory_space<hbm>>
    tpu.enqueue_indirect_dma source(%dma_start3A_18 : memref<10000x128xf32, #tpu.memory_space<hbm>>) target(%arg13 : memref<128x128xf32, #tpu.memory_space<vmem>>) offsets(%arg9 : memref<128xi32, #tpu.memory_space<vmem>>) semaphore(%arg17 : memref<!tpu.dma_semaphore, #tpu.memory_space<semaphore_mem>>)
    %add3A_19 = arith.constant 128 : i32
    %add3A_20 = arith.addi %mul3A_2, %add3A_19 : i32
    %dma_start3A_21 = tpu.memref_slice %arg4[%add3A_20] : memref<204800xi32, #tpu.memory_space<hbm>> -> memref<128xi32, #tpu.memory_space<hbm>>
    %dma_start3A_22 = tpu.memref_slice %arg4[%add3A_20] : memref<204800xi32, #tpu.memory_space<hbm>> -> memref<128xi32, #tpu.memory_space<hbm>>
    tpu.enqueue_dma source(%dma_start3A_22 : memref<128xi32, #tpu.memory_space<hbm>>) target(%arg8 : memref<128xi32, #tpu.memory_space<vmem>>) target_semaphore(%arg16 : memref<!tpu.dma_semaphore, #tpu.memory_space<semaphore_mem>>)
    %dma_start3A_23 = tpu.memref_slice %arg5[%add3A_20] : memref<204800xi32, #tpu.memory_space<hbm>> -> memref<128xi32, #tpu.memory_space<hbm>>
    %dma_start3A_24 = tpu.memref_slice %arg5[%add3A_20] : memref<204800xi32, #tpu.memory_space<hbm>> -> memref<128xi32, #tpu.memory_space<hbm>>
    tpu.enqueue_dma source(%dma_start3A_24 : memref<128xi32, #tpu.memory_space<hbm>>) target(%arg10 : memref<128xi32, #tpu.memory_space<vmem>>) target_semaphore(%arg16 : memref<!tpu.dma_semaphore, #tpu.memory_space<semaphore_mem>>)
    %scan3A = arith.constant 0 : i32
    %scan3A_25 = arith.constant 0 : i32
    %scan3A_26 = arith.constant 50 : i32
    %scan3A_27 = arith.addi %scan3A_25, %scan3A_26 : i32
    %scan3A_28 = arith.constant 1 : i32
    scf.for %scan3A_42 = %scan3A_25 to %scan3A_27 step %scan3A_28  : i32 {
      %mul3A_43 = arith.constant 128 : i32
      %mul3A_44 = arith.muli %scan3A_42, %mul3A_43 : i32
      %add3A_45 = arith.addi %mul3A_2, %mul3A_44 : i32
      %and3A = arith.constant 1 : i32
      %and3A_46 = arith.andi %scan3A_42, %and3A : i32
      %eq3A = arith.constant 0 : i32
      %eq3A_47 = arith.cmpi eq, %and3A_46, %eq3A : i32
      %convert_element_type3A = arith.extui %eq3A_47 : i1 to i32
      %cond3A = arith.constant 0 : i32
      %cond3A_48 = arith.cmpi ne, %convert_element_type3A, %cond3A : i32
      scf.if %cond3A_48 {
        %add3A_56 = arith.constant 1 : i32
        %add3A_57 = arith.addi %scan3A_42, %add3A_56 : i32
        %lt3A = arith.constant 50 : i32
        %lt3A_58 = arith.cmpi slt, %add3A_57, %lt3A : i32
        %convert_element_type3A_59 = arith.extui %lt3A_58 : i1 to i32
        %cond3A_60 = arith.constant 0 : i32
        %cond3A_61 = arith.cmpi ne, %convert_element_type3A_59, %cond3A_60 : i32
        scf.if %cond3A_61 {
          %dma_wait3A_85 = arith.constant 0 : i32
          %dma_wait3A_86 = tpu.memref_slice %arg4[%dma_wait3A_85] : memref<204800xi32, #tpu.memory_space<hbm>> -> memref<128xi32, #tpu.memory_space<hbm>>
          %dma_wait3A_87 = arith.constant 0 : i32
          %dma_wait3A_88 = tpu.memref_slice %arg4[%dma_wait3A_87] : memref<204800xi32, #tpu.memory_space<hbm>> -> memref<128xi32, #tpu.memory_space<hbm>>
          tpu.wait_dma2 semaphore(%arg16 : memref<!tpu.dma_semaphore, #tpu.memory_space<semaphore_mem>>) src(%dma_wait3A_88 : memref<128xi32, #tpu.memory_space<hbm>>) dst(%arg8 : memref<128xi32, #tpu.memory_space<vmem>>)
          %dma_wait3A_89 = arith.constant 0 : i32
          %dma_wait3A_90 = tpu.memref_slice %arg5[%dma_wait3A_89] : memref<204800xi32, #tpu.memory_space<hbm>> -> memref<128xi32, #tpu.memory_space<hbm>>
          %dma_wait3A_91 = arith.constant 0 : i32
          %dma_wait3A_92 = tpu.memref_slice %arg5[%dma_wait3A_91] : memref<204800xi32, #tpu.memory_space<hbm>> -> memref<128xi32, #tpu.memory_space<hbm>>
          tpu.wait_dma2 semaphore(%arg16 : memref<!tpu.dma_semaphore, #tpu.memory_space<semaphore_mem>>) src(%dma_wait3A_92 : memref<128xi32, #tpu.memory_space<hbm>>) dst(%arg10 : memref<128xi32, #tpu.memory_space<vmem>>)
          %ge3A = arith.constant 1 : i32
          %ge3A_93 = arith.cmpi sge, %scan3A_42, %ge3A : i32
          %convert_element_type3A_94 = arith.extui %ge3A_93 : i1 to i32
          %cond3A_95 = arith.constant 0 : i32
          %cond3A_96 = arith.cmpi ne, %convert_element_type3A_94, %cond3A_95 : i32
          scf.if %cond3A_96 {
            %dma_wait3A_103 = arith.constant 0 : i32
            %dma_wait3A_104 = arith.constant 0 : i32
            %dma_wait3A_105 = tpu.memref_slice %arg6[%dma_wait3A_103, %dma_wait3A_104] : memref<204800x128xf32, #tpu.memory_space<hbm>> -> memref<128x128xf32, #tpu.memory_space<hbm>>
            %dma_wait3A_106 = arith.constant 0 : i32
            %dma_wait3A_107 = arith.constant 0 : i32
            %dma_wait3A_108 = tpu.memref_slice %arg6[%dma_wait3A_106, %dma_wait3A_107] : memref<204800x128xf32, #tpu.memory_space<hbm>> -> memref<128x128xf32, #tpu.memory_space<hbm>>
            tpu.wait_dma2 semaphore(%arg20 : memref<!tpu.dma_semaphore, #tpu.memory_space<semaphore_mem>>) src(%arg12 : memref<128x128xf32, #tpu.memory_space<vmem>>) dst(%dma_wait3A_108 : memref<128x128xf32, #tpu.memory_space<hbm>>)
          } else {
          }
          %dma_start3A_97 = arith.constant 0 : i32
          %dma_start3A_98 = arith.constant 0 : i32
          %dma_start3A_99 = tpu.memref_slice %arg2[%dma_start3A_97, %dma_start3A_98] : memref<10000x128xf32, #tpu.memory_space<hbm>> -> memref<10000x128xf32, #tpu.memory_space<hbm>>
          tpu.enqueue_indirect_dma source(%dma_start3A_99 : memref<10000x128xf32, #tpu.memory_space<hbm>>) target(%arg12 : memref<128x128xf32, #tpu.memory_space<vmem>>) offsets(%arg8 : memref<128xi32, #tpu.memory_space<vmem>>) semaphore(%arg18 : memref<!tpu.dma_semaphore, #tpu.memory_space<semaphore_mem>>)
          %dma_start3A_100 = arith.constant 0 : i32
          %dma_start3A_101 = arith.constant 0 : i32
          %dma_start3A_102 = tpu.memref_slice %arg3[%dma_start3A_100, %dma_start3A_101] : memref<10000x128xf32, #tpu.memory_space<hbm>> -> memref<10000x128xf32, #tpu.memory_space<hbm>>
          tpu.enqueue_indirect_dma source(%dma_start3A_102 : memref<10000x128xf32, #tpu.memory_space<hbm>>) target(%arg14 : memref<128x128xf32, #tpu.memory_space<vmem>>) offsets(%arg10 : memref<128xi32, #tpu.memory_space<vmem>>) semaphore(%arg18 : memref<!tpu.dma_semaphore, #tpu.memory_space<semaphore_mem>>)
        } else {
        }
        %dma_wait3A_62 = arith.constant 0 : i32
        %dma_wait3A_63 = arith.constant 0 : i32
        %dma_wait3A_64 = tpu.memref_slice %arg2[%dma_wait3A_62, %dma_wait3A_63] : memref<10000x128xf32, #tpu.memory_space<hbm>> -> memref<10000x128xf32, #tpu.memory_space<hbm>>
        tpu.wait_indirect_dma semaphore(%arg17 : memref<!tpu.dma_semaphore, #tpu.memory_space<semaphore_mem>>) src(%dma_wait3A_64 : memref<10000x128xf32, #tpu.memory_space<hbm>>) dst(%arg11 : memref<128x128xf32, #tpu.memory_space<vmem>>)
        %dma_wait3A_65 = arith.constant 0 : i32
        %dma_wait3A_66 = arith.constant 0 : i32
        %dma_wait3A_67 = tpu.memref_slice %arg3[%dma_wait3A_65, %dma_wait3A_66] : memref<10000x128xf32, #tpu.memory_space<hbm>> -> memref<10000x128xf32, #tpu.memory_space<hbm>>
        tpu.wait_indirect_dma semaphore(%arg17 : memref<!tpu.dma_semaphore, #tpu.memory_space<semaphore_mem>>) src(%dma_wait3A_67 : memref<10000x128xf32, #tpu.memory_space<hbm>>) dst(%arg13 : memref<128x128xf32, #tpu.memory_space<vmem>>)
        %scan3A_68 = arith.constant 0 : i32
        %scan3A_69 = arith.constant 0 : i32
        %scan3A_70 = arith.constant 128 : i32
        %scan3A_71 = arith.addi %scan3A_69, %scan3A_70 : i32
        %scan3A_72 = arith.constant 1 : i32
        scf.for %scan3A_85 = %scan3A_69 to %scan3A_71 step %scan3A_72  : i32 {
          %get3A = arith.index_cast %scan3A_85 : i32 to index
          %get3A_86 = arith.constant 0 : index
          %get3A_87 = tpu.vector_load %arg11[%get3A, %get3A_86] {strides = array<i32>} : memref<128x128xf32, #tpu.memory_space<vmem>>, vector<1x16xf32>,
          %get3A_88 = vector.shape_cast %get3A_87 : vector<1x16xf32> to vector<16xf32>
          %get3A_89 = arith.index_cast %scan3A_85 : i32 to index
          %get3A_90 = arith.constant 0 : index
          %get3A_91 = tpu.vector_load %arg13[%get3A_89, %get3A_90] {strides = array<i32>} : memref<128x128xf32, #tpu.memory_space<vmem>>, vector<1x16xf32>,
          %get3A_92 = vector.shape_cast %get3A_91 : vector<1x16xf32> to vector<16xf32>
          %add3A_93 = arith.addf %get3A_88, %get3A_92 : vector<16xf32>
          %swap3A = arith.index_cast %scan3A_85 : i32 to index
          %swap3A_94 = arith.constant 0 : index
          %swap3A_95 = tpu.vector_load %arg11[%swap3A, %swap3A_94] {strides = array<i32>} : memref<128x128xf32, #tpu.memory_space<vmem>>, vector<1x16xf32>,
          %swap3A_96 = vector.shape_cast %swap3A_95 : vector<1x16xf32> to vector<16xf32>
          %swap3A_97 = vector.shape_cast %add3A_93 : vector<16xf32> to vector<1x16xf32>
          tpu.vector_store %arg11[%swap3A, %swap3A_94], %swap3A_97 {strides = array<i32>} : memref<128x128xf32, #tpu.memory_space<vmem>>, vector<1x16xf32>,
          %get3A_98 = arith.index_cast %scan3A_85 : i32 to index
          %get3A_99 = arith.constant 16 : index
          %get3A_100 = tpu.vector_load %arg11[%get3A_98, %get3A_99] {strides = array<i32>} : memref<128x128xf32, #tpu.memory_space<vmem>>, vector<1x16xf32>,
          %get3A_101 = vector.shape_cast %get3A_100 : vector<1x16xf32> to vector<16xf32>
          %get3A_102 = arith.index_cast %scan3A_85 : i32 to index
          %get3A_103 = arith.constant 16 : index
          %get3A_104 = tpu.vector_load %arg13[%get3A_102, %get3A_103] {strides = array<i32>} : memref<128x128xf32, #tpu.memory_space<vmem>>, vector<1x16xf32>,
          %get3A_105 = vector.shape_cast %get3A_104 : vector<1x16xf32> to vector<16xf32>
          %add3A_106 = arith.addf %get3A_101, %get3A_105 : vector<16xf32>
          %swap3A_107 = arith.index_cast %scan3A_85 : i32 to index
          %swap3A_108 = arith.constant 16 : index
          %swap3A_109 = tpu.vector_load %arg11[%swap3A_107, %swap3A_108] {strides = array<i32>} : memref<128x128xf32, #tpu.memory_space<vmem>>, vector<1x16xf32>,
          %swap3A_110 = vector.shape_cast %swap3A_109 : vector<1x16xf32> to vector<16xf32>
          %swap3A_111 = vector.shape_cast %add3A_106 : vector<16xf32> to vector<1x16xf32>
          tpu.vector_store %arg11[%swap3A_107, %swap3A_108], %swap3A_111 {strides = array<i32>} : memref<128x128xf32, #tpu.memory_space<vmem>>, vector<1x16xf32>,
          %get3A_112 = arith.index_cast %scan3A_85 : i32 to index
          %get3A_113 = arith.constant 32 : index
          %get3A_114 = tpu.vector_load %arg11[%get3A_112, %get3A_113] {strides = array<i32>} : memref<128x128xf32, #tpu.memory_space<vmem>>, vector<1x16xf32>,
          %get3A_115 = vector.shape_cast %get3A_114 : vector<1x16xf32> to vector<16xf32>
          %get3A_116 = arith.index_cast %scan3A_85 : i32 to index
          %get3A_117 = arith.constant 32 : index
          %get3A_118 = tpu.vector_load %arg13[%get3A_116, %get3A_117] {strides = array<i32>} : memref<128x128xf32, #tpu.memory_space<vmem>>, vector<1x16xf32>,
          %get3A_119 = vector.shape_cast %get3A_118 : vector<1x16xf32> to vector<16xf32>
          %add3A_120 = arith.addf %get3A_115, %get3A_119 : vector<16xf32>
          %swap3A_121 = arith.index_cast %scan3A_85 : i32 to index
          %swap3A_122 = arith.constant 32 : index
          %swap3A_123 = tpu.vector_load %arg11[%swap3A_121, %swap3A_122] {strides = array<i32>} : memref<128x128xf32, #tpu.memory_space<vmem>>, vector<1x16xf32>,
          %swap3A_124 = vector.shape_cast %swap3A_123 : vector<1x16xf32> to vector<16xf32>
          %swap3A_125 = vector.shape_cast %add3A_120 : vector<16xf32> to vector<1x16xf32>
          tpu.vector_store %arg11[%swap3A_121, %swap3A_122], %swap3A_125 {strides = array<i32>} : memref<128x128xf32, #tpu.memory_space<vmem>>, vector<1x16xf32>,
          %get3A_126 = arith.index_cast %scan3A_85 : i32 to index
          %get3A_127 = arith.constant 48 : index
          %get3A_128 = tpu.vector_load %arg11[%get3A_126, %get3A_127] {strides = array<i32>} : memref<128x128xf32, #tpu.memory_space<vmem>>, vector<1x16xf32>,
          %get3A_129 = vector.shape_cast %get3A_128 : vector<1x16xf32> to vector<16xf32>
          %get3A_130 = arith.index_cast %scan3A_85 : i32 to index
          %get3A_131 = arith.constant 48 : index
          %get3A_132 = tpu.vector_load %arg13[%get3A_130, %get3A_131] {strides = array<i32>} : memref<128x128xf32, #tpu.memory_space<vmem>>, vector<1x16xf32>,
          %get3A_133 = vector.shape_cast %get3A_132 : vector<1x16xf32> to vector<16xf32>
          %add3A_134 = arith.addf %get3A_129, %get3A_133 : vector<16xf32>
          %swap3A_135 = arith.index_cast %scan3A_85 : i32 to index
          %swap3A_136 = arith.constant 48 : index
          %swap3A_137 = tpu.vector_load %arg11[%swap3A_135, %swap3A_136] {strides = array<i32>} : memref<128x128xf32, #tpu.memory_space<vmem>>, vector<1x16xf32>,
          %swap3A_138 = vector.shape_cast %swap3A_137 : vector<1x16xf32> to vector<16xf32>
          %swap3A_139 = vector.shape_cast %add3A_134 : vector<16xf32> to vector<1x16xf32>
          tpu.vector_store %arg11[%swap3A_135, %swap3A_136], %swap3A_139 {strides = array<i32>} : memref<128x128xf32, #tpu.memory_space<vmem>>, vector<1x16xf32>,
          %get3A_140 = arith.index_cast %scan3A_85 : i32 to index
          %get3A_141 = arith.constant 64 : index
          %get3A_142 = tpu.vector_load %arg11[%get3A_140, %get3A_141] {strides = array<i32>} : memref<128x128xf32, #tpu.memory_space<vmem>>, vector<1x16xf32>,
          %get3A_143 = vector.shape_cast %get3A_142 : vector<1x16xf32> to vector<16xf32>
          %get3A_144 = arith.index_cast %scan3A_85 : i32 to index
          %get3A_145 = arith.constant 64 : index
          %get3A_146 = tpu.vector_load %arg13[%get3A_144, %get3A_145] {strides = array<i32>} : memref<128x128xf32, #tpu.memory_space<vmem>>, vector<1x16xf32>,
          %get3A_147 = vector.shape_cast %get3A_146 : vector<1x16xf32> to vector<16xf32>
          %add3A_148 = arith.addf %get3A_143, %get3A_147 : vector<16xf32>
          %swap3A_149 = arith.index_cast %scan3A_85 : i32 to index
          %swap3A_150 = arith.constant 64 : index
          %swap3A_151 = tpu.vector_load %arg11[%swap3A_149, %swap3A_150] {strides = array<i32>} : memref<128x128xf32, #tpu.memory_space<vmem>>, vector<1x16xf32>,
          %swap3A_152 = vector.shape_cast %swap3A_151 : vector<1x16xf32> to vector<16xf32>
          %swap3A_153 = vector.shape_cast %add3A_148 : vector<16xf32> to vector<1x16xf32>
          tpu.vector_store %arg11[%swap3A_149, %swap3A_150], %swap3A_153 {strides = array<i32>} : memref<128x128xf32, #tpu.memory_space<vmem>>, vector<1x16xf32>,
          %get3A_154 = arith.index_cast %scan3A_85 : i32 to index
          %get3A_155 = arith.constant 80 : index
          %get3A_156 = tpu.vector_load %arg11[%get3A_154, %get3A_155] {strides = array<i32>} : memref<128x128xf32, #tpu.memory_space<vmem>>, vector<1x16xf32>,
          %get3A_157 = vector.shape_cast %get3A_156 : vector<1x16xf32> to vector<16xf32>
          %get3A_158 = arith.index_cast %scan3A_85 : i32 to index
          %get3A_159 = arith.constant 80 : index
          %get3A_160 = tpu.vector_load %arg13[%get3A_158, %get3A_159] {strides = array<i32>} : memref<128x128xf32, #tpu.memory_space<vmem>>, vector<1x16xf32>,
          %get3A_161 = vector.shape_cast %get3A_160 : vector<1x16xf32> to vector<16xf32>
          %add3A_162 = arith.addf %get3A_157, %get3A_161 : vector<16xf32>
          %swap3A_163 = arith.index_cast %scan3A_85 : i32 to index
          %swap3A_164 = arith.constant 80 : index
          %swap3A_165 = tpu.vector_load %arg11[%swap3A_163, %swap3A_164] {strides = array<i32>} : memref<128x128xf32, #tpu.memory_space<vmem>>, vector<1x16xf32>,
          %swap3A_166 = vector.shape_cast %swap3A_165 : vector<1x16xf32> to vector<16xf32>
          %swap3A_167 = vector.shape_cast %add3A_162 : vector<16xf32> to vector<1x16xf32>
          tpu.vector_store %arg11[%swap3A_163, %swap3A_164], %swap3A_167 {strides = array<i32>} : memref<128x128xf32, #tpu.memory_space<vmem>>, vector<1x16xf32>,
          %get3A_168 = arith.index_cast %scan3A_85 : i32 to index
          %get3A_169 = arith.constant 96 : index
          %get3A_170 = tpu.vector_load %arg11[%get3A_168, %get3A_169] {strides = array<i32>} : memref<128x128xf32, #tpu.memory_space<vmem>>, vector<1x16xf32>,
          %get3A_171 = vector.shape_cast %get3A_170 : vector<1x16xf32> to vector<16xf32>
          %get3A_172 = arith.index_cast %scan3A_85 : i32 to index
          %get3A_173 = arith.constant 96 : index
          %get3A_174 = tpu.vector_load %arg13[%get3A_172, %get3A_173] {strides = array<i32>} : memref<128x128xf32, #tpu.memory_space<vmem>>, vector<1x16xf32>,
          %get3A_175 = vector.shape_cast %get3A_174 : vector<1x16xf32> to vector<16xf32>
          %add3A_176 = arith.addf %get3A_171, %get3A_175 : vector<16xf32>
          %swap3A_177 = arith.index_cast %scan3A_85 : i32 to index
          %swap3A_178 = arith.constant 96 : index
          %swap3A_179 = tpu.vector_load %arg11[%swap3A_177, %swap3A_178] {strides = array<i32>} : memref<128x128xf32, #tpu.memory_space<vmem>>, vector<1x16xf32>,
          %swap3A_180 = vector.shape_cast %swap3A_179 : vector<1x16xf32> to vector<16xf32>
          %swap3A_181 = vector.shape_cast %add3A_176 : vector<16xf32> to vector<1x16xf32>
          tpu.vector_store %arg11[%swap3A_177, %swap3A_178], %swap3A_181 {strides = array<i32>} : memref<128x128xf32, #tpu.memory_space<vmem>>, vector<1x16xf32>,
          %get3A_182 = arith.index_cast %scan3A_85 : i32 to index
          %get3A_183 = arith.constant 112 : index
          %get3A_184 = tpu.vector_load %arg11[%get3A_182, %get3A_183] {strides = array<i32>} : memref<128x128xf32, #tpu.memory_space<vmem>>, vector<1x16xf32>,
          %get3A_185 = vector.shape_cast %get3A_184 : vector<1x16xf32> to vector<16xf32>
          %get3A_186 = arith.index_cast %scan3A_85 : i32 to index
          %get3A_187 = arith.constant 112 : index
          %get3A_188 = tpu.vector_load %arg13[%get3A_186, %get3A_187] {strides = array<i32>} : memref<128x128xf32, #tpu.memory_space<vmem>>, vector<1x16xf32>,
          %get3A_189 = vector.shape_cast %get3A_188 : vector<1x16xf32> to vector<16xf32>
          %add3A_190 = arith.addf %get3A_185, %get3A_189 : vector<16xf32>
          %swap3A_191 = arith.index_cast %scan3A_85 : i32 to index
          %swap3A_192 = arith.constant 112 : index
          %swap3A_193 = tpu.vector_load %arg11[%swap3A_191, %swap3A_192] {strides = array<i32>} : memref<128x128xf32, #tpu.memory_space<vmem>>, vector<1x16xf32>,
          %swap3A_194 = vector.shape_cast %swap3A_193 : vector<1x16xf32> to vector<16xf32>
          %swap3A_195 = vector.shape_cast %add3A_190 : vector<16xf32> to vector<1x16xf32>
          tpu.vector_store %arg11[%swap3A_191, %swap3A_192], %swap3A_195 {strides = array<i32>} : memref<128x128xf32, #tpu.memory_space<vmem>>, vector<1x16xf32>,
        }
        %scan3A_73 = arith.constant 128 : i32
        %dma_start3A_74 = arith.constant 0 : i32
        %dma_start3A_75 = tpu.memref_slice %arg6[%add3A_45, %dma_start3A_74] : memref<204800x128xf32, #tpu.memory_space<hbm>> -> memref<128x128xf32, #tpu.memory_space<hbm>>
        %dma_start3A_76 = arith.constant 0 : i32
        %dma_start3A_77 = tpu.memref_slice %arg6[%add3A_45, %dma_start3A_76] : memref<204800x128xf32, #tpu.memory_space<hbm>> -> memref<128x128xf32, #tpu.memory_space<hbm>>
        tpu.enqueue_dma source(%arg11 : memref<128x128xf32, #tpu.memory_space<vmem>>) target(%dma_start3A_77 : memref<128x128xf32, #tpu.memory_space<hbm>>) target_semaphore(%arg19 : memref<!tpu.dma_semaphore, #tpu.memory_space<semaphore_mem>>)
        %add3A_78 = arith.constant 2 : i32
        %add3A_79 = arith.addi %scan3A_42, %add3A_78 : i32
        %lt3A_80 = arith.constant 50 : i32
        %lt3A_81 = arith.cmpi slt, %add3A_79, %lt3A_80 : i32
        %convert_element_type3A_82 = arith.extui %lt3A_81 : i1 to i32
        %cond3A_83 = arith.constant 0 : i32
        %cond3A_84 = arith.cmpi ne, %convert_element_type3A_82, %cond3A_83 : i32
        scf.if %cond3A_84 {
          %add3A_85 = arith.constant 256 : i32
          %add3A_86 = arith.addi %add3A_45, %add3A_85 : i32
          %dma_start3A_87 = tpu.memref_slice %arg4[%add3A_86] : memref<204800xi32, #tpu.memory_space<hbm>> -> memref<128xi32, #tpu.memory_space<hbm>>
          %dma_start3A_88 = tpu.memref_slice %arg4[%add3A_86] : memref<204800xi32, #tpu.memory_space<hbm>> -> memref<128xi32, #tpu.memory_space<hbm>>
          tpu.enqueue_dma source(%dma_start3A_88 : memref<128xi32, #tpu.memory_space<hbm>>) target(%arg7 : memref<128xi32, #tpu.memory_space<vmem>>) target_semaphore(%arg15 : memref<!tpu.dma_semaphore, #tpu.memory_space<semaphore_mem>>)
          %dma_start3A_89 = tpu.memref_slice %arg5[%add3A_86] : memref<204800xi32, #tpu.memory_space<hbm>> -> memref<128xi32, #tpu.memory_space<hbm>>
          %dma_start3A_90 = tpu.memref_slice %arg5[%add3A_86] : memref<204800xi32, #tpu.memory_space<hbm>> -> memref<128xi32, #tpu.memory_space<hbm>>
          tpu.enqueue_dma source(%dma_start3A_90 : memref<128xi32, #tpu.memory_space<hbm>>) target(%arg9 : memref<128xi32, #tpu.memory_space<vmem>>) target_semaphore(%arg15 : memref<!tpu.dma_semaphore, #tpu.memory_space<semaphore_mem>>)
        } else {
        }
      } else {
      }
      %and3A_49 = arith.constant 1 : i32
      %and3A_50 = arith.andi %scan3A_42, %and3A_49 : i32
      %eq3A_51 = arith.constant 1 : i32
      %eq3A_52 = arith.cmpi eq, %and3A_50, %eq3A_51 : i32
      %convert_element_type3A_53 = arith.extui %eq3A_52 : i1 to i32
      %cond3A_54 = arith.constant 0 : i32
      %cond3A_55 = arith.cmpi ne, %convert_element_type3A_53, %cond3A_54 : i32
      scf.if %cond3A_55 {
        %add3A_56 = arith.constant 1 : i32
        %add3A_57 = arith.addi %scan3A_42, %add3A_56 : i32
        %lt3A = arith.constant 50 : i32
        %lt3A_58 = arith.cmpi slt, %add3A_57, %lt3A : i32
        %convert_element_type3A_59 = arith.extui %lt3A_58 : i1 to i32
        %cond3A_60 = arith.constant 0 : i32
        %cond3A_61 = arith.cmpi ne, %convert_element_type3A_59, %cond3A_60 : i32
        scf.if %cond3A_61 {
          %dma_wait3A_85 = arith.constant 0 : i32
          %dma_wait3A_86 = tpu.memref_slice %arg4[%dma_wait3A_85] : memref<204800xi32, #tpu.memory_space<hbm>> -> memref<128xi32, #tpu.memory_space<hbm>>
          %dma_wait3A_87 = arith.constant 0 : i32
          %dma_wait3A_88 = tpu.memref_slice %arg4[%dma_wait3A_87] : memref<204800xi32, #tpu.memory_space<hbm>> -> memref<128xi32, #tpu.memory_space<hbm>>
          tpu.wait_dma2 semaphore(%arg15 : memref<!tpu.dma_semaphore, #tpu.memory_space<semaphore_mem>>) src(%dma_wait3A_88 : memref<128xi32, #tpu.memory_space<hbm>>) dst(%arg7 : memref<128xi32, #tpu.memory_space<vmem>>)
          %dma_wait3A_89 = arith.constant 0 : i32
          %dma_wait3A_90 = tpu.memref_slice %arg5[%dma_wait3A_89] : memref<204800xi32, #tpu.memory_space<hbm>> -> memref<128xi32, #tpu.memory_space<hbm>>
          %dma_wait3A_91 = arith.constant 0 : i32
          %dma_wait3A_92 = tpu.memref_slice %arg5[%dma_wait3A_91] : memref<204800xi32, #tpu.memory_space<hbm>> -> memref<128xi32, #tpu.memory_space<hbm>>
          tpu.wait_dma2 semaphore(%arg15 : memref<!tpu.dma_semaphore, #tpu.memory_space<semaphore_mem>>) src(%dma_wait3A_92 : memref<128xi32, #tpu.memory_space<hbm>>) dst(%arg9 : memref<128xi32, #tpu.memory_space<vmem>>)
          %ge3A = arith.constant 1 : i32
          %ge3A_93 = arith.cmpi sge, %scan3A_42, %ge3A : i32
          %convert_element_type3A_94 = arith.extui %ge3A_93 : i1 to i32
          %cond3A_95 = arith.constant 0 : i32
          %cond3A_96 = arith.cmpi ne, %convert_element_type3A_94, %cond3A_95 : i32
          scf.if %cond3A_96 {
            %dma_wait3A_103 = arith.constant 0 : i32
            %dma_wait3A_104 = arith.constant 0 : i32
            %dma_wait3A_105 = tpu.memref_slice %arg6[%dma_wait3A_103, %dma_wait3A_104] : memref<204800x128xf32, #tpu.memory_space<hbm>> -> memref<128x128xf32, #tpu.memory_space<hbm>>
            %dma_wait3A_106 = arith.constant 0 : i32
            %dma_wait3A_107 = arith.constant 0 : i32
            %dma_wait3A_108 = tpu.memref_slice %arg6[%dma_wait3A_106, %dma_wait3A_107] : memref<204800x128xf32, #tpu.memory_space<hbm>> -> memref<128x128xf32, #tpu.memory_space<hbm>>
            tpu.wait_dma2 semaphore(%arg19 : memref<!tpu.dma_semaphore, #tpu.memory_space<semaphore_mem>>) src(%arg11 : memref<128x128xf32, #tpu.memory_space<vmem>>) dst(%dma_wait3A_108 : memref<128x128xf32, #tpu.memory_space<hbm>>)
          } else {
          }
          %dma_start3A_97 = arith.constant 0 : i32
          %dma_start3A_98 = arith.constant 0 : i32
          %dma_start3A_99 = tpu.memref_slice %arg2[%dma_start3A_97, %dma_start3A_98] : memref<10000x128xf32, #tpu.memory_space<hbm>> -> memref<10000x128xf32, #tpu.memory_space<hbm>>
          tpu.enqueue_indirect_dma source(%dma_start3A_99 : memref<10000x128xf32, #tpu.memory_space<hbm>>) target(%arg11 : memref<128x128xf32, #tpu.memory_space<vmem>>) offsets(%arg7 : memref<128xi32, #tpu.memory_space<vmem>>) semaphore(%arg17 : memref<!tpu.dma_semaphore, #tpu.memory_space<semaphore_mem>>)
          %dma_start3A_100 = arith.constant 0 : i32
          %dma_start3A_101 = arith.constant 0 : i32
          %dma_start3A_102 = tpu.memref_slice %arg3[%dma_start3A_100, %dma_start3A_101] : memref<10000x128xf32, #tpu.memory_space<hbm>> -> memref<10000x128xf32, #tpu.memory_space<hbm>>
          tpu.enqueue_indirect_dma source(%dma_start3A_102 : memref<10000x128xf32, #tpu.memory_space<hbm>>) target(%arg13 : memref<128x128xf32, #tpu.memory_space<vmem>>) offsets(%arg9 : memref<128xi32, #tpu.memory_space<vmem>>) semaphore(%arg17 : memref<!tpu.dma_semaphore, #tpu.memory_space<semaphore_mem>>)
        } else {
        }
        %dma_wait3A_62 = arith.constant 0 : i32
        %dma_wait3A_63 = arith.constant 0 : i32
        %dma_wait3A_64 = tpu.memref_slice %arg2[%dma_wait3A_62, %dma_wait3A_63] : memref<10000x128xf32, #tpu.memory_space<hbm>> -> memref<10000x128xf32, #tpu.memory_space<hbm>>
        tpu.wait_indirect_dma semaphore(%arg18 : memref<!tpu.dma_semaphore, #tpu.memory_space<semaphore_mem>>) src(%dma_wait3A_64 : memref<10000x128xf32, #tpu.memory_space<hbm>>) dst(%arg12 : memref<128x128xf32, #tpu.memory_space<vmem>>)
        %dma_wait3A_65 = arith.constant 0 : i32
        %dma_wait3A_66 = arith.constant 0 : i32
        %dma_wait3A_67 = tpu.memref_slice %arg3[%dma_wait3A_65, %dma_wait3A_66] : memref<10000x128xf32, #tpu.memory_space<hbm>> -> memref<10000x128xf32, #tpu.memory_space<hbm>>
        tpu.wait_indirect_dma semaphore(%arg18 : memref<!tpu.dma_semaphore, #tpu.memory_space<semaphore_mem>>) src(%dma_wait3A_67 : memref<10000x128xf32, #tpu.memory_space<hbm>>) dst(%arg14 : memref<128x128xf32, #tpu.memory_space<vmem>>)
        %scan3A_68 = arith.constant 0 : i32
        %scan3A_69 = arith.constant 0 : i32
        %scan3A_70 = arith.constant 128 : i32
        %scan3A_71 = arith.addi %scan3A_69, %scan3A_70 : i32
        %scan3A_72 = arith.constant 1 : i32
        scf.for %scan3A_85 = %scan3A_69 to %scan3A_71 step %scan3A_72  : i32 {
          %get3A = arith.index_cast %scan3A_85 : i32 to index
          %get3A_86 = arith.constant 0 : index
          %get3A_87 = tpu.vector_load %arg12[%get3A, %get3A_86] {strides = array<i32>} : memref<128x128xf32, #tpu.memory_space<vmem>>, vector<1x16xf32>,
          %get3A_88 = vector.shape_cast %get3A_87 : vector<1x16xf32> to vector<16xf32>
          %get3A_89 = arith.index_cast %scan3A_85 : i32 to index
          %get3A_90 = arith.constant 0 : index
          %get3A_91 = tpu.vector_load %arg14[%get3A_89, %get3A_90] {strides = array<i32>} : memref<128x128xf32, #tpu.memory_space<vmem>>, vector<1x16xf32>,
          %get3A_92 = vector.shape_cast %get3A_91 : vector<1x16xf32> to vector<16xf32>
          %add3A_93 = arith.addf %get3A_88, %get3A_92 : vector<16xf32>
          %swap3A = arith.index_cast %scan3A_85 : i32 to index
          %swap3A_94 = arith.constant 0 : index
          %swap3A_95 = tpu.vector_load %arg12[%swap3A, %swap3A_94] {strides = array<i32>} : memref<128x128xf32, #tpu.memory_space<vmem>>, vector<1x16xf32>,
          %swap3A_96 = vector.shape_cast %swap3A_95 : vector<1x16xf32> to vector<16xf32>
          %swap3A_97 = vector.shape_cast %add3A_93 : vector<16xf32> to vector<1x16xf32>
          tpu.vector_store %arg12[%swap3A, %swap3A_94], %swap3A_97 {strides = array<i32>} : memref<128x128xf32, #tpu.memory_space<vmem>>, vector<1x16xf32>,
          %get3A_98 = arith.index_cast %scan3A_85 : i32 to index
          %get3A_99 = arith.constant 16 : index
          %get3A_100 = tpu.vector_load %arg12[%get3A_98, %get3A_99] {strides = array<i32>} : memref<128x128xf32, #tpu.memory_space<vmem>>, vector<1x16xf32>,
          %get3A_101 = vector.shape_cast %get3A_100 : vector<1x16xf32> to vector<16xf32>
          %get3A_102 = arith.index_cast %scan3A_85 : i32 to index
          %get3A_103 = arith.constant 16 : index
          %get3A_104 = tpu.vector_load %arg14[%get3A_102, %get3A_103] {strides = array<i32>} : memref<128x128xf32, #tpu.memory_space<vmem>>, vector<1x16xf32>,
          %get3A_105 = vector.shape_cast %get3A_104 : vector<1x16xf32> to vector<16xf32>
          %add3A_106 = arith.addf %get3A_101, %get3A_105 : vector<16xf32>
          %swap3A_107 = arith.index_cast %scan3A_85 : i32 to index
          %swap3A_108 = arith.constant 16 : index
          %swap3A_109 = tpu.vector_load %arg12[%swap3A_107, %swap3A_108] {strides = array<i32>} : memref<128x128xf32, #tpu.memory_space<vmem>>, vector<1x16xf32>,
          %swap3A_110 = vector.shape_cast %swap3A_109 : vector<1x16xf32> to vector<16xf32>
          %swap3A_111 = vector.shape_cast %add3A_106 : vector<16xf32> to vector<1x16xf32>
          tpu.vector_store %arg12[%swap3A_107, %swap3A_108], %swap3A_111 {strides = array<i32>} : memref<128x128xf32, #tpu.memory_space<vmem>>, vector<1x16xf32>,
          %get3A_112 = arith.index_cast %scan3A_85 : i32 to index
          %get3A_113 = arith.constant 32 : index
          %get3A_114 = tpu.vector_load %arg12[%get3A_112, %get3A_113] {strides = array<i32>} : memref<128x128xf32, #tpu.memory_space<vmem>>, vector<1x16xf32>,
          %get3A_115 = vector.shape_cast %get3A_114 : vector<1x16xf32> to vector<16xf32>
          %get3A_116 = arith.index_cast %scan3A_85 : i32 to index
          %get3A_117 = arith.constant 32 : index
          %get3A_118 = tpu.vector_load %arg14[%get3A_116, %get3A_117] {strides = array<i32>} : memref<128x128xf32, #tpu.memory_space<vmem>>, vector<1x16xf32>,
          %get3A_119 = vector.shape_cast %get3A_118 : vector<1x16xf32> to vector<16xf32>
          %add3A_120 = arith.addf %get3A_115, %get3A_119 : vector<16xf32>
          %swap3A_121 = arith.index_cast %scan3A_85 : i32 to index
          %swap3A_122 = arith.constant 32 : index
          %swap3A_123 = tpu.vector_load %arg12[%swap3A_121, %swap3A_122] {strides = array<i32>} : memref<128x128xf32, #tpu.memory_space<vmem>>, vector<1x16xf32>,
          %swap3A_124 = vector.shape_cast %swap3A_123 : vector<1x16xf32> to vector<16xf32>
          %swap3A_125 = vector.shape_cast %add3A_120 : vector<16xf32> to vector<1x16xf32>
          tpu.vector_store %arg12[%swap3A_121, %swap3A_122], %swap3A_125 {strides = array<i32>} : memref<128x128xf32, #tpu.memory_space<vmem>>, vector<1x16xf32>,
          %get3A_126 = arith.index_cast %scan3A_85 : i32 to index
          %get3A_127 = arith.constant 48 : index
          %get3A_128 = tpu.vector_load %arg12[%get3A_126, %get3A_127] {strides = array<i32>} : memref<128x128xf32, #tpu.memory_space<vmem>>, vector<1x16xf32>,
          %get3A_129 = vector.shape_cast %get3A_128 : vector<1x16xf32> to vector<16xf32>
          %get3A_130 = arith.index_cast %scan3A_85 : i32 to index
          %get3A_131 = arith.constant 48 : index
          %get3A_132 = tpu.vector_load %arg14[%get3A_130, %get3A_131] {strides = array<i32>} : memref<128x128xf32, #tpu.memory_space<vmem>>, vector<1x16xf32>,
          %get3A_133 = vector.shape_cast %get3A_132 : vector<1x16xf32> to vector<16xf32>
          %add3A_134 = arith.addf %get3A_129, %get3A_133 : vector<16xf32>
          %swap3A_135 = arith.index_cast %scan3A_85 : i32 to index
          %swap3A_136 = arith.constant 48 : index
          %swap3A_137 = tpu.vector_load %arg12[%swap3A_135, %swap3A_136] {strides = array<i32>} : memref<128x128xf32, #tpu.memory_space<vmem>>, vector<1x16xf32>,
          %swap3A_138 = vector.shape_cast %swap3A_137 : vector<1x16xf32> to vector<16xf32>
          %swap3A_139 = vector.shape_cast %add3A_134 : vector<16xf32> to vector<1x16xf32>
          tpu.vector_store %arg12[%swap3A_135, %swap3A_136], %swap3A_139 {strides = array<i32>} : memref<128x128xf32, #tpu.memory_space<vmem>>, vector<1x16xf32>,
          %get3A_140 = arith.index_cast %scan3A_85 : i32 to index
          %get3A_141 = arith.constant 64 : index
          %get3A_142 = tpu.vector_load %arg12[%get3A_140, %get3A_141] {strides = array<i32>} : memref<128x128xf32, #tpu.memory_space<vmem>>, vector<1x16xf32>,
          %get3A_143 = vector.shape_cast %get3A_142 : vector<1x16xf32> to vector<16xf32>
          %get3A_144 = arith.index_cast %scan3A_85 : i32 to index
          %get3A_145 = arith.constant 64 : index
          %get3A_146 = tpu.vector_load %arg14[%get3A_144, %get3A_145] {strides = array<i32>} : memref<128x128xf32, #tpu.memory_space<vmem>>, vector<1x16xf32>,
          %get3A_147 = vector.shape_cast %get3A_146 : vector<1x16xf32> to vector<16xf32>
          %add3A_148 = arith.addf %get3A_143, %get3A_147 : vector<16xf32>
          %swap3A_149 = arith.index_cast %scan3A_85 : i32 to index
          %swap3A_150 = arith.constant 64 : index
          %swap3A_151 = tpu.vector_load %arg12[%swap3A_149, %swap3A_150] {strides = array<i32>} : memref<128x128xf32, #tpu.memory_space<vmem>>, vector<1x16xf32>,
          %swap3A_152 = vector.shape_cast %swap3A_151 : vector<1x16xf32> to vector<16xf32>
          %swap3A_153 = vector.shape_cast %add3A_148 : vector<16xf32> to vector<1x16xf32>
          tpu.vector_store %arg12[%swap3A_149, %swap3A_150], %swap3A_153 {strides = array<i32>} : memref<128x128xf32, #tpu.memory_space<vmem>>, vector<1x16xf32>,
          %get3A_154 = arith.index_cast %scan3A_85 : i32 to index
          %get3A_155 = arith.constant 80 : index
          %get3A_156 = tpu.vector_load %arg12[%get3A_154, %get3A_155] {strides = array<i32>} : memref<128x128xf32, #tpu.memory_space<vmem>>, vector<1x16xf32>,
          %get3A_157 = vector.shape_cast %get3A_156 : vector<1x16xf32> to vector<16xf32>
          %get3A_158 = arith.index_cast %scan3A_85 : i32 to index
          %get3A_159 = arith.constant 80 : index
          %get3A_160 = tpu.vector_load %arg14[%get3A_158, %get3A_159] {strides = array<i32>} : memref<128x128xf32, #tpu.memory_space<vmem>>, vector<1x16xf32>,
          %get3A_161 = vector.shape_cast %get3A_160 : vector<1x16xf32> to vector<16xf32>
          %add3A_162 = arith.addf %get3A_157, %get3A_161 : vector<16xf32>
          %swap3A_163 = arith.index_cast %scan3A_85 : i32 to index
          %swap3A_164 = arith.constant 80 : index
          %swap3A_165 = tpu.vector_load %arg12[%swap3A_163, %swap3A_164] {strides = array<i32>} : memref<128x128xf32, #tpu.memory_space<vmem>>, vector<1x16xf32>,
          %swap3A_166 = vector.shape_cast %swap3A_165 : vector<1x16xf32> to vector<16xf32>
          %swap3A_167 = vector.shape_cast %add3A_162 : vector<16xf32> to vector<1x16xf32>
          tpu.vector_store %arg12[%swap3A_163, %swap3A_164], %swap3A_167 {strides = array<i32>} : memref<128x128xf32, #tpu.memory_space<vmem>>, vector<1x16xf32>,
          %get3A_168 = arith.index_cast %scan3A_85 : i32 to index
          %get3A_169 = arith.constant 96 : index
          %get3A_170 = tpu.vector_load %arg12[%get3A_168, %get3A_169] {strides = array<i32>} : memref<128x128xf32, #tpu.memory_space<vmem>>, vector<1x16xf32>,
          %get3A_171 = vector.shape_cast %get3A_170 : vector<1x16xf32> to vector<16xf32>
          %get3A_172 = arith.index_cast %scan3A_85 : i32 to index
          %get3A_173 = arith.constant 96 : index
          %get3A_174 = tpu.vector_load %arg14[%get3A_172, %get3A_173] {strides = array<i32>} : memref<128x128xf32, #tpu.memory_space<vmem>>, vector<1x16xf32>,
          %get3A_175 = vector.shape_cast %get3A_174 : vector<1x16xf32> to vector<16xf32>
          %add3A_176 = arith.addf %get3A_171, %get3A_175 : vector<16xf32>
          %swap3A_177 = arith.index_cast %scan3A_85 : i32 to index
          %swap3A_178 = arith.constant 96 : index
          %swap3A_179 = tpu.vector_load %arg12[%swap3A_177, %swap3A_178] {strides = array<i32>} : memref<128x128xf32, #tpu.memory_space<vmem>>, vector<1x16xf32>,
          %swap3A_180 = vector.shape_cast %swap3A_179 : vector<1x16xf32> to vector<16xf32>
          %swap3A_181 = vector.shape_cast %add3A_176 : vector<16xf32> to vector<1x16xf32>
          tpu.vector_store %arg12[%swap3A_177, %swap3A_178], %swap3A_181 {strides = array<i32>} : memref<128x128xf32, #tpu.memory_space<vmem>>, vector<1x16xf32>,
          %get3A_182 = arith.index_cast %scan3A_85 : i32 to index
          %get3A_183 = arith.constant 112 : index
          %get3A_184 = tpu.vector_load %arg12[%get3A_182, %get3A_183] {strides = array<i32>} : memref<128x128xf32, #tpu.memory_space<vmem>>, vector<1x16xf32>,
          %get3A_185 = vector.shape_cast %get3A_184 : vector<1x16xf32> to vector<16xf32>
          %get3A_186 = arith.index_cast %scan3A_85 : i32 to index
          %get3A_187 = arith.constant 112 : index
          %get3A_188 = tpu.vector_load %arg14[%get3A_186, %get3A_187] {strides = array<i32>} : memref<128x128xf32, #tpu.memory_space<vmem>>, vector<1x16xf32>,
          %get3A_189 = vector.shape_cast %get3A_188 : vector<1x16xf32> to vector<16xf32>
          %add3A_190 = arith.addf %get3A_185, %get3A_189 : vector<16xf32>
          %swap3A_191 = arith.index_cast %scan3A_85 : i32 to index
          %swap3A_192 = arith.constant 112 : index
          %swap3A_193 = tpu.vector_load %arg12[%swap3A_191, %swap3A_192] {strides = array<i32>} : memref<128x128xf32, #tpu.memory_space<vmem>>, vector<1x16xf32>,
          %swap3A_194 = vector.shape_cast %swap3A_193 : vector<1x16xf32> to vector<16xf32>
          %swap3A_195 = vector.shape_cast %add3A_190 : vector<16xf32> to vector<1x16xf32>
          tpu.vector_store %arg12[%swap3A_191, %swap3A_192], %swap3A_195 {strides = array<i32>} : memref<128x128xf32, #tpu.memory_space<vmem>>, vector<1x16xf32>,
        }
        %scan3A_73 = arith.constant 128 : i32
        %dma_start3A_74 = arith.constant 0 : i32
        %dma_start3A_75 = tpu.memref_slice %arg6[%add3A_45, %dma_start3A_74] : memref<204800x128xf32, #tpu.memory_space<hbm>> -> memref<128x128xf32, #tpu.memory_space<hbm>>
        %dma_start3A_76 = arith.constant 0 : i32
        %dma_start3A_77 = tpu.memref_slice %arg6[%add3A_45, %dma_start3A_76] : memref<204800x128xf32, #tpu.memory_space<hbm>> -> memref<128x128xf32, #tpu.memory_space<hbm>>
        tpu.enqueue_dma source(%arg12 : memref<128x128xf32, #tpu.memory_space<vmem>>) target(%dma_start3A_77 : memref<128x128xf32, #tpu.memory_space<hbm>>) target_semaphore(%arg20 : memref<!tpu.dma_semaphore, #tpu.memory_space<semaphore_mem>>)
        %add3A_78 = arith.constant 2 : i32
        %add3A_79 = arith.addi %scan3A_42, %add3A_78 : i32
        %lt3A_80 = arith.constant 50 : i32
        %lt3A_81 = arith.cmpi slt, %add3A_79, %lt3A_80 : i32
        %convert_element_type3A_82 = arith.extui %lt3A_81 : i1 to i32
        %cond3A_83 = arith.constant 0 : i32
        %cond3A_84 = arith.cmpi ne, %convert_element_type3A_82, %cond3A_83 : i32
        scf.if %cond3A_84 {
          %add3A_85 = arith.constant 256 : i32
          %add3A_86 = arith.addi %add3A_45, %add3A_85 : i32
          %dma_start3A_87 = tpu.memref_slice %arg4[%add3A_86] : memref<204800xi32, #tpu.memory_space<hbm>> -> memref<128xi32, #tpu.memory_space<hbm>>
          %dma_start3A_88 = tpu.memref_slice %arg4[%add3A_86] : memref<204800xi32, #tpu.memory_space<hbm>> -> memref<128xi32, #tpu.memory_space<hbm>>
          tpu.enqueue_dma source(%dma_start3A_88 : memref<128xi32, #tpu.memory_space<hbm>>) target(%arg8 : memref<128xi32, #tpu.memory_space<vmem>>) target_semaphore(%arg16 : memref<!tpu.dma_semaphore, #tpu.memory_space<semaphore_mem>>)
          %dma_start3A_89 = tpu.memref_slice %arg5[%add3A_86] : memref<204800xi32, #tpu.memory_space<hbm>> -> memref<128xi32, #tpu.memory_space<hbm>>
          %dma_start3A_90 = tpu.memref_slice %arg5[%add3A_86] : memref<204800xi32, #tpu.memory_space<hbm>> -> memref<128xi32, #tpu.memory_space<hbm>>
          tpu.enqueue_dma source(%dma_start3A_90 : memref<128xi32, #tpu.memory_space<hbm>>) target(%arg10 : memref<128xi32, #tpu.memory_space<vmem>>) target_semaphore(%arg16 : memref<!tpu.dma_semaphore, #tpu.memory_space<semaphore_mem>>)
        } else {
        }
      } else {
      }
    }
    %scan3A_29 = arith.constant 50 : i32
    %dma_wait3A_30 = arith.constant 0 : i32
    %dma_wait3A_31 = arith.constant 0 : i32
    %dma_wait3A_32 = tpu.memref_slice %arg6[%dma_wait3A_30, %dma_wait3A_31] : memref<204800x128xf32, #tpu.memory_space<hbm>> -> memref<128x128xf32, #tpu.memory_space<hbm>>
    %dma_wait3A_33 = arith.constant 0 : i32
    %dma_wait3A_34 = arith.constant 0 : i32
    %dma_wait3A_35 = tpu.memref_slice %arg6[%dma_wait3A_33, %dma_wait3A_34] : memref<204800x128xf32, #tpu.memory_space<hbm>> -> memref<128x128xf32, #tpu.memory_space<hbm>>
    tpu.wait_dma2 semaphore(%arg19 : memref<!tpu.dma_semaphore, #tpu.memory_space<semaphore_mem>>) src(%arg11 : memref<128x128xf32, #tpu.memory_space<vmem>>) dst(%dma_wait3A_35 : memref<128x128xf32, #tpu.memory_space<hbm>>)
    %dma_wait3A_36 = arith.constant 0 : i32
    %dma_wait3A_37 = arith.constant 0 : i32
    %dma_wait3A_38 = tpu.memref_slice %arg6[%dma_wait3A_36, %dma_wait3A_37] : memref<204800x128xf32, #tpu.memory_space<hbm>> -> memref<128x128xf32, #tpu.memory_space<hbm>>
    %dma_wait3A_39 = arith.constant 0 : i32
    %dma_wait3A_40 = arith.constant 0 : i32
    %dma_wait3A_41 = tpu.memref_slice %arg6[%dma_wait3A_39, %dma_wait3A_40] : memref<204800x128xf32, #tpu.memory_space<hbm>> -> memref<128x128xf32, #tpu.memory_space<hbm>>
    tpu.wait_dma2 semaphore(%arg20 : memref<!tpu.dma_semaphore, #tpu.memory_space<semaphore_mem>>) src(%arg12 : memref<128x128xf32, #tpu.memory_space<vmem>>) dst(%dma_wait3A_41 : memref<128x128xf32, #tpu.memory_space<hbm>>)
    return
  }
}

#map = affine_map<(d0, d1) -> (0, 0)>
#map1 = affine_map<(d0, d1) -> (0)>
#map2 = affine_map<(d0, d1) -> (0, 0, 0)>
module attributes {stable_mosaic.version = 14 : i64} {
  func.func @k(%arg0: i32, %arg1: i32, %arg2: memref<204800x128xf32, #tpu.memory_space<hbm>>, %arg3: memref<204800xi32, #tpu.memory_space<hbm>>, %arg4: memref<10112x128xf32, #tpu.memory_space<hbm>>, %arg5: memref<2x10112x128xf32, #tpu.memory_space<hbm>>, %arg6: memref<128xi32, #tpu.memory_space<vmem>>, %arg7: memref<128xi32, #tpu.memory_space<vmem>>, %arg8: memref<128x128xf32, #tpu.memory_space<vmem>>, %arg9: memref<128x128xf32, #tpu.memory_space<vmem>>, %arg10: memref<10112x128xf32, #tpu.memory_space<vmem_shared>>, %arg11: memref<!tpu.dma_semaphore, #tpu.memory_space<semaphore_mem>>, %arg12: memref<!tpu.dma_semaphore, #tpu.memory_space<semaphore_mem>>, %arg13: memref<!tpu.dma_semaphore, #tpu.memory_space<semaphore_mem>>, %arg14: memref<!tpu.dma_semaphore, #tpu.memory_space<semaphore_mem>>) attributes {dimension_semantics = [#tpu.dimension_semantics<core_parallel>, #tpu.dimension_semantics<subcore_parallel>], iteration_bounds = array<i64: 2, 16>, scalar_prefetch = 0 : i64, scratch_operands = 9 : i64, tpu.core_type = #tpu.core_type<sc_vector_subcore>, window_params = [{transform_indices = #map}, {transform_indices = #map1}, {transform_indices = #map}, {transform_indices = #map2}]} {
    %mul3A = arith.constant 632 : i32
    %mul3A_0 = arith.muli %arg1, %mul3A : i32
    "tpu.region"() ({
      %run_scoped3A = tpu.sem_alloc : memref<!tpu.dma_semaphore, #tpu.memory_space<semaphore_mem>>
      %dma_start3A_18 = arith.constant 0 : i32
      %dma_start3A_19 = tpu.memref_slice %arg10[%mul3A_0, %dma_start3A_18] : memref<10112x128xf32, #tpu.memory_space<vmem_shared>> -> memref<632x128xf32, #tpu.memory_space<vmem_shared>>
      %dma_start3A_20 = arith.constant 0 : i32
      %dma_start3A_21 = tpu.memref_slice %arg4[%mul3A_0, %dma_start3A_20] : memref<10112x128xf32, #tpu.memory_space<hbm>> -> memref<632x128xf32, #tpu.memory_space<hbm>>
      tpu.enqueue_dma source(%dma_start3A_21 : memref<632x128xf32, #tpu.memory_space<hbm>>) target(%dma_start3A_19 : memref<632x128xf32, #tpu.memory_space<vmem_shared>>) target_semaphore(%run_scoped3A : memref<!tpu.dma_semaphore, #tpu.memory_space<semaphore_mem>>)
      %dma_wait3A_22 = arith.constant 0 : i32
      %dma_wait3A_23 = tpu.memref_slice %arg10[%mul3A_0, %dma_wait3A_22] : memref<10112x128xf32, #tpu.memory_space<vmem_shared>> -> memref<632x128xf32, #tpu.memory_space<vmem_shared>>
      %dma_wait3A_24 = arith.constant 0 : i32
      %dma_wait3A_25 = tpu.memref_slice %arg4[%mul3A_0, %dma_wait3A_24] : memref<10112x128xf32, #tpu.memory_space<hbm>> -> memref<632x128xf32, #tpu.memory_space<hbm>>
      tpu.wait_dma2 semaphore(%run_scoped3A : memref<!tpu.dma_semaphore, #tpu.memory_space<semaphore_mem>>) src(%dma_wait3A_25 : memref<632x128xf32, #tpu.memory_space<hbm>>) dst(%dma_wait3A_23 : memref<632x128xf32, #tpu.memory_space<vmem_shared>>)
      tpu.yield
    }) : () -> ()
    %barrier3A = arith.constant 0 : index
    tpu.barrier barrier_id(%barrier3A)
    %mul3A_1 = arith.constant 16 : i32
    %mul3A_2 = arith.muli %arg0, %mul3A_1 : i32
    %add3A = arith.addi %mul3A_2, %arg1 : i32
    %mul3A_3 = arith.constant 6400 : i32
    %mul3A_4 = arith.muli %add3A, %mul3A_3 : i32
    %dma_start3A = tpu.memref_slice %arg3[%mul3A_4] : memref<204800xi32, #tpu.memory_space<hbm>> -> memref<128xi32, #tpu.memory_space<hbm>>
    %dma_start3A_5 = tpu.memref_slice %arg3[%mul3A_4] : memref<204800xi32, #tpu.memory_space<hbm>> -> memref<128xi32, #tpu.memory_space<hbm>>
    tpu.enqueue_dma source(%dma_start3A_5 : memref<128xi32, #tpu.memory_space<hbm>>) target(%arg6 : memref<128xi32, #tpu.memory_space<vmem>>) target_semaphore(%arg11 : memref<!tpu.dma_semaphore, #tpu.memory_space<semaphore_mem>>)
    %dma_start3A_6 = arith.constant 0 : i32
    %dma_start3A_7 = tpu.memref_slice %arg2[%mul3A_4, %dma_start3A_6] : memref<204800x128xf32, #tpu.memory_space<hbm>> -> memref<128x128xf32, #tpu.memory_space<hbm>>
    %dma_start3A_8 = arith.constant 0 : i32
    %dma_start3A_9 = tpu.memref_slice %arg2[%mul3A_4, %dma_start3A_8] : memref<204800x128xf32, #tpu.memory_space<hbm>> -> memref<128x128xf32, #tpu.memory_space<hbm>>
    tpu.enqueue_dma source(%dma_start3A_9 : memref<128x128xf32, #tpu.memory_space<hbm>>) target(%arg8 : memref<128x128xf32, #tpu.memory_space<vmem>>) target_semaphore(%arg11 : memref<!tpu.dma_semaphore, #tpu.memory_space<semaphore_mem>>)
    %scan3A = arith.constant 0 : i32
    %scan3A_10 = arith.constant 0 : i32
    %scan3A_11 = arith.constant 50 : i32
    %scan3A_12 = arith.addi %scan3A_10, %scan3A_11 : i32
    %scan3A_13 = arith.constant 1 : i32
    scf.for %scan3A_18 = %scan3A_10 to %scan3A_12 step %scan3A_13  : i32 {
      %mul3A_19 = arith.constant 128 : i32
      %mul3A_20 = arith.muli %scan3A_18, %mul3A_19 : i32
      %add3A_21 = arith.addi %mul3A_4, %mul3A_20 : i32
      %and3A = arith.constant 1 : i32
      %and3A_22 = arith.andi %scan3A_18, %and3A : i32
      %eq3A = arith.constant 0 : i32
      %eq3A_23 = arith.cmpi eq, %and3A_22, %eq3A : i32
      %convert_element_type3A = arith.extui %eq3A_23 : i1 to i32
      %cond3A = arith.constant 0 : i32
      %cond3A_24 = arith.cmpi ne, %convert_element_type3A, %cond3A : i32
      scf.if %cond3A_24 {
        %dma_wait3A_32 = arith.constant 0 : i32
        %dma_wait3A_33 = tpu.memref_slice %arg3[%dma_wait3A_32] : memref<204800xi32, #tpu.memory_space<hbm>> -> memref<128xi32, #tpu.memory_space<hbm>>
        %dma_wait3A_34 = arith.constant 0 : i32
        %dma_wait3A_35 = tpu.memref_slice %arg3[%dma_wait3A_34] : memref<204800xi32, #tpu.memory_space<hbm>> -> memref<128xi32, #tpu.memory_space<hbm>>
        tpu.wait_dma2 semaphore(%arg11 : memref<!tpu.dma_semaphore, #tpu.memory_space<semaphore_mem>>) src(%dma_wait3A_35 : memref<128xi32, #tpu.memory_space<hbm>>) dst(%arg6 : memref<128xi32, #tpu.memory_space<vmem>>)
        %dma_wait3A_36 = arith.constant 0 : i32
        %dma_wait3A_37 = arith.constant 0 : i32
        %dma_wait3A_38 = tpu.memref_slice %arg2[%dma_wait3A_36, %dma_wait3A_37] : memref<204800x128xf32, #tpu.memory_space<hbm>> -> memref<128x128xf32, #tpu.memory_space<hbm>>
        %dma_wait3A_39 = arith.constant 0 : i32
        %dma_wait3A_40 = arith.constant 0 : i32
        %dma_wait3A_41 = tpu.memref_slice %arg2[%dma_wait3A_39, %dma_wait3A_40] : memref<204800x128xf32, #tpu.memory_space<hbm>> -> memref<128x128xf32, #tpu.memory_space<hbm>>
        tpu.wait_dma2 semaphore(%arg11 : memref<!tpu.dma_semaphore, #tpu.memory_space<semaphore_mem>>) src(%dma_wait3A_41 : memref<128x128xf32, #tpu.memory_space<hbm>>) dst(%arg8 : memref<128x128xf32, #tpu.memory_space<vmem>>)
        %ge3A = arith.constant 1 : i32
        %ge3A_42 = arith.cmpi sge, %scan3A_18, %ge3A : i32
        %convert_element_type3A_43 = arith.extui %ge3A_42 : i1 to i32
        %cond3A_44 = arith.constant 0 : i32
        %cond3A_45 = arith.cmpi ne, %convert_element_type3A_43, %cond3A_44 : i32
        scf.if %cond3A_45 {
          %dma_wait3A_55 = arith.constant 0 : i32
          %dma_wait3A_56 = arith.constant 0 : i32
          %dma_wait3A_57 = tpu.memref_slice %arg10[%dma_wait3A_55, %dma_wait3A_56] : memref<10112x128xf32, #tpu.memory_space<vmem_shared>> -> memref<10112x128xf32, #tpu.memory_space<vmem_shared>>
          tpu.wait_indirect_dma semaphore(%arg14 : memref<!tpu.dma_semaphore, #tpu.memory_space<semaphore_mem>>) src(%arg9 : memref<128x128xf32, #tpu.memory_space<vmem>>) dst(%dma_wait3A_57 : memref<10112x128xf32, #tpu.memory_space<vmem_shared>>)
        } else {
        }
        %add3A_46 = arith.constant 1 : i32
        %add3A_47 = arith.addi %scan3A_18, %add3A_46 : i32
        %lt3A = arith.constant 50 : i32
        %lt3A_48 = arith.cmpi slt, %add3A_47, %lt3A : i32
        %convert_element_type3A_49 = arith.extui %lt3A_48 : i1 to i32
        %cond3A_50 = arith.constant 0 : i32
        %cond3A_51 = arith.cmpi ne, %convert_element_type3A_49, %cond3A_50 : i32
        scf.if %cond3A_51 {
          %add3A_55 = arith.constant 128 : i32
          %add3A_56 = arith.addi %add3A_21, %add3A_55 : i32
          %dma_start3A_57 = tpu.memref_slice %arg3[%add3A_56] : memref<204800xi32, #tpu.memory_space<hbm>> -> memref<128xi32, #tpu.memory_space<hbm>>
          %dma_start3A_58 = tpu.memref_slice %arg3[%add3A_56] : memref<204800xi32, #tpu.memory_space<hbm>> -> memref<128xi32, #tpu.memory_space<hbm>>
          tpu.enqueue_dma source(%dma_start3A_58 : memref<128xi32, #tpu.memory_space<hbm>>) target(%arg7 : memref<128xi32, #tpu.memory_space<vmem>>) target_semaphore(%arg12 : memref<!tpu.dma_semaphore, #tpu.memory_space<semaphore_mem>>)
          %dma_start3A_59 = arith.constant 0 : i32
          %dma_start3A_60 = tpu.memref_slice %arg2[%add3A_56, %dma_start3A_59] : memref<204800x128xf32, #tpu.memory_space<hbm>> -> memref<128x128xf32, #tpu.memory_space<hbm>>
          %dma_start3A_61 = arith.constant 0 : i32
          %dma_start3A_62 = tpu.memref_slice %arg2[%add3A_56, %dma_start3A_61] : memref<204800x128xf32, #tpu.memory_space<hbm>> -> memref<128x128xf32, #tpu.memory_space<hbm>>
          tpu.enqueue_dma source(%dma_start3A_62 : memref<128x128xf32, #tpu.memory_space<hbm>>) target(%arg9 : memref<128x128xf32, #tpu.memory_space<vmem>>) target_semaphore(%arg12 : memref<!tpu.dma_semaphore, #tpu.memory_space<semaphore_mem>>)
        } else {
        }
        %dma_start3A_52 = arith.constant 0 : i32
        %dma_start3A_53 = arith.constant 0 : i32
        %dma_start3A_54 = tpu.memref_slice %arg10[%dma_start3A_52, %dma_start3A_53] : memref<10112x128xf32, #tpu.memory_space<vmem_shared>> -> memref<10112x128xf32, #tpu.memory_space<vmem_shared>>
        tpu.enqueue_indirect_dma source(%arg8 : memref<128x128xf32, #tpu.memory_space<vmem>>) target(%dma_start3A_54 : memref<10112x128xf32, #tpu.memory_space<vmem_shared>>) offsets(%arg6 : memref<128xi32, #tpu.memory_space<vmem>>) semaphore(%arg13 : memref<!tpu.dma_semaphore, #tpu.memory_space<semaphore_mem>>) {add = true}
      } else {
      }
      %and3A_25 = arith.constant 1 : i32
      %and3A_26 = arith.andi %scan3A_18, %and3A_25 : i32
      %eq3A_27 = arith.constant 1 : i32
      %eq3A_28 = arith.cmpi eq, %and3A_26, %eq3A_27 : i32
      %convert_element_type3A_29 = arith.extui %eq3A_28 : i1 to i32
      %cond3A_30 = arith.constant 0 : i32
      %cond3A_31 = arith.cmpi ne, %convert_element_type3A_29, %cond3A_30 : i32
      scf.if %cond3A_31 {
        %dma_wait3A_32 = arith.constant 0 : i32
        %dma_wait3A_33 = tpu.memref_slice %arg3[%dma_wait3A_32] : memref<204800xi32, #tpu.memory_space<hbm>> -> memref<128xi32, #tpu.memory_space<hbm>>
        %dma_wait3A_34 = arith.constant 0 : i32
        %dma_wait3A_35 = tpu.memref_slice %arg3[%dma_wait3A_34] : memref<204800xi32, #tpu.memory_space<hbm>> -> memref<128xi32, #tpu.memory_space<hbm>>
        tpu.wait_dma2 semaphore(%arg12 : memref<!tpu.dma_semaphore, #tpu.memory_space<semaphore_mem>>) src(%dma_wait3A_35 : memref<128xi32, #tpu.memory_space<hbm>>) dst(%arg7 : memref<128xi32, #tpu.memory_space<vmem>>)
        %dma_wait3A_36 = arith.constant 0 : i32
        %dma_wait3A_37 = arith.constant 0 : i32
        %dma_wait3A_38 = tpu.memref_slice %arg2[%dma_wait3A_36, %dma_wait3A_37] : memref<204800x128xf32, #tpu.memory_space<hbm>> -> memref<128x128xf32, #tpu.memory_space<hbm>>
        %dma_wait3A_39 = arith.constant 0 : i32
        %dma_wait3A_40 = arith.constant 0 : i32
        %dma_wait3A_41 = tpu.memref_slice %arg2[%dma_wait3A_39, %dma_wait3A_40] : memref<204800x128xf32, #tpu.memory_space<hbm>> -> memref<128x128xf32, #tpu.memory_space<hbm>>
        tpu.wait_dma2 semaphore(%arg12 : memref<!tpu.dma_semaphore, #tpu.memory_space<semaphore_mem>>) src(%dma_wait3A_41 : memref<128x128xf32, #tpu.memory_space<hbm>>) dst(%arg9 : memref<128x128xf32, #tpu.memory_space<vmem>>)
        %ge3A = arith.constant 1 : i32
        %ge3A_42 = arith.cmpi sge, %scan3A_18, %ge3A : i32
        %convert_element_type3A_43 = arith.extui %ge3A_42 : i1 to i32
        %cond3A_44 = arith.constant 0 : i32
        %cond3A_45 = arith.cmpi ne, %convert_element_type3A_43, %cond3A_44 : i32
        scf.if %cond3A_45 {
          %dma_wait3A_55 = arith.constant 0 : i32
          %dma_wait3A_56 = arith.constant 0 : i32
          %dma_wait3A_57 = tpu.memref_slice %arg10[%dma_wait3A_55, %dma_wait3A_56] : memref<10112x128xf32, #tpu.memory_space<vmem_shared>> -> memref<10112x128xf32, #tpu.memory_space<vmem_shared>>
          tpu.wait_indirect_dma semaphore(%arg13 : memref<!tpu.dma_semaphore, #tpu.memory_space<semaphore_mem>>) src(%arg8 : memref<128x128xf32, #tpu.memory_space<vmem>>) dst(%dma_wait3A_57 : memref<10112x128xf32, #tpu.memory_space<vmem_shared>>)
        } else {
        }
        %add3A_46 = arith.constant 1 : i32
        %add3A_47 = arith.addi %scan3A_18, %add3A_46 : i32
        %lt3A = arith.constant 50 : i32
        %lt3A_48 = arith.cmpi slt, %add3A_47, %lt3A : i32
        %convert_element_type3A_49 = arith.extui %lt3A_48 : i1 to i32
        %cond3A_50 = arith.constant 0 : i32
        %cond3A_51 = arith.cmpi ne, %convert_element_type3A_49, %cond3A_50 : i32
        scf.if %cond3A_51 {
          %add3A_55 = arith.constant 128 : i32
          %add3A_56 = arith.addi %add3A_21, %add3A_55 : i32
          %dma_start3A_57 = tpu.memref_slice %arg3[%add3A_56] : memref<204800xi32, #tpu.memory_space<hbm>> -> memref<128xi32, #tpu.memory_space<hbm>>
          %dma_start3A_58 = tpu.memref_slice %arg3[%add3A_56] : memref<204800xi32, #tpu.memory_space<hbm>> -> memref<128xi32, #tpu.memory_space<hbm>>
          tpu.enqueue_dma source(%dma_start3A_58 : memref<128xi32, #tpu.memory_space<hbm>>) target(%arg6 : memref<128xi32, #tpu.memory_space<vmem>>) target_semaphore(%arg11 : memref<!tpu.dma_semaphore, #tpu.memory_space<semaphore_mem>>)
          %dma_start3A_59 = arith.constant 0 : i32
          %dma_start3A_60 = tpu.memref_slice %arg2[%add3A_56, %dma_start3A_59] : memref<204800x128xf32, #tpu.memory_space<hbm>> -> memref<128x128xf32, #tpu.memory_space<hbm>>
          %dma_start3A_61 = arith.constant 0 : i32
          %dma_start3A_62 = tpu.memref_slice %arg2[%add3A_56, %dma_start3A_61] : memref<204800x128xf32, #tpu.memory_space<hbm>> -> memref<128x128xf32, #tpu.memory_space<hbm>>
          tpu.enqueue_dma source(%dma_start3A_62 : memref<128x128xf32, #tpu.memory_space<hbm>>) target(%arg8 : memref<128x128xf32, #tpu.memory_space<vmem>>) target_semaphore(%arg11 : memref<!tpu.dma_semaphore, #tpu.memory_space<semaphore_mem>>)
        } else {
        }
        %dma_start3A_52 = arith.constant 0 : i32
        %dma_start3A_53 = arith.constant 0 : i32
        %dma_start3A_54 = tpu.memref_slice %arg10[%dma_start3A_52, %dma_start3A_53] : memref<10112x128xf32, #tpu.memory_space<vmem_shared>> -> memref<10112x128xf32, #tpu.memory_space<vmem_shared>>
        tpu.enqueue_indirect_dma source(%arg9 : memref<128x128xf32, #tpu.memory_space<vmem>>) target(%dma_start3A_54 : memref<10112x128xf32, #tpu.memory_space<vmem_shared>>) offsets(%arg7 : memref<128xi32, #tpu.memory_space<vmem>>) semaphore(%arg14 : memref<!tpu.dma_semaphore, #tpu.memory_space<semaphore_mem>>) {add = true}
      } else {
      }
    }
    %scan3A_14 = arith.constant 50 : i32
    %dma_wait3A = arith.constant 0 : i32
    %dma_wait3A_15 = arith.constant 0 : i32
    %dma_wait3A_16 = tpu.memref_slice %arg10[%dma_wait3A, %dma_wait3A_15] : memref<10112x128xf32, #tpu.memory_space<vmem_shared>> -> memref<10112x128xf32, #tpu.memory_space<vmem_shared>>
    tpu.wait_indirect_dma semaphore(%arg14 : memref<!tpu.dma_semaphore, #tpu.memory_space<semaphore_mem>>) src(%arg9 : memref<128x128xf32, #tpu.memory_space<vmem>>) dst(%dma_wait3A_16 : memref<10112x128xf32, #tpu.memory_space<vmem_shared>>)
    %barrier3A_17 = arith.constant 0 : index
    tpu.barrier barrier_id(%barrier3A_17)
    "tpu.region"() ({
      %run_scoped3A = tpu.sem_alloc : memref<!tpu.dma_semaphore, #tpu.memory_space<semaphore_mem>>
      %dma_start3A_18 = arith.constant 0 : i32
      %dma_start3A_19 = tpu.memref_slice %arg5[%arg0, %mul3A_0, %dma_start3A_18] : memref<2x10112x128xf32, #tpu.memory_space<hbm>> -> memref<1x632x128xf32, #tpu.memory_space<hbm>>
      %dma_start3A_20 = tpu.memref_squeeze %dma_start3A_19 : memref<1x632x128xf32, #tpu.memory_space<hbm>> -> memref<632x128xf32, #tpu.memory_space<hbm>>
      %dma_start3A_21 = arith.constant 0 : i32
      %dma_start3A_22 = tpu.memref_slice %arg10[%mul3A_0, %dma_start3A_21] : memref<10112x128xf32, #tpu.memory_space<vmem_shared>> -> memref<632x128xf32, #tpu.memory_space<vmem_shared>>
      tpu.enqueue_dma source(%dma_start3A_22 : memref<632x128xf32, #tpu.memory_space<vmem_shared>>) target(%dma_start3A_20 : memref<632x128xf32, #tpu.memory_space<hbm>>) target_semaphore(%run_scoped3A : memref<!tpu.dma_semaphore, #tpu.memory_space<semaphore_mem>>)
      %dma_wait3A_23 = arith.constant 0 : i32
      %dma_wait3A_24 = tpu.memref_slice %arg5[%arg0, %mul3A_0, %dma_wait3A_23] : memref<2x10112x128xf32, #tpu.memory_space<hbm>> -> memref<1x632x128xf32, #tpu.memory_space<hbm>>
      %dma_wait3A_25 = tpu.memref_squeeze %dma_wait3A_24 : memref<1x632x128xf32, #tpu.memory_space<hbm>> -> memref<632x128xf32, #tpu.memory_space<hbm>>
      %dma_wait3A_26 = arith.constant 0 : i32
      %dma_wait3A_27 = tpu.memref_slice %arg10[%mul3A_0, %dma_wait3A_26] : memref<10112x128xf32, #tpu.memory_space<vmem_shared>> -> memref<632x128xf32, #tpu.memory_space<vmem_shared>>
      tpu.wait_dma2 semaphore(%run_scoped3A : memref<!tpu.dma_semaphore, #tpu.memory_space<semaphore_mem>>) src(%dma_wait3A_27 : memref<632x128xf32, #tpu.memory_space<vmem_shared>>) dst(%dma_wait3A_25 : memref<632x128xf32, #tpu.memory_space<hbm>>)
      tpu.yield
    }) : () -> ()
    return
  }
}

#map = affine_map<(d0, d1) -> (0, 0)>
#map1 = affine_map<(d0, d1) -> (0)>
#map2 = affine_map<(d0, d1) -> (0, 0, 0)>
module attributes {stable_mosaic.version = 14 : i64} {
  func.func @k(%arg0: i32, %arg1: i32, %arg2: memref<115200x128xf32, #tpu.memory_space<hbm>>, %arg3: memref<115200xi32, #tpu.memory_space<hbm>>, %arg4: memref<10112x128xf32, #tpu.memory_space<hbm>>, %arg5: memref<2x10112x128xf32, #tpu.memory_space<hbm>>, %arg6: memref<120xi32, #tpu.memory_space<vmem>>, %arg7: memref<120xi32, #tpu.memory_space<vmem>>, %arg8: memref<120x128xf32, #tpu.memory_space<vmem>>, %arg9: memref<120x128xf32, #tpu.memory_space<vmem>>, %arg10: memref<10112x128xf32, #tpu.memory_space<vmem_shared>>, %arg11: memref<!tpu.dma_semaphore, #tpu.memory_space<semaphore_mem>>, %arg12: memref<!tpu.dma_semaphore, #tpu.memory_space<semaphore_mem>>, %arg13: memref<!tpu.dma_semaphore, #tpu.memory_space<semaphore_mem>>, %arg14: memref<!tpu.dma_semaphore, #tpu.memory_space<semaphore_mem>>) attributes {dimension_semantics = [#tpu.dimension_semantics<core_parallel>, #tpu.dimension_semantics<subcore_parallel>], iteration_bounds = array<i64: 2, 16>, scalar_prefetch = 0 : i64, scratch_operands = 9 : i64, tpu.core_type = #tpu.core_type<sc_vector_subcore>, window_params = [{transform_indices = #map}, {transform_indices = #map1}, {transform_indices = #map}, {transform_indices = #map2}]} {
    %mul3A = arith.constant 632 : i32
    %mul3A_0 = arith.muli %arg1, %mul3A : i32
    "tpu.region"() ({
      %run_scoped3A = tpu.sem_alloc : memref<!tpu.dma_semaphore, #tpu.memory_space<semaphore_mem>>
      %dma_start3A_18 = arith.constant 0 : i32
      %dma_start3A_19 = tpu.memref_slice %arg10[%mul3A_0, %dma_start3A_18] : memref<10112x128xf32, #tpu.memory_space<vmem_shared>> -> memref<632x128xf32, #tpu.memory_space<vmem_shared>>
      %dma_start3A_20 = arith.constant 0 : i32
      %dma_start3A_21 = tpu.memref_slice %arg4[%mul3A_0, %dma_start3A_20] : memref<10112x128xf32, #tpu.memory_space<hbm>> -> memref<632x128xf32, #tpu.memory_space<hbm>>
      tpu.enqueue_dma source(%dma_start3A_21 : memref<632x128xf32, #tpu.memory_space<hbm>>) target(%dma_start3A_19 : memref<632x128xf32, #tpu.memory_space<vmem_shared>>) target_semaphore(%run_scoped3A : memref<!tpu.dma_semaphore, #tpu.memory_space<semaphore_mem>>)
      %dma_wait3A_22 = arith.constant 0 : i32
      %dma_wait3A_23 = tpu.memref_slice %arg10[%mul3A_0, %dma_wait3A_22] : memref<10112x128xf32, #tpu.memory_space<vmem_shared>> -> memref<632x128xf32, #tpu.memory_space<vmem_shared>>
      %dma_wait3A_24 = arith.constant 0 : i32
      %dma_wait3A_25 = tpu.memref_slice %arg4[%mul3A_0, %dma_wait3A_24] : memref<10112x128xf32, #tpu.memory_space<hbm>> -> memref<632x128xf32, #tpu.memory_space<hbm>>
      tpu.wait_dma2 semaphore(%run_scoped3A : memref<!tpu.dma_semaphore, #tpu.memory_space<semaphore_mem>>) src(%dma_wait3A_25 : memref<632x128xf32, #tpu.memory_space<hbm>>) dst(%dma_wait3A_23 : memref<632x128xf32, #tpu.memory_space<vmem_shared>>)
      tpu.yield
    }) : () -> ()
    %barrier3A = arith.constant 0 : index
    tpu.barrier barrier_id(%barrier3A)
    %mul3A_1 = arith.constant 16 : i32
    %mul3A_2 = arith.muli %arg0, %mul3A_1 : i32
    %add3A = arith.addi %mul3A_2, %arg1 : i32
    %mul3A_3 = arith.constant 3600 : i32
    %mul3A_4 = arith.muli %add3A, %mul3A_3 : i32
    %dma_start3A = tpu.memref_slice %arg3[%mul3A_4] : memref<115200xi32, #tpu.memory_space<hbm>> -> memref<120xi32, #tpu.memory_space<hbm>>
    %dma_start3A_5 = tpu.memref_slice %arg3[%mul3A_4] : memref<115200xi32, #tpu.memory_space<hbm>> -> memref<120xi32, #tpu.memory_space<hbm>>
    tpu.enqueue_dma source(%dma_start3A_5 : memref<120xi32, #tpu.memory_space<hbm>>) target(%arg6 : memref<120xi32, #tpu.memory_space<vmem>>) target_semaphore(%arg11 : memref<!tpu.dma_semaphore, #tpu.memory_space<semaphore_mem>>)
    %dma_start3A_6 = arith.constant 0 : i32
    %dma_start3A_7 = tpu.memref_slice %arg2[%mul3A_4, %dma_start3A_6] : memref<115200x128xf32, #tpu.memory_space<hbm>> -> memref<120x128xf32, #tpu.memory_space<hbm>>
    %dma_start3A_8 = arith.constant 0 : i32
    %dma_start3A_9 = tpu.memref_slice %arg2[%mul3A_4, %dma_start3A_8] : memref<115200x128xf32, #tpu.memory_space<hbm>> -> memref<120x128xf32, #tpu.memory_space<hbm>>
    tpu.enqueue_dma source(%dma_start3A_9 : memref<120x128xf32, #tpu.memory_space<hbm>>) target(%arg8 : memref<120x128xf32, #tpu.memory_space<vmem>>) target_semaphore(%arg11 : memref<!tpu.dma_semaphore, #tpu.memory_space<semaphore_mem>>)
    %scan3A = arith.constant 0 : i32
    %scan3A_10 = arith.constant 0 : i32
    %scan3A_11 = arith.constant 30 : i32
    %scan3A_12 = arith.addi %scan3A_10, %scan3A_11 : i32
    %scan3A_13 = arith.constant 1 : i32
    scf.for %scan3A_18 = %scan3A_10 to %scan3A_12 step %scan3A_13  : i32 {
      %mul3A_19 = arith.constant 120 : i32
      %mul3A_20 = arith.muli %scan3A_18, %mul3A_19 : i32
      %add3A_21 = arith.addi %mul3A_4, %mul3A_20 : i32
      %and3A = arith.constant 1 : i32
      %and3A_22 = arith.andi %scan3A_18, %and3A : i32
      %eq3A = arith.constant 0 : i32
      %eq3A_23 = arith.cmpi eq, %and3A_22, %eq3A : i32
      %convert_element_type3A = arith.extui %eq3A_23 : i1 to i32
      %cond3A = arith.constant 0 : i32
      %cond3A_24 = arith.cmpi ne, %convert_element_type3A, %cond3A : i32
      scf.if %cond3A_24 {
        %dma_wait3A_32 = arith.constant 0 : i32
        %dma_wait3A_33 = tpu.memref_slice %arg3[%dma_wait3A_32] : memref<115200xi32, #tpu.memory_space<hbm>> -> memref<120xi32, #tpu.memory_space<hbm>>
        %dma_wait3A_34 = arith.constant 0 : i32
        %dma_wait3A_35 = tpu.memref_slice %arg3[%dma_wait3A_34] : memref<115200xi32, #tpu.memory_space<hbm>> -> memref<120xi32, #tpu.memory_space<hbm>>
        tpu.wait_dma2 semaphore(%arg11 : memref<!tpu.dma_semaphore, #tpu.memory_space<semaphore_mem>>) src(%dma_wait3A_35 : memref<120xi32, #tpu.memory_space<hbm>>) dst(%arg6 : memref<120xi32, #tpu.memory_space<vmem>>)
        %dma_wait3A_36 = arith.constant 0 : i32
        %dma_wait3A_37 = arith.constant 0 : i32
        %dma_wait3A_38 = tpu.memref_slice %arg2[%dma_wait3A_36, %dma_wait3A_37] : memref<115200x128xf32, #tpu.memory_space<hbm>> -> memref<120x128xf32, #tpu.memory_space<hbm>>
        %dma_wait3A_39 = arith.constant 0 : i32
        %dma_wait3A_40 = arith.constant 0 : i32
        %dma_wait3A_41 = tpu.memref_slice %arg2[%dma_wait3A_39, %dma_wait3A_40] : memref<115200x128xf32, #tpu.memory_space<hbm>> -> memref<120x128xf32, #tpu.memory_space<hbm>>
        tpu.wait_dma2 semaphore(%arg11 : memref<!tpu.dma_semaphore, #tpu.memory_space<semaphore_mem>>) src(%dma_wait3A_41 : memref<120x128xf32, #tpu.memory_space<hbm>>) dst(%arg8 : memref<120x128xf32, #tpu.memory_space<vmem>>)
        %ge3A = arith.constant 1 : i32
        %ge3A_42 = arith.cmpi sge, %scan3A_18, %ge3A : i32
        %convert_element_type3A_43 = arith.extui %ge3A_42 : i1 to i32
        %cond3A_44 = arith.constant 0 : i32
        %cond3A_45 = arith.cmpi ne, %convert_element_type3A_43, %cond3A_44 : i32
        scf.if %cond3A_45 {
          %dma_wait3A_55 = arith.constant 0 : i32
          %dma_wait3A_56 = arith.constant 0 : i32
          %dma_wait3A_57 = tpu.memref_slice %arg10[%dma_wait3A_55, %dma_wait3A_56] : memref<10112x128xf32, #tpu.memory_space<vmem_shared>> -> memref<10112x128xf32, #tpu.memory_space<vmem_shared>>
          tpu.wait_indirect_dma semaphore(%arg14 : memref<!tpu.dma_semaphore, #tpu.memory_space<semaphore_mem>>) src(%arg9 : memref<120x128xf32, #tpu.memory_space<vmem>>) dst(%dma_wait3A_57 : memref<10112x128xf32, #tpu.memory_space<vmem_shared>>)
        } else {
        }
        %add3A_46 = arith.constant 1 : i32
        %add3A_47 = arith.addi %scan3A_18, %add3A_46 : i32
        %lt3A = arith.constant 30 : i32
        %lt3A_48 = arith.cmpi slt, %add3A_47, %lt3A : i32
        %convert_element_type3A_49 = arith.extui %lt3A_48 : i1 to i32
        %cond3A_50 = arith.constant 0 : i32
        %cond3A_51 = arith.cmpi ne, %convert_element_type3A_49, %cond3A_50 : i32
        scf.if %cond3A_51 {
          %add3A_55 = arith.constant 120 : i32
          %add3A_56 = arith.addi %add3A_21, %add3A_55 : i32
          %dma_start3A_57 = tpu.memref_slice %arg3[%add3A_56] : memref<115200xi32, #tpu.memory_space<hbm>> -> memref<120xi32, #tpu.memory_space<hbm>>
          %dma_start3A_58 = tpu.memref_slice %arg3[%add3A_56] : memref<115200xi32, #tpu.memory_space<hbm>> -> memref<120xi32, #tpu.memory_space<hbm>>
          tpu.enqueue_dma source(%dma_start3A_58 : memref<120xi32, #tpu.memory_space<hbm>>) target(%arg7 : memref<120xi32, #tpu.memory_space<vmem>>) target_semaphore(%arg12 : memref<!tpu.dma_semaphore, #tpu.memory_space<semaphore_mem>>)
          %dma_start3A_59 = arith.constant 0 : i32
          %dma_start3A_60 = tpu.memref_slice %arg2[%add3A_56, %dma_start3A_59] : memref<115200x128xf32, #tpu.memory_space<hbm>> -> memref<120x128xf32, #tpu.memory_space<hbm>>
          %dma_start3A_61 = arith.constant 0 : i32
          %dma_start3A_62 = tpu.memref_slice %arg2[%add3A_56, %dma_start3A_61] : memref<115200x128xf32, #tpu.memory_space<hbm>> -> memref<120x128xf32, #tpu.memory_space<hbm>>
          tpu.enqueue_dma source(%dma_start3A_62 : memref<120x128xf32, #tpu.memory_space<hbm>>) target(%arg9 : memref<120x128xf32, #tpu.memory_space<vmem>>) target_semaphore(%arg12 : memref<!tpu.dma_semaphore, #tpu.memory_space<semaphore_mem>>)
        } else {
        }
        %dma_start3A_52 = arith.constant 0 : i32
        %dma_start3A_53 = arith.constant 0 : i32
        %dma_start3A_54 = tpu.memref_slice %arg10[%dma_start3A_52, %dma_start3A_53] : memref<10112x128xf32, #tpu.memory_space<vmem_shared>> -> memref<10112x128xf32, #tpu.memory_space<vmem_shared>>
        tpu.enqueue_indirect_dma source(%arg8 : memref<120x128xf32, #tpu.memory_space<vmem>>) target(%dma_start3A_54 : memref<10112x128xf32, #tpu.memory_space<vmem_shared>>) offsets(%arg6 : memref<120xi32, #tpu.memory_space<vmem>>) semaphore(%arg13 : memref<!tpu.dma_semaphore, #tpu.memory_space<semaphore_mem>>) {add = true}
      } else {
      }
      %and3A_25 = arith.constant 1 : i32
      %and3A_26 = arith.andi %scan3A_18, %and3A_25 : i32
      %eq3A_27 = arith.constant 1 : i32
      %eq3A_28 = arith.cmpi eq, %and3A_26, %eq3A_27 : i32
      %convert_element_type3A_29 = arith.extui %eq3A_28 : i1 to i32
      %cond3A_30 = arith.constant 0 : i32
      %cond3A_31 = arith.cmpi ne, %convert_element_type3A_29, %cond3A_30 : i32
      scf.if %cond3A_31 {
        %dma_wait3A_32 = arith.constant 0 : i32
        %dma_wait3A_33 = tpu.memref_slice %arg3[%dma_wait3A_32] : memref<115200xi32, #tpu.memory_space<hbm>> -> memref<120xi32, #tpu.memory_space<hbm>>
        %dma_wait3A_34 = arith.constant 0 : i32
        %dma_wait3A_35 = tpu.memref_slice %arg3[%dma_wait3A_34] : memref<115200xi32, #tpu.memory_space<hbm>> -> memref<120xi32, #tpu.memory_space<hbm>>
        tpu.wait_dma2 semaphore(%arg12 : memref<!tpu.dma_semaphore, #tpu.memory_space<semaphore_mem>>) src(%dma_wait3A_35 : memref<120xi32, #tpu.memory_space<hbm>>) dst(%arg7 : memref<120xi32, #tpu.memory_space<vmem>>)
        %dma_wait3A_36 = arith.constant 0 : i32
        %dma_wait3A_37 = arith.constant 0 : i32
        %dma_wait3A_38 = tpu.memref_slice %arg2[%dma_wait3A_36, %dma_wait3A_37] : memref<115200x128xf32, #tpu.memory_space<hbm>> -> memref<120x128xf32, #tpu.memory_space<hbm>>
        %dma_wait3A_39 = arith.constant 0 : i32
        %dma_wait3A_40 = arith.constant 0 : i32
        %dma_wait3A_41 = tpu.memref_slice %arg2[%dma_wait3A_39, %dma_wait3A_40] : memref<115200x128xf32, #tpu.memory_space<hbm>> -> memref<120x128xf32, #tpu.memory_space<hbm>>
        tpu.wait_dma2 semaphore(%arg12 : memref<!tpu.dma_semaphore, #tpu.memory_space<semaphore_mem>>) src(%dma_wait3A_41 : memref<120x128xf32, #tpu.memory_space<hbm>>) dst(%arg9 : memref<120x128xf32, #tpu.memory_space<vmem>>)
        %ge3A = arith.constant 1 : i32
        %ge3A_42 = arith.cmpi sge, %scan3A_18, %ge3A : i32
        %convert_element_type3A_43 = arith.extui %ge3A_42 : i1 to i32
        %cond3A_44 = arith.constant 0 : i32
        %cond3A_45 = arith.cmpi ne, %convert_element_type3A_43, %cond3A_44 : i32
        scf.if %cond3A_45 {
          %dma_wait3A_55 = arith.constant 0 : i32
          %dma_wait3A_56 = arith.constant 0 : i32
          %dma_wait3A_57 = tpu.memref_slice %arg10[%dma_wait3A_55, %dma_wait3A_56] : memref<10112x128xf32, #tpu.memory_space<vmem_shared>> -> memref<10112x128xf32, #tpu.memory_space<vmem_shared>>
          tpu.wait_indirect_dma semaphore(%arg13 : memref<!tpu.dma_semaphore, #tpu.memory_space<semaphore_mem>>) src(%arg8 : memref<120x128xf32, #tpu.memory_space<vmem>>) dst(%dma_wait3A_57 : memref<10112x128xf32, #tpu.memory_space<vmem_shared>>)
        } else {
        }
        %add3A_46 = arith.constant 1 : i32
        %add3A_47 = arith.addi %scan3A_18, %add3A_46 : i32
        %lt3A = arith.constant 30 : i32
        %lt3A_48 = arith.cmpi slt, %add3A_47, %lt3A : i32
        %convert_element_type3A_49 = arith.extui %lt3A_48 : i1 to i32
        %cond3A_50 = arith.constant 0 : i32
        %cond3A_51 = arith.cmpi ne, %convert_element_type3A_49, %cond3A_50 : i32
        scf.if %cond3A_51 {
          %add3A_55 = arith.constant 120 : i32
          %add3A_56 = arith.addi %add3A_21, %add3A_55 : i32
          %dma_start3A_57 = tpu.memref_slice %arg3[%add3A_56] : memref<115200xi32, #tpu.memory_space<hbm>> -> memref<120xi32, #tpu.memory_space<hbm>>
          %dma_start3A_58 = tpu.memref_slice %arg3[%add3A_56] : memref<115200xi32, #tpu.memory_space<hbm>> -> memref<120xi32, #tpu.memory_space<hbm>>
          tpu.enqueue_dma source(%dma_start3A_58 : memref<120xi32, #tpu.memory_space<hbm>>) target(%arg6 : memref<120xi32, #tpu.memory_space<vmem>>) target_semaphore(%arg11 : memref<!tpu.dma_semaphore, #tpu.memory_space<semaphore_mem>>)
          %dma_start3A_59 = arith.constant 0 : i32
          %dma_start3A_60 = tpu.memref_slice %arg2[%add3A_56, %dma_start3A_59] : memref<115200x128xf32, #tpu.memory_space<hbm>> -> memref<120x128xf32, #tpu.memory_space<hbm>>
          %dma_start3A_61 = arith.constant 0 : i32
          %dma_start3A_62 = tpu.memref_slice %arg2[%add3A_56, %dma_start3A_61] : memref<115200x128xf32, #tpu.memory_space<hbm>> -> memref<120x128xf32, #tpu.memory_space<hbm>>
          tpu.enqueue_dma source(%dma_start3A_62 : memref<120x128xf32, #tpu.memory_space<hbm>>) target(%arg8 : memref<120x128xf32, #tpu.memory_space<vmem>>) target_semaphore(%arg11 : memref<!tpu.dma_semaphore, #tpu.memory_space<semaphore_mem>>)
        } else {
        }
        %dma_start3A_52 = arith.constant 0 : i32
        %dma_start3A_53 = arith.constant 0 : i32
        %dma_start3A_54 = tpu.memref_slice %arg10[%dma_start3A_52, %dma_start3A_53] : memref<10112x128xf32, #tpu.memory_space<vmem_shared>> -> memref<10112x128xf32, #tpu.memory_space<vmem_shared>>
        tpu.enqueue_indirect_dma source(%arg9 : memref<120x128xf32, #tpu.memory_space<vmem>>) target(%dma_start3A_54 : memref<10112x128xf32, #tpu.memory_space<vmem_shared>>) offsets(%arg7 : memref<120xi32, #tpu.memory_space<vmem>>) semaphore(%arg14 : memref<!tpu.dma_semaphore, #tpu.memory_space<semaphore_mem>>) {add = true}
      } else {
      }
    }
    %scan3A_14 = arith.constant 30 : i32
    %dma_wait3A = arith.constant 0 : i32
    %dma_wait3A_15 = arith.constant 0 : i32
    %dma_wait3A_16 = tpu.memref_slice %arg10[%dma_wait3A, %dma_wait3A_15] : memref<10112x128xf32, #tpu.memory_space<vmem_shared>> -> memref<10112x128xf32, #tpu.memory_space<vmem_shared>>
    tpu.wait_indirect_dma semaphore(%arg14 : memref<!tpu.dma_semaphore, #tpu.memory_space<semaphore_mem>>) src(%arg9 : memref<120x128xf32, #tpu.memory_space<vmem>>) dst(%dma_wait3A_16 : memref<10112x128xf32, #tpu.memory_space<vmem_shared>>)
    %barrier3A_17 = arith.constant 0 : index
    tpu.barrier barrier_id(%barrier3A_17)
    "tpu.region"() ({
      %run_scoped3A = tpu.sem_alloc : memref<!tpu.dma_semaphore, #tpu.memory_space<semaphore_mem>>
      %dma_start3A_18 = arith.constant 0 : i32
      %dma_start3A_19 = tpu.memref_slice %arg5[%arg0, %mul3A_0, %dma_start3A_18] : memref<2x10112x128xf32, #tpu.memory_space<hbm>> -> memref<1x632x128xf32, #tpu.memory_space<hbm>>
      %dma_start3A_20 = tpu.memref_squeeze %dma_start3A_19 : memref<1x632x128xf32, #tpu.memory_space<hbm>> -> memref<632x128xf32, #tpu.memory_space<hbm>>
      %dma_start3A_21 = arith.constant 0 : i32
      %dma_start3A_22 = tpu.memref_slice %arg10[%mul3A_0, %dma_start3A_21] : memref<10112x128xf32, #tpu.memory_space<vmem_shared>> -> memref<632x128xf32, #tpu.memory_space<vmem_shared>>
      tpu.enqueue_dma source(%dma_start3A_22 : memref<632x128xf32, #tpu.memory_space<vmem_shared>>) target(%dma_start3A_20 : memref<632x128xf32, #tpu.memory_space<hbm>>) target_semaphore(%run_scoped3A : memref<!tpu.dma_semaphore, #tpu.memory_space<semaphore_mem>>)
      %dma_wait3A_23 = arith.constant 0 : i32
      %dma_wait3A_24 = tpu.memref_slice %arg5[%arg0, %mul3A_0, %dma_wait3A_23] : memref<2x10112x128xf32, #tpu.memory_space<hbm>> -> memref<1x632x128xf32, #tpu.memory_space<hbm>>
      %dma_wait3A_25 = tpu.memref_squeeze %dma_wait3A_24 : memref<1x632x128xf32, #tpu.memory_space<hbm>> -> memref<632x128xf32, #tpu.memory_space<hbm>>
      %dma_wait3A_26 = arith.constant 0 : i32
      %dma_wait3A_27 = tpu.memref_slice %arg10[%mul3A_0, %dma_wait3A_26] : memref<10112x128xf32, #tpu.memory_space<vmem_shared>> -> memref<632x128xf32, #tpu.memory_space<vmem_shared>>
      tpu.wait_dma2 semaphore(%run_scoped3A : memref<!tpu.dma_semaphore, #tpu.memory_space<semaphore_mem>>) src(%dma_wait3A_27 : memref<632x128xf32, #tpu.memory_space<vmem_shared>>) dst(%dma_wait3A_25 : memref<632x128xf32, #tpu.memory_space<hbm>>)
      tpu.yield
    }) : () -> ()
    return
  }
}

module attributes {stable_mosaic.version = 14 : i64} {
  func.func @body(%arg0: i32, %arg1: memref<3200x128xf32, #tpu.memory_space<vmem>>, %arg2: memref<3200x128xf32, #tpu.memory_space<vmem>>, %arg3: memref<128x128xf32, #tpu.memory_space<vmem>>, %arg4: memref<128x64xf32, #tpu.memory_space<vmem>>, %arg5: memref<64x1xf32, #tpu.memory_space<vmem>>, %arg6: memref<1x1xf32, #tpu.memory_space<vmem>>, %arg7: memref<3200x128xf32, #tpu.memory_space<vmem>>, %arg8: memref<3200x1xf32, #tpu.memory_space<vmem>>) attributes {dimension_semantics = [#tpu.dimension_semantics<arbitrary>], iteration_bounds = array<i64: 64>, scalar_prefetch = 0 : i64, scratch_operands = 0 : i64, tpu.core_type = #tpu.core_type<tc>, window_params = [{transform_indices = @transform_0, window_bounds = array<i64: 3200, 128>}, {transform_indices = @transform_1, window_bounds = array<i64: 3200, 128>}, {pipeline_mode = #tpu.pipeline_mode<synchronous>, transform_indices = @transform_2, window_bounds = array<i64: 128, 128>}, {pipeline_mode = #tpu.pipeline_mode<synchronous>, transform_indices = @transform_3, window_bounds = array<i64: 128, 64>}, {pipeline_mode = #tpu.pipeline_mode<synchronous>, transform_indices = @transform_4, window_bounds = array<i64: 64, 1>}, {pipeline_mode = #tpu.pipeline_mode<synchronous>, transform_indices = @transform_5, window_bounds = array<i64: 1, 1>}, {transform_indices = @transform_6, window_bounds = array<i64: 3200, 128>}, {transform_indices = @transform_7, window_bounds = array<i64: 3200, 1>}]} {
    %get3A = arith.constant 0 : index
    %get3A_0 = arith.constant 0 : index
    %get3A_1 = vector.load %arg1[%get3A, %get3A_0] : memref<3200x128xf32, #tpu.memory_space<vmem>>, vector<3200x128xf32>
    %get3A_2 = arith.constant 0 : index
    %get3A_3 = arith.constant 0 : index
    %get3A_4 = vector.load %arg2[%get3A_2, %get3A_3] : memref<3200x128xf32, #tpu.memory_space<vmem>>, vector<3200x128xf32>
    %add3A = arith.addf %get3A_1, %get3A_4 : vector<3200x128xf32>
    %get3A_5 = arith.constant 0 : index
    %get3A_6 = arith.constant 0 : index
    %get3A_7 = vector.load %arg3[%get3A_5, %get3A_6] : memref<128x128xf32, #tpu.memory_space<vmem>>, vector<128x128xf32>
    %dot_general3A = arith.constant dense<0.000000e+00> : vector<3200x128xf32>
    %dot_general3A_8 = tpu.matmul %add3A, %get3A_7, %dot_general3A {dimension_numbers = #tpu.dot_dimension_numbers<[1], [0], [0], [1], [0, 0, 1, 1], [], []>, transpose_lhs_hint = false} : vector<3200x128xf32>, vector<128x128xf32>, vector<3200x128xf32> -> vector<3200x128xf32>
    %get3A_9 = arith.constant 0 : index
    %get3A_10 = arith.constant 0 : index
    %get3A_11 = vector.load %arg4[%get3A_9, %get3A_10] : memref<128x64xf32, #tpu.memory_space<vmem>>, vector<128x64xf32>
    %dot_general3A_12 = arith.constant dense<0.000000e+00> : vector<3200x64xf32>
    %dot_general3A_13 = tpu.matmul %dot_general3A_8, %get3A_11, %dot_general3A_12 {dimension_numbers = #tpu.dot_dimension_numbers<[1], [0], [0], [1], [0, 0, 1, 1], [], []>, transpose_lhs_hint = false} : vector<3200x128xf32>, vector<128x64xf32>, vector<3200x64xf32> -> vector<3200x64xf32>
    %max3A = arith.constant 0.000000e+00 : f32
    %max3A_14 = vector.broadcast %max3A : f32 to vector<3200x64xf32>
    %max3A_15 = arith.maximumf %dot_general3A_13, %max3A_14 : vector<3200x64xf32>
    %get3A_16 = arith.constant 0 : index
    %get3A_17 = arith.constant 0 : index
    %get3A_18 = vector.load %arg5[%get3A_16, %get3A_17] : memref<64x1xf32, #tpu.memory_space<vmem>>, vector<64x1xf32>
    %dot_general3A_19 = arith.constant dense<0.000000e+00> : vector<3200x1xf32>
    %dot_general3A_20 = tpu.matmul %max3A_15, %get3A_18, %dot_general3A_19 {dimension_numbers = #tpu.dot_dimension_numbers<[1], [0], [0], [1], [0, 0, 1, 1], [], []>, transpose_lhs_hint = false} : vector<3200x64xf32>, vector<64x1xf32>, vector<3200x1xf32> -> vector<3200x1xf32>
    %get3A_21 = arith.constant 0 : index
    %get3A_22 = arith.constant 0 : index
    %get3A_23 = vector.load %arg6[%get3A_21, %get3A_22] : memref<1x1xf32, #tpu.memory_space<vmem>>, vector<1x1xf32>
    %get3A_24 = vector.extract %get3A_23[0, 0] : f32 from vector<1x1xf32>
    %add3A_25 = vector.broadcast %get3A_24 : f32 to vector<3200x1xf32>
    %add3A_26 = arith.addf %dot_general3A_20, %add3A_25 : vector<3200x1xf32>
    %logistic3A = arith.negf %add3A_26 : vector<3200x1xf32>
    %logistic3A_27 = math.exp %logistic3A : vector<3200x1xf32>
    %logistic3A_28 = arith.constant 1.000000e+00 : f32
    %logistic3A_29 = vector.broadcast %logistic3A_28 : f32 to vector<3200x1xf32>
    %logistic3A_30 = arith.addf %logistic3A_29, %logistic3A_27 : vector<3200x1xf32>
    %logistic3A_31 = arith.divf %logistic3A_29, %logistic3A_30 : vector<3200x1xf32>
    %mul3A = vector.broadcast %logistic3A_31 : vector<3200x1xf32> to vector<3200x128xf32>
    %mul3A_32 = arith.mulf %mul3A, %dot_general3A_8 : vector<3200x128xf32>
    %swap3A = arith.constant 0 : index
    %swap3A_33 = arith.constant 0 : index
    %swap3A_34 = vector.load %arg7[%swap3A, %swap3A_33] : memref<3200x128xf32, #tpu.memory_space<vmem>>, vector<3200x128xf32>
    tpu.vector_store %arg7[%swap3A, %swap3A_33], %mul3A_32 {strides = array<i32>} : memref<3200x128xf32, #tpu.memory_space<vmem>>, vector<3200x128xf32>,
    %swap3A_35 = arith.constant 0 : index
    %swap3A_36 = arith.constant 0 : index
    %swap3A_37 = vector.load %arg8[%swap3A_35, %swap3A_36] : memref<3200x1xf32, #tpu.memory_space<vmem>>, vector<3200x1xf32>
    tpu.vector_store %arg8[%swap3A_35, %swap3A_36], %logistic3A_31 {strides = array<i32>} : memref<3200x1xf32, #tpu.memory_space<vmem>>, vector<3200x1xf32>,
    return
  }
  func.func @transform_0(%arg0: i32) -> (i32, i32) {
    %c0_i32 = arith.constant 0 : i32
    %c0_i32_0 = arith.constant 0 : i32
    return %arg0, %c0_i32 : i32, i32
  }
  func.func @transform_1(%arg0: i32) -> (i32, i32) {
    %add3A = arith.constant 0 : i32
    %add3A_0 = arith.addi %arg0, %add3A : i32
    %c0_i32 = arith.constant 0 : i32
    %c0_i32_1 = arith.constant 0 : i32
    return %add3A_0, %c0_i32 : i32, i32
  }
  func.func @transform_2(%arg0: i32) -> (i32, i32) {
    %c0_i32 = arith.constant 0 : i32
    %c0_i32_0 = arith.constant 0 : i32
    %c0_i32_1 = arith.constant 0 : i32
    return %c0_i32, %c0_i32_0 : i32, i32
  }
  func.func @transform_3(%arg0: i32) -> (i32, i32) {
    %c0_i32 = arith.constant 0 : i32
    %c0_i32_0 = arith.constant 0 : i32
    %c0_i32_1 = arith.constant 0 : i32
    return %c0_i32, %c0_i32_0 : i32, i32
  }
  func.func @transform_4(%arg0: i32) -> (i32, i32) {
    %c0_i32 = arith.constant 0 : i32
    %c0_i32_0 = arith.constant 0 : i32
    %c0_i32_1 = arith.constant 0 : i32
    return %c0_i32, %c0_i32_0 : i32, i32
  }
  func.func @transform_5(%arg0: i32) -> (i32, i32) {
    %c0_i32 = arith.constant 0 : i32
    %c0_i32_0 = arith.constant 0 : i32
    %c0_i32_1 = arith.constant 0 : i32
    return %c0_i32, %c0_i32_0 : i32, i32
  }
  func.func @transform_6(%arg0: i32) -> (i32, i32) {
    %c0_i32 = arith.constant 0 : i32
    %c0_i32_0 = arith.constant 0 : i32
    return %arg0, %c0_i32 : i32, i32
  }
  func.func @transform_7(%arg0: i32) -> (i32, i32) {
    %c0_i32 = arith.constant 0 : i32
    %c0_i32_0 = arith.constant 0 : i32
    return %arg0, %c0_i32 : i32, i32
  }
}

module attributes {stable_mosaic.version = 14 : i64} {
  func.func @body(%arg0: i32, %arg1: memref<3200x128xf32, #tpu.memory_space<vmem>>, %arg2: memref<3200x128xf32, #tpu.memory_space<vmem>>, %arg3: memref<128x128xf32, #tpu.memory_space<vmem>>, %arg4: memref<128x64xf32, #tpu.memory_space<vmem>>, %arg5: memref<64x1xf32, #tpu.memory_space<vmem>>, %arg6: memref<1x1xf32, #tpu.memory_space<vmem>>, %arg7: memref<3200x128xf32, #tpu.memory_space<vmem>>, %arg8: memref<3200x1xf32, #tpu.memory_space<vmem>>) attributes {dimension_semantics = [#tpu.dimension_semantics<arbitrary>], iteration_bounds = array<i64: 36>, scalar_prefetch = 0 : i64, scratch_operands = 0 : i64, tpu.core_type = #tpu.core_type<tc>, window_params = [{transform_indices = @transform_0, window_bounds = array<i64: 3200, 128>}, {transform_indices = @transform_1, window_bounds = array<i64: 3200, 128>}, {pipeline_mode = #tpu.pipeline_mode<synchronous>, transform_indices = @transform_2, window_bounds = array<i64: 128, 128>}, {pipeline_mode = #tpu.pipeline_mode<synchronous>, transform_indices = @transform_3, window_bounds = array<i64: 128, 64>}, {pipeline_mode = #tpu.pipeline_mode<synchronous>, transform_indices = @transform_4, window_bounds = array<i64: 64, 1>}, {pipeline_mode = #tpu.pipeline_mode<synchronous>, transform_indices = @transform_5, window_bounds = array<i64: 1, 1>}, {transform_indices = @transform_6, window_bounds = array<i64: 3200, 128>}, {transform_indices = @transform_7, window_bounds = array<i64: 3200, 1>}]} {
    %get3A = arith.constant 0 : index
    %get3A_0 = arith.constant 0 : index
    %get3A_1 = vector.load %arg1[%get3A, %get3A_0] : memref<3200x128xf32, #tpu.memory_space<vmem>>, vector<3200x128xf32>
    %get3A_2 = arith.constant 0 : index
    %get3A_3 = arith.constant 0 : index
    %get3A_4 = vector.load %arg2[%get3A_2, %get3A_3] : memref<3200x128xf32, #tpu.memory_space<vmem>>, vector<3200x128xf32>
    %add3A = arith.addf %get3A_1, %get3A_4 : vector<3200x128xf32>
    %get3A_5 = arith.constant 0 : index
    %get3A_6 = arith.constant 0 : index
    %get3A_7 = vector.load %arg3[%get3A_5, %get3A_6] : memref<128x128xf32, #tpu.memory_space<vmem>>, vector<128x128xf32>
    %dot_general3A = arith.constant dense<0.000000e+00> : vector<3200x128xf32>
    %dot_general3A_8 = tpu.matmul %add3A, %get3A_7, %dot_general3A {dimension_numbers = #tpu.dot_dimension_numbers<[1], [0], [0], [1], [0, 0, 1, 1], [], []>, transpose_lhs_hint = false} : vector<3200x128xf32>, vector<128x128xf32>, vector<3200x128xf32> -> vector<3200x128xf32>
    %get3A_9 = arith.constant 0 : index
    %get3A_10 = arith.constant 0 : index
    %get3A_11 = vector.load %arg4[%get3A_9, %get3A_10] : memref<128x64xf32, #tpu.memory_space<vmem>>, vector<128x64xf32>
    %dot_general3A_12 = arith.constant dense<0.000000e+00> : vector<3200x64xf32>
    %dot_general3A_13 = tpu.matmul %dot_general3A_8, %get3A_11, %dot_general3A_12 {dimension_numbers = #tpu.dot_dimension_numbers<[1], [0], [0], [1], [0, 0, 1, 1], [], []>, transpose_lhs_hint = false} : vector<3200x128xf32>, vector<128x64xf32>, vector<3200x64xf32> -> vector<3200x64xf32>
    %max3A = arith.constant 0.000000e+00 : f32
    %max3A_14 = vector.broadcast %max3A : f32 to vector<3200x64xf32>
    %max3A_15 = arith.maximumf %dot_general3A_13, %max3A_14 : vector<3200x64xf32>
    %get3A_16 = arith.constant 0 : index
    %get3A_17 = arith.constant 0 : index
    %get3A_18 = vector.load %arg5[%get3A_16, %get3A_17] : memref<64x1xf32, #tpu.memory_space<vmem>>, vector<64x1xf32>
    %dot_general3A_19 = arith.constant dense<0.000000e+00> : vector<3200x1xf32>
    %dot_general3A_20 = tpu.matmul %max3A_15, %get3A_18, %dot_general3A_19 {dimension_numbers = #tpu.dot_dimension_numbers<[1], [0], [0], [1], [0, 0, 1, 1], [], []>, transpose_lhs_hint = false} : vector<3200x64xf32>, vector<64x1xf32>, vector<3200x1xf32> -> vector<3200x1xf32>
    %get3A_21 = arith.constant 0 : index
    %get3A_22 = arith.constant 0 : index
    %get3A_23 = vector.load %arg6[%get3A_21, %get3A_22] : memref<1x1xf32, #tpu.memory_space<vmem>>, vector<1x1xf32>
    %get3A_24 = vector.extract %get3A_23[0, 0] : f32 from vector<1x1xf32>
    %add3A_25 = vector.broadcast %get3A_24 : f32 to vector<3200x1xf32>
    %add3A_26 = arith.addf %dot_general3A_20, %add3A_25 : vector<3200x1xf32>
    %logistic3A = arith.negf %add3A_26 : vector<3200x1xf32>
    %logistic3A_27 = math.exp %logistic3A : vector<3200x1xf32>
    %logistic3A_28 = arith.constant 1.000000e+00 : f32
    %logistic3A_29 = vector.broadcast %logistic3A_28 : f32 to vector<3200x1xf32>
    %logistic3A_30 = arith.addf %logistic3A_29, %logistic3A_27 : vector<3200x1xf32>
    %logistic3A_31 = arith.divf %logistic3A_29, %logistic3A_30 : vector<3200x1xf32>
    %mul3A = vector.broadcast %logistic3A_31 : vector<3200x1xf32> to vector<3200x128xf32>
    %mul3A_32 = arith.mulf %mul3A, %dot_general3A_8 : vector<3200x128xf32>
    %swap3A = arith.constant 0 : index
    %swap3A_33 = arith.constant 0 : index
    %swap3A_34 = vector.load %arg7[%swap3A, %swap3A_33] : memref<3200x128xf32, #tpu.memory_space<vmem>>, vector<3200x128xf32>
    tpu.vector_store %arg7[%swap3A, %swap3A_33], %mul3A_32 {strides = array<i32>} : memref<3200x128xf32, #tpu.memory_space<vmem>>, vector<3200x128xf32>,
    %swap3A_35 = arith.constant 0 : index
    %swap3A_36 = arith.constant 0 : index
    %swap3A_37 = vector.load %arg8[%swap3A_35, %swap3A_36] : memref<3200x1xf32, #tpu.memory_space<vmem>>, vector<3200x1xf32>
    tpu.vector_store %arg8[%swap3A_35, %swap3A_36], %logistic3A_31 {strides = array<i32>} : memref<3200x1xf32, #tpu.memory_space<vmem>>, vector<3200x1xf32>,
    return
  }
  func.func @transform_0(%arg0: i32) -> (i32, i32) {
    %c0_i32 = arith.constant 0 : i32
    %c0_i32_0 = arith.constant 0 : i32
    return %arg0, %c0_i32 : i32, i32
  }
  func.func @transform_1(%arg0: i32) -> (i32, i32) {
    %add3A = arith.constant 64 : i32
    %add3A_0 = arith.addi %arg0, %add3A : i32
    %c0_i32 = arith.constant 0 : i32
    %c0_i32_1 = arith.constant 0 : i32
    return %add3A_0, %c0_i32 : i32, i32
  }
  func.func @transform_2(%arg0: i32) -> (i32, i32) {
    %c0_i32 = arith.constant 0 : i32
    %c0_i32_0 = arith.constant 0 : i32
    %c0_i32_1 = arith.constant 0 : i32
    return %c0_i32, %c0_i32_0 : i32, i32
  }
  func.func @transform_3(%arg0: i32) -> (i32, i32) {
    %c0_i32 = arith.constant 0 : i32
    %c0_i32_0 = arith.constant 0 : i32
    %c0_i32_1 = arith.constant 0 : i32
    return %c0_i32, %c0_i32_0 : i32, i32
  }
  func.func @transform_4(%arg0: i32) -> (i32, i32) {
    %c0_i32 = arith.constant 0 : i32
    %c0_i32_0 = arith.constant 0 : i32
    %c0_i32_1 = arith.constant 0 : i32
    return %c0_i32, %c0_i32_0 : i32, i32
  }
  func.func @transform_5(%arg0: i32) -> (i32, i32) {
    %c0_i32 = arith.constant 0 : i32
    %c0_i32_0 = arith.constant 0 : i32
    %c0_i32_1 = arith.constant 0 : i32
    return %c0_i32, %c0_i32_0 : i32, i32
  }
  func.func @transform_6(%arg0: i32) -> (i32, i32) {
    %c0_i32 = arith.constant 0 : i32
    %c0_i32_0 = arith.constant 0 : i32
    return %arg0, %c0_i32 : i32, i32
  }
  func.func @transform_7(%arg0: i32) -> (i32, i32) {
    %c0_i32 = arith.constant 0 : i32
    %c0_i32_0 = arith.constant 0 : i32
    return %arg0, %c0_i32 : i32, i32
  }
}

module attributes {stable_mosaic.version = 14 : i64} {
  func.func @body(%arg0: i32, %arg1: memref<1x2000x128xf32, #tpu.memory_space<vmem>>, %arg2: memref<1x2000x128xf32, #tpu.memory_space<vmem>>, %arg3: memref<1x2000x128xf32, #tpu.memory_space<vmem>>, %arg4: memref<1x2000x128xf32, #tpu.memory_space<vmem>>, %arg5: memref<128x128xf32, #tpu.memory_space<vmem>>, %arg6: memref<2000x128xf32, #tpu.memory_space<vmem>>) attributes {dimension_semantics = [#tpu.dimension_semantics<arbitrary>], iteration_bounds = array<i64: 5>, scalar_prefetch = 0 : i64, scratch_operands = 0 : i64, tpu.core_type = #tpu.core_type<tc>, window_params = [{transform_indices = @transform_0, window_bounds = array<i64: 1, 2000, 128>}, {transform_indices = @transform_1, window_bounds = array<i64: 1, 2000, 128>}, {transform_indices = @transform_2, window_bounds = array<i64: 1, 2000, 128>}, {transform_indices = @transform_3, window_bounds = array<i64: 1, 2000, 128>}, {pipeline_mode = #tpu.pipeline_mode<synchronous>, transform_indices = @transform_4, window_bounds = array<i64: 128, 128>}, {transform_indices = @transform_5, window_bounds = array<i64: 2000, 128>}]} {
    %get3A = arith.constant 0 : index
    %get3A_0 = arith.constant 0 : index
    %get3A_1 = arith.constant 0 : index
    %get3A_2 = vector.load %arg1[%get3A, %get3A_0, %get3A_1] : memref<1x2000x128xf32, #tpu.memory_space<vmem>>, vector<1x2000x128xf32>
    %get3A_3 = vector.shape_cast %get3A_2 : vector<1x2000x128xf32> to vector<2000x128xf32>
    %get3A_4 = arith.constant 0 : index
    %get3A_5 = arith.constant 0 : index
    %get3A_6 = arith.constant 0 : index
    %get3A_7 = vector.load %arg2[%get3A_4, %get3A_5, %get3A_6] : memref<1x2000x128xf32, #tpu.memory_space<vmem>>, vector<1x2000x128xf32>
    %get3A_8 = vector.shape_cast %get3A_7 : vector<1x2000x128xf32> to vector<2000x128xf32>
    %add3A = arith.addf %get3A_3, %get3A_8 : vector<2000x128xf32>
    %get3A_9 = arith.constant 0 : index
    %get3A_10 = arith.constant 0 : index
    %get3A_11 = arith.constant 0 : index
    %get3A_12 = vector.load %arg3[%get3A_9, %get3A_10, %get3A_11] : memref<1x2000x128xf32, #tpu.memory_space<vmem>>, vector<1x2000x128xf32>
    %get3A_13 = vector.shape_cast %get3A_12 : vector<1x2000x128xf32> to vector<2000x128xf32>
    %add3A_14 = arith.addf %add3A, %get3A_13 : vector<2000x128xf32>
    %get3A_15 = arith.constant 0 : index
    %get3A_16 = arith.constant 0 : index
    %get3A_17 = arith.constant 0 : index
    %get3A_18 = vector.load %arg4[%get3A_15, %get3A_16, %get3A_17] : memref<1x2000x128xf32, #tpu.memory_space<vmem>>, vector<1x2000x128xf32>
    %get3A_19 = vector.shape_cast %get3A_18 : vector<1x2000x128xf32> to vector<2000x128xf32>
    %add3A_20 = arith.addf %add3A_14, %get3A_19 : vector<2000x128xf32>
    %get3A_21 = arith.constant 0 : index
    %get3A_22 = arith.constant 0 : index
    %get3A_23 = vector.load %arg5[%get3A_21, %get3A_22] : memref<128x128xf32, #tpu.memory_space<vmem>>, vector<128x128xf32>
    %dot_general3A = arith.constant dense<0.000000e+00> : vector<2000x128xf32>
    %dot_general3A_24 = tpu.matmul %add3A_20, %get3A_23, %dot_general3A {dimension_numbers = #tpu.dot_dimension_numbers<[1], [0], [0], [1], [0, 0, 1, 1], [], []>, transpose_lhs_hint = false} : vector<2000x128xf32>, vector<128x128xf32>, vector<2000x128xf32> -> vector<2000x128xf32>
    %swap3A = arith.constant 0 : index
    %swap3A_25 = arith.constant 0 : index
    %swap3A_26 = vector.load %arg6[%swap3A, %swap3A_25] : memref<2000x128xf32, #tpu.memory_space<vmem>>, vector<2000x128xf32>
    tpu.vector_store %arg6[%swap3A, %swap3A_25], %dot_general3A_24 {strides = array<i32>} : memref<2000x128xf32, #tpu.memory_space<vmem>>, vector<2000x128xf32>,
    return
  }
  func.func @transform_0(%arg0: i32) -> (i32, i32, i32) {
    %c0_i32 = arith.constant 0 : i32
    %c0_i32_0 = arith.constant 0 : i32
    %c0_i32_1 = arith.constant 0 : i32
    return %c0_i32, %arg0, %c0_i32_0 : i32, i32, i32
  }
  func.func @transform_1(%arg0: i32) -> (i32, i32, i32) {
    %c1_i32 = arith.constant 1 : i32
    %c0_i32 = arith.constant 0 : i32
    %c0_i32_0 = arith.constant 0 : i32
    return %c1_i32, %arg0, %c0_i32 : i32, i32, i32
  }
  func.func @transform_2(%arg0: i32) -> (i32, i32, i32) {
    %c0_i32 = arith.constant 0 : i32
    %c0_i32_0 = arith.constant 0 : i32
    %c0_i32_1 = arith.constant 0 : i32
    return %c0_i32, %arg0, %c0_i32_0 : i32, i32, i32
  }
  func.func @transform_3(%arg0: i32) -> (i32, i32, i32) {
    %c1_i32 = arith.constant 1 : i32
    %c0_i32 = arith.constant 0 : i32
    %c0_i32_0 = arith.constant 0 : i32
    return %c1_i32, %arg0, %c0_i32 : i32, i32, i32
  }
  func.func @transform_4(%arg0: i32) -> (i32, i32) {
    %c0_i32 = arith.constant 0 : i32
    %c0_i32_0 = arith.constant 0 : i32
    %c0_i32_1 = arith.constant 0 : i32
    return %c0_i32, %c0_i32_0 : i32, i32
  }
  func.func @transform_5(%arg0: i32) -> (i32, i32) {
    %c0_i32 = arith.constant 0 : i32
    %c0_i32_0 = arith.constant 0 : i32
    return %arg0, %c0_i32 : i32, i32
  }
}

</mosaic_0001>

<sc_bundles>
// kernel: kernel.12.cloned.1.call-start
scs
__scs_entry_jumppad:
0x0: {  	(pc) =	sbr.rel $0x88, $3  }
0x1: {  	(tag) =	ssettag $0x0;
	lr =	simm.s32 $0x1  }
0x2: {  	[smem:$0x3F97] =	sst lr;
	_ =	strace $0xD0000000  }
0x3: {  	_ = 	snop  }
0x4: {  	_ = 	snop  }
0x5: {  	_ = 	snop  }
0x6: {  	_ = 	snop  }
0x7: {  	_ = 	snop  }
__scs_overlays_trampoline_lowered:
0x8: {  	[smem:$0x3FA6] =	sst s0  }
0x9: {  	[smem:$0x3FA7] =	sst s1  }
0xa: {  	[smem:$0x3FA8] =	sst s2  }
0xb: {  	[smem:$0x3FA9] =	sst s3  }
0xc: {  	[smem:$0x3FAA] =	sst s4  }
0xd: {  	[smem:$0x3FAB] =	sst s5  }
0xe: {  	[smem:$0x3FAC] =	sst s6  }
0xf: {  	[smem:$0x3FAD] =	sst s7  }
0x10: {  	[smem:$0x3FAE] =	sst s8  }
0x11: {  	[smem:$0x3FAF] =	sst s9;
	s0 =	simm.s32 @!p0 $0x0  }
0x12: {  	s1 =	sld [smem:$0x3F95];
	s0 =	simm.s32 @p0 $0x1  }
0x13: {  	[smem:$0x3FB0] =	sst s0;
	s0 =	simm.s32 @!p1 $0x0  }
0x14: {  	s2 =	sld [smem:$0x3F94];
	s0 =	simm.s32 @p1 $0x1  }
0x15: {  	[smem:$0x3FB1] =	sst s0;
	s0 =	simm.s32 @!p2 $0x0  }
0x16: {  	s3 =	sld [smem:$0x3FDB];
	s0 =	simm.s32 @p2 $0x1  }
0x17: {  	s4 =	simm.s32 $0x1BF5;
	[smem:$0x3FB3] =	sst s0  }
0x18: {  	s0 =	sld [smem:$0x3F96];
	_ =	swait.ge [sflag:s4], $0x0  }
0x19: {  	s7 =	sld [smem:$0x3F97]  }
0x1a: {  	s8 =	sadd.s32 $0xFFFFE003, lr  }
0x1b: {  	s9 =	sadd.s32 $0xFFFFFEF7, lr;
	s5 =	simm.s32 $0xFFFFFFFF;
	p2 =	slt.u32 s8, $0xFFFFF086  }
0x1c: {  	p1 =	slt.u32 s9, $0xF7A;
	s5 =	simm.s32 @!p2 $0x0  }
0x1d: {  	s5 =	simm.s32 @p1 $0x1;
	p0 =	seq.s32 s7, s2  }
0x1e: {  	s7 =	smul.u32 @!p0 $0xF7A, s2;
	p2 =	seq.s32 @!p0 s5, $0x0  }
0x1f: {  	s9 =	smul.u32 $0xF7A, s1;
	s8 =	simm.s32 @!p0 $0x1BF5;
	p2 =	por !p2, p0  }
0x20: {  	[sflag:s8] =	ssyncset.s32 @!p0 $0xFFFFF086;
	s6 =	sadd.s32 @!p0 s3, s7;
	s7 =	simm.s32 @!p0 $0x108  }
0x21: {  	s3 =	sadd.s32 s3, s9;
	s6 =	sadd.s32 @!p0 $0x88, s6;
	s7 =	simm.s32 @p2 $0x1082  }
0x22: {  	[simem:s7], [sflag:s8] =	dma.local @!p0 [hbm:s6], $0xF7A  }
0x23: {  	s9 =	sor.u32 $0xD0000000, s2;
	s6 =	simm.s32 $0x108;
	_ =	swait.ge @!p0 [sflag:s8], $0x0  }
0x24: {  	s3 =	sadd.s32 $0x88, s3;
	s6 =	simm.s32 @!p1 $0x1082;
	[sflag:s4] =	ssyncset.s32 $0xFFFFF086  }
0x25: {  	[simem:s6], [sflag:s4] =	dma.local [hbm:s3], $0xF7A  }
0x26: {  	[smem:$0x3F97] =	sst s1;
	(tag) =	ssettag s2;
	_ =	strace s9  }
0x27: {  	s1 =	sld [smem:$0x3FA7]  }
0x28: {  	s2 =	sld [smem:$0x3FA8]  }
0x29: {  	s4 =	sld [smem:$0x3FAA]  }
0x2a: {  	p0 =	seq.s32 s5, $0x0;
	s5 =	sld [smem:$0x3FAB]  }
0x2b: {  	s6 =	sld [smem:$0x3FAC]  }
0x2c: {  	s7 =	sld [smem:$0x3FAD]  }
0x2d: {  	s3 =	simm.s32 $0x108;
	s8 =	sld [smem:$0x3FAE]  }
0x2e: {  	s3 =	simm.s32 @!p0 $0x1082;
	s9 =	sld [smem:$0x3FAF]  }
0x2f: {  	lr =	sadd.s32 s0, s3;
	s0 =	sld [smem:$0x3FA6]  }
0x30: {  	s3 =	sld [smem:$0x3FA9]  }
0x31: {  	[smem:$0x3FB2] =	sst s10  }
0x32: {  	s10 =	sld [smem:$0x3FB0];
	_ =	sdelay $0x3  }
0x33: {  	p0 =	seq.s32 s10, $0x1;
	s10 =	sld [smem:$0x3FB2];
	_ =	sdelay $0x3  }
0x34: {  	[smem:$0x3FB2] =	sst s10  }
0x35: {  	s10 =	sld [smem:$0x3FB1];
	_ =	sdelay $0x3  }
0x36: {  	p1 =	seq.s32 s10, $0x1;
	s10 =	sld [smem:$0x3FB2];
	_ =	sdelay $0x3  }
0x37: {  	[smem:$0x3FB2] =	sst s10  }
0x38: {  	s10 =	sld [smem:$0x3FB3]  }
0x39: {  	_ = 	snop;
	(pc) =	sbr.ind lr, $3  }
0x3a: {  	_ = 	snop  }
0x3b: {  	_ = 	snop  }
0x3c: {  	p2 =	seq.s32 s10, $0x1;
	s10 =	sld [smem:$0x3FB2]  }
0x3d: {  	_ =	shalt  }
0x3e: {  	_ =	shalt  }
0x3f: {  	_ =	shalt  }
0x40: {  	_ =	shalt  }
0x41: {  	_ =	shalt  }
0x42: {  	_ =	shalt  }
0x43: {  	_ =	shalt  }
0x44: {  	_ =	shalt  }
0x45: {  	_ =	shalt  }
0x46: {  	_ =	shalt  }
0x47: {  	_ =	shalt  }
0x48: {  	_ =	shalt  }
0x49: {  	_ =	shalt  }
0x4a: {  	_ =	shalt  }
0x4b: {  	_ =	shalt  }
0x4c: {  	_ =	shalt  }
0x4d: {  	_ =	shalt  }
0x4e: {  	_ =	shalt  }
0x4f: {  	_ =	shalt  }
0x50: {  	_ =	shalt  }
0x51: {  	_ =	shalt  }
0x52: {  	_ =	shalt  }
0x53: {  	_ =	shalt  }
0x54: {  	_ =	shalt  }
0x55: {  	_ =	shalt  }
0x56: {  	_ =	shalt  }
0x57: {  	_ =	shalt  }
0x58: {  	_ =	shalt  }
0x59: {  	_ =	shalt  }
0x5a: {  	_ =	shalt  }
0x5b: {  	_ =	shalt  }
0x5c: {  	_ =	shalt  }
0x5d: {  	_ =	shalt  }
0x5e: {  	_ =	shalt  }
0x5f: {  	_ =	shalt  }
0x60: {  	_ =	shalt  }
0x61: {  	_ =	shalt  }
0x62: {  	_ =	shalt  }
0x63: {  	_ =	shalt  }
0x64: {  	_ =	shalt  }
0x65: {  	_ =	shalt  }
0x66: {  	_ =	shalt  }
0x67: {  	_ =	shalt  }
0x68: {  	_ =	shalt  }
0x69: {  	_ =	shalt  }
0x6a: {  	_ =	shalt  }
0x6b: {  	_ =	shalt  }
0x6c: {  	_ =	shalt  }
0x6d: {  	_ =	shalt  }
0x6e: {  	_ =	shalt  }
0x6f: {  	_ =	shalt  }
0x70: {  	_ =	shalt  }
0x71: {  	_ =	shalt  }
0x72: {  	_ =	shalt  }
0x73: {  	_ =	shalt  }
0x74: {  	_ =	shalt  }
0x75: {  	_ =	shalt  }
0x76: {  	_ =	shalt  }
0x77: {  	_ =	shalt  }
0x78: {  	_ =	shalt  }
0x79: {  	_ =	shalt  }
0x7a: {  	_ =	shalt  }
0x7b: {  	_ =	shalt  }
0x7c: {  	_ =	shalt  }
0x7d: {  	_ =	shalt  }
0x7e: {  	_ =	shalt  }
0x7f: {  	_ =	shalt  }
0x80: {  	_ =	shalt  }
0x81: {  	_ =	shalt  }
0x82: {  	_ =	shalt  }
0x83: {  	_ =	shalt  }
0x84: {  	_ =	shalt  }
0x85: {  	_ =	shalt  }
0x86: {  	_ =	shalt  }
0x87: {  	_ =	shalt  }
.Lfunc_end0:
.L_simem_size_0:
called_computation.1_lowered:
.L_overlay_start_0:
0x88: {  	s2 =	sld [smem:$0x3FD9]  }
0x89: {  	s3 =	sld [smem:$0x3FFE];
	_ =	sdelay $0x1  }
0x8a: {  	s1 =	srdreg.scid  }
0x8b: {  	s0 =	sand.u32 $0x1, s1  }
0x8c: {  	s17 =	sshll.u32 s0, $0xA;
	s2 =	sadd.s32 s3, s2  }
0x8d: {  	s2 =	sadd.s32 s2, s17  }
0x8e: {  	[smem:$0x3FBE] =	sst s2  }
0x8f: {  	_ = 	snop  }
0x90: {  	(tm) =	ssettm $0x1  }
0x91: {  	s18 =	sld [smem:$0x3FFB];
	_ =	sdelay $0x3  }
0x92: {  	_ =	strace s18  }
0x93: {  	s2 =	sld [smem:$0x3FFC];
	_ =	sdelay $0x3  }
0x94: {  	_ =	strace s2  }
0x95: {  	s2 =	sld [smem:$0x3FFD];
	_ =	sdelay $0x3  }
0x96: {  	_ =	strace s2  }
0x97: {  	_ =	strace $0x8FFFFFFF  }
0x98: {  	s19 =	sld [smem:$0x3FDB];
	_ =	sdelay $0x1  }
0x99: {  	s20 =	simm.s32 $_scs_section_size  }
0x9a: {  	s4 =	simm.s32 $_size__tile_overlayer_lowered;
	s5 =	simm.s32 $_tile_overlayer_lowered  }
0x9b: {  	s6 =	simm.s32 $0x1BFF;
	s21 =	sshll.u32 s5, $0x1;
	s3 =	sadd.s32 s20, s19  }
0x9c: {  	s22 =	simm.s32 $0x0;
	s4 =	sshll.u32 s4, $0x1;
	s5 =	sadd.s32 s21, s3  }
0x9d: {  	[timem:s22], [sflag:s6] =	dma.local [hbm:s5], s4  }
0x9e: {  	_ =	swait.ge [sflag:s6], s4  }
0x9f: {  	s4 =	ssub.s32 $0x0, s4;
	[sflag:s6] =	ssyncset.done $0x0  }
0xa0: {  	[sflag:s6] =	ssyncadd.s32 s4;
	_ =	sdelay $0x1  }
0xa1: {  	s23 =	simm.s32 $0x1B8B  }
0xa2: {  	_ =	swait.ge [sflag:s23], $0x1  }
0xa3: {  	[sflag:s23] =	ssyncset.done $0x0  }
0xa4: {  	[sflag:s23] =	ssyncadd.s32 $0xFFFFFFFF  }
0xa5: {  	s4 =	sld [smem:$0x0]  }
0xa6: {  	s5 =	sand.u32 $0xFFFFFFFE, s1  }
0xa7: {  	p0 =	sne.s32 s1, s5  }
0xa8: {  	s5 =	sshll.u32 @p0 s5, $0xE  }
0xa9: {  	s5 =	sadd.s32 @p0 $0x11B8D, s5;
	s6 =	sshll.u32 @p0 s4, $0x11  }
0xaa: {  	s5 =	sor.u32 @p0 s6, s5  }
0xab: {  	[sflag:s5] =	ssyncadd.remote.s32 @p0 $0x1;
	_ =	sdelay $0x1  }
0xac: {  	s5 =	simm.s32 @p0 $0x1B8D  }
0xad: {  	_ =	swait.eq @p0 [sflag:s5], $0x1  }
0xae: {  	[sflag:s5] =	ssyncadd.s32 @p0 $0xFFFFFFFF  }
0xaf: {  	s6 =	sshll.u32 @!p0 s1, $0xE  }
0xb0: {  	s6 =	sor.u32 @!p0 $0x4000, s6;
	s5 =	simm.s32 @!p0 $0x1B8D  }
0xb1: {  	s4 =	sshll.u32 @!p0 s4, $0x11;
	s6 =	sadd.s32 @!p0 $0x11B8D, s6;
	_ =	swait.eq @!p0 [sflag:s5], $0x1  }
0xb2: {  	s4 =	sor.u32 @!p0 s4, s6;
	[sflag:s5] =	ssyncadd.s32 @!p0 $0xFFFFFFFF  }
0xb3: {  	s25 =	simm.s32 $0x1B8E;
	s24 =	sld [smem:$0x3FFE];
	[sflag:s4] =	ssyncadd.remote.s32 @!p0 $0x1  }
0xb4: {  	s26 =	simm.s32 $execute0_lowered;
	[smem:$0x3FD2] =	sst s25  }
0xb5: {  	s5 =	sshll.u32 s26, $0x1;
	_ =	strace $0x8000004C;
	[dreg:$0x1] =	wrdreg $0xFFFFFFFF  }
0xb6: {  	s28 =	simm.s32 $_size_execute0_lowered;
	s3 =	sadd.s32 s3, s5;
	[dreg:$0x0] =	wrdreg $0x0  }
0xb7: {  	s5 =	sshll.u32 s28, $0x1;
	[dreg:$0x2] =	wrdreg s3  }
0xb8: {  	[dreg:$0x3] =	wrdreg s5  }
0xb9: {  	[dreg:$0x4] =	wrdreg $0xC0  }
0xba: {  	_ =	task [dreg:s22], $0x5FFFF  }
0xbb: {  	[dreg:$0x1] =	wrdreg $0xFFFFFFFF  }
0xbc: {  	[dreg:$0x0] =	wrdreg $0x60  }
0xbd: {  	[dreg:$0x2] =	wrdreg s24  }
0xbe: {  	[dreg:$0x3] =	wrdreg $0x81000  }
0xbf: {  	[dreg:$0x4] =	wrdreg $0x9  }
0xc0: {  	_ =	task.clear_ibuf [dreg:s22], $0x5FFFF;
	_ =	strace $0x9000004C  }
0xc1: {  	s29 =	simm.s32 $0x9;
	_ =	strace $0x8000004E  }
0xc2: {  	_ =	swait.ge [sflag:s29], $0x1  }
0xc3: {  	[sflag:s29] =	ssyncadd.s32 $0xFFFFFFFF  }
0xc4: {  	_ =	strace $0x9000004E  }
0xc5: {  	_ =	sfence  }
0xc6: {  	s30 =	sld [smem:$0x0];
	_ =	sdelay $0x2  }
0xc7: {  	s31 =	sshll.u32 s1, $0xD;
	s1 =	sshrl.u32 s1, $0x2  }
0xc8: {  	s4 =	sand.u32 $0x4000, s31;
	s1 =	sadd.s32 s1, s30  }
0xc9: {  	s0 =	sor.u32 s4, s0;
	s1 =	sshll.u32 s1, $0x11  }
0xca: {  	s0 =	sor.u32 s1, s0  }
0xcb: {  	s0 =	sadd.s32 $0x8F2B, s0  }
0xcc: {  	[sflag:s0] =	ssyncadd.remote.s32 $0x1  }
0xcd: {  	_ =	sfence.sel $0xFFFF  }
0xce: {  	[dreg:$0x0] =	wrdreg $0xFFFFFFFF;
	(pc) =	sbr.abs _section_cstart, $3  }
0xcf: {  	[dreg:$0x1] =	wrdreg $0xFFFFFFFF  }
0xd0: {  	_ =	task.clear_ibuf [dreg:s22], $0x2FFFF;
	_ =	strace $0x9FFFFFFF  }
0xd1: {  	(tm) =	ssettm $0x7FFFFFFF  }
tec
execute0_lowered:
.L_overlay_start_1:
0x0: {  	(tag) =	ssettag $0x1  }
0x1: {  	s4 =	rddreg [dreg:$0x0]  }
0x2: {  	s2 =	rddreg [dreg:$0x1];
	s0 =	stileid.u32  }
0x3: {  	s5 =	srdreg.scid;
	s3 =	simm.s32 $0x0;
	s6 =	smul.u32 $0x13C00, s0  }
0x4: {  	s19 =	simm.s32 $0x2;
	s20 =	simm.s32 $0x3;
	s22 =	smul.u32 $0x4F000, s0  }
0x5: {  	s21 =	simm.s32 $0x4;
	s10 =	sand.u32 $0x1, s5;
	s17 =	smul.u32 $0x1900, s0  }
0x6: {  	[smem:$0x7FF] =	sst s3;
	s11 =	sadd.s32 $0x817200, s4;
	s18 =	smul.u32 $0x19000, s0  }
0x7: {  	s13 =	sadd.s32 $0x4F0E00, s4;
	s26 =	sshll.u32 s0, $0x6;
	s5 =	smul.u32 $0x13C000, s10  }
0x8: {  	_ =	strace $0x8000004D;
	s8 =	sshll.u32 s10, $0x4;
	s16 =	smul.u32 $0x19000, s10  }
0x9: {  	s23 =	ssub.s32 $0x2, s10;
	s30 =	smul.u32 $0x190000, s10;
	s7 =	sshrl.u32 s6, $0x3  }
0xa: {  	s24 =	sor.u32 s0, s8;
	s25 =	sshrl.u32 s23, $0x1;
	s7 =	sadd.s32 s7, s4  }
0xb: {  	s5 =	sadd.s32 s6, s5;
	s6 =	sshrl.u32 s22, $0x2;
	s12 =	smul.u32 $0x1900, s24  }
0xc: {  	s14 =	ssub.s32 s23, s25;
	s29 =	smul.u32 $0x19000, s24;
	s16 =	sadd.s32 s17, s16  }
0xd: {  	s17 =	simm.s32 $0x80;
	s22 =	simm.s32 $0x0;
	s5 =	sshrl.u32 s5, $0x3  }
0xe: {  	s15 =	sadd.s32 s6, s2;
	s16 =	sadd.s32 $0x100, s16;
	s9 =	sadd.s32 s5, s4  }
0xf: {  	s4 =	sadd.s32 $0x1400, s7;
	s28 =	sshrl.u32 s12, $0x3;
	s5 =	sor.u32 $0x1C05, s26  }
0x10: {  	s7 =	sadd.s32 s11, s29;
	s12 =	sor.u32 $0x80, s12;
	s16 =	sshrl.u32 s16, $0x3  }
0x11: {  	s6 =	sadd.s32 s13, s28;
	s8 =	sadd.s32 $0x28C00, s9;
	s9 =	smax.u32 s14, $0x1  }
0x12: {  	s31 =	sshrl.u32 s12, $0x3;
	s14 =	sadd.s32 s30, s11;
	s12 =	sshll.u32 s12, $0x4  }
0x13: {  	s10 =	sadd.s32 s13, s31;
	s14 =	sadd.s32 s18, s14;
	s11 =	sadd.s32 s11, s12  }
0x14: {  	s13 =	sadd.s32 s16, s13;
	s16 =	simm.s32 $0x100;
	s18 =	simm.s32 $0x4100  }
0x15: {  	s12 =	sadd.s32 $0x1000, s14;
	s14 =	sshrl.u32 s15, $0x3;
	s15 =	simm.s32 $0x5  }
.LBB2_1:
0x16: {  	[spmem:s14], [sflag:s5] =	dma.local [hbm:s4], $0x2780  }
0x17: {  	_ =	swait.ge [sflag:s15], $0x2780  }
0x18: {  	[sflag:s15] =	ssyncset.done $0x0  }
0x19: {  	[sflag:s15] =	ssyncadd.s32 $0xFFFFD880  }
0x1a: {  	[bflag:$0x0] =	sbarrier.arrive $0xFFFF  }
0x1b: {  	[tilespmem:s3], [sflag:$0x1] =	stream.linear.gather [hbm4b:s6+s3], $0x80, $0x38;
	[tilespmem:$0x1BD00] =	vst v63  }
0x1c: {  	s23 =	simm.s32 $0x1  }
0x1d: {  	[tilespmem:s16], [sflag:$0x1] =	stream.linear.gather [hbm4b:s7+s3], $0x4000, $0x38;
	[tilespmem:$0x1BD00] =	vst v63  }
0x1e: {  	_ =	swait.ge [sflag:s23], $0x80  }
0x1f: {  	[sflag:s23] =	ssyncset.done $0x0  }
0x20: {  	[sflag:s23] =	ssyncadd.s32 $0xFFFFFF80  }
0x21: {  	_ =	swait.ge [sflag:s23], $0x4000  }
0x22: {  	[sflag:s23] =	ssyncset.done $0x0  }
0x23: {  	[sflag:s23] =	ssyncadd.s32 $0xFFFFC000;
	s23 =	sand.u32 $0x1, s23  }
0x24: {  	[tilespmem:s17], [sflag:$0x2] =	stream.linear.gather [hbm4b:s10+s3], $0x80, $0x38;
	[tilespmem:$0x1BD00] =	vst v63  }
0x25: {  	p1 =	seq.s32 s23, $0x1  }
0x26: {  	[tilespmem:s18], [sflag:$0x2] =	stream.linear.gather [hbm4b:s11+s3], $0x4000, $0x38;
	[tilespmem:$0x1BD00] =	vst v63  }
0x27: {  	s23 =	simm.s32 @p1 $0x2  }
0x28: {  	[spmem:s2] =	stream.indirect.scatter.add.f32 [tilespmem:s16], [sflag:$0x3], $0x80, s3, s17, $0xb8;
	[tilespmem:$0x1BD00] =	vst v63  }
0x29: {  	_ =	swait.ge @p1 [sflag:s23], $0x80  }
0x2a: {  	p0 =	por p1, p1;
	[sflag:s23] =	ssyncset.done @p1 $0x0  }
0x2b: {  	[sflag:s23] =	ssyncadd.s32 @p0 $0xFFFFFF80  }
0x2c: {  	_ =	swait.ge @p0 [sflag:s23], $0x4000  }
0x2d: {  	[sflag:s23] =	ssyncset.done @p0 $0x0  }
0x2e: {  	[sflag:s23] =	ssyncadd.s32 @p0 $0xFFFFC000;
	s23 =	simm.s32 @p0 $0x3  }
0x2f: {  	_ =	swait.ge @p0 [sflag:s23], $0x4000  }
0x30: {  	[sflag:s23] =	ssyncset.done @p0 $0x0  }
0x31: {  	[sflag:s23] =	ssyncadd.s32 @p0 $0xFFFFC000;
	s23 =	simm.s32 @p0 $0x0  }
0x32: {  	[tilespmem:s23], [sflag:$0x1] =	stream.linear.gather @p0 [hbm4b:s13+s23], $0x80, $0x38;
	[tilespmem:$0x1BD00] =	vst v63  }
0x33: {  	s24 =	simm.s32 @p0 $0x100  }
0x34: {  	[tilespmem:s24], [sflag:$0x1] =	stream.linear.gather @p0 [hbm4b:s12+s23], $0x4000, $0x38;
	[tilespmem:$0x1BD00] =	vst v63  }
0x35: {  	s25 =	simm.s32 @!p0 $0x1;
	s23 =	simm.s32 @p0 $0x80;
	s24 =	simm.s32 @p0 $0x4100  }
0x36: {  	[spmem:s2] =	stream.indirect.scatter.add.f32 @p0 [tilespmem:s24], [sflag:$0x4], $0x80, s23, s23, $0xb8;
	[tilespmem:$0x1BD00] =	vst v63  }
0x37: {  	_ =	swait.ge @!p0 [sflag:s25], $0x80  }
0x38: {  	[sflag:s25] =	ssyncset.done @!p0 $0x0  }
0x39: {  	[sflag:s25] =	ssyncadd.s32 @!p0 $0xFFFFFF80  }
0x3a: {  	s1 =	simm.s32 $0x2;
	s28 =	smov.u32 s12;
	_ =	swait.ge @!p0 [sflag:s25], $0x4000  }
0x3b: {  	s26 =	simm.s32 @!p1 $0x100;
	s29 =	simm.s32 @!p0 $0x0;
	[sflag:s25] =	ssyncset.done @!p0 $0x0  }
0x3c: {  	s30 =	simm.s32 @!p0 $0x80;
	s23 =	simm.s32 @!p0 $0x4;
	[sflag:s25] =	ssyncadd.s32 @!p0 $0xFFFFC000  }
0x3d: {  	s31 =	simm.s32 @!p0 $0x4100;
	s24 =	sand.u32 $0x1, s1;
	_ =	swait.ge @!p0 [sflag:s23], $0x4000  }
0x3e: {  	p1 =	seq.s32 s24, $0x1;
	s24 =	sadd.s32 $0x10, s13;
	[sflag:s23] =	ssyncset.done @!p0 $0x0  }
0x3f: {  	s25 =	simm.s32 $0x3;
	[sflag:s23] =	ssyncadd.s32 @!p0 $0xFFFFC000;
	s23 =	sadd.s32 $0x800, s12  }
0x40: {  	[tilespmem:s30], [sflag:$0x2] =	stream.linear.gather @!p0 [hbm4b:s13+s29], $0x80, $0x38;
	[tilespmem:$0x1BD00] =	vst v63  }
.LBB2_2:
0x41: {  	[tilespmem:s31], [sflag:$0x2] =	stream.linear.gather @!p0 [hbm4b:s28+s29], $0x4000, $0x38;
	[tilespmem:$0x1BD00] =	vst v63  }
0x42: {  	s31 =	smov.u32 s25;
	s28 =	smov.u32 s23  }
0x43: {  	s25 =	sadd.s32 $0x1, s25;
	s0 =	simm.s32 @p1 $0x2;
	s1 =	simm.s32 @!p1 $0x100  }
0x44: {  	[spmem:s2] =	stream.indirect.scatter.add.f32 @!p0 [tilespmem:s26], [sflag:$0x3], $0x80, s29, s30, $0xb8;
	[tilespmem:$0x1BD00] =	vst v63  }
0x45: {  	p2 =	sne.s32 s25, $0x31;
	s26 =	smov.u32 s1;
	_ =	swait.ge @p1 [sflag:s0], $0x80  }
0x46: {  	p0 =	por p1, p1;
	[sflag:s0] =	ssyncset.done @p1 $0x0  }
0x47: {  	[sflag:s0] =	ssyncadd.s32 @p0 $0xFFFFFF80  }
0x48: {  	_ =	swait.ge @p0 [sflag:s0], $0x4000  }
0x49: {  	[sflag:s0] =	ssyncset.done @p0 $0x0  }
0x4a: {  	[sflag:s0] =	ssyncadd.s32 @p0 $0xFFFFC000;
	s0 =	simm.s32 @p0 $0x3  }
0x4b: {  	_ =	swait.ge @p0 [sflag:s0], $0x4000  }
0x4c: {  	[sflag:s0] =	ssyncset.done @p0 $0x0  }
0x4d: {  	[sflag:s0] =	ssyncadd.s32 @p0 $0xFFFFC000;
	s0 =	simm.s32 @p0 $0x0  }
0x4e: {  	[tilespmem:s0], [sflag:$0x1] =	stream.linear.gather @p0 [hbm4b:s24+s0], $0x80, $0x38;
	[tilespmem:$0x1BD00] =	vst v63  }
0x4f: {  	s1 =	simm.s32 @p0 $0x100  }
0x50: {  	[tilespmem:s1], [sflag:$0x1] =	stream.linear.gather @p0 [hbm4b:s23+s0], $0x4000, $0x38;
	[tilespmem:$0x1BD00] =	vst v63  }
0x51: {  	s29 =	simm.s32 @!p0 $0x1;
	s0 =	simm.s32 @p0 $0x80;
	s1 =	simm.s32 @p0 $0x4100  }
0x52: {  	[spmem:s2] =	stream.indirect.scatter.add.f32 @p0 [tilespmem:s1], [sflag:$0x4], $0x80, s0, s0, $0xb8;
	[tilespmem:$0x1BD00] =	vst v63  }
0x53: {  	_ =	swait.ge @!p0 [sflag:s29], $0x80  }
0x54: {  	[sflag:s29] =	ssyncset.done @!p0 $0x0  }
0x55: {  	[sflag:s29] =	ssyncadd.s32 @!p0 $0xFFFFFF80  }
0x56: {  	_ =	swait.ge @!p0 [sflag:s29], $0x4000  }
0x57: {  	[sflag:s29] =	ssyncset.done @!p0 $0x0  }
0x58: {  	s0 =	simm.s32 @!p0 $0x4;
	[sflag:s29] =	ssyncadd.s32 @!p0 $0xFFFFC000  }
.Ltmp0:
0x59: {  	_ =	swait.ge @!p0 [sflag:s0], $0x4000;
	(pc) =	sbr.rel @p2 .LBB2_2-.Ltmp0, $4  }
0x5a: {  	s1 =	sand.u32 $0x1, s31;
	s31 =	simm.s32 @!p0 $0x4100;
	[sflag:s0] =	ssyncset.done @!p0 $0x0  }
0x5b: {  	s30 =	simm.s32 @!p0 $0x80;
	s29 =	simm.s32 @!p0 $0x0;
	[sflag:s0] =	ssyncadd.s32 @!p0 $0xFFFFC000  }
0x5c: {  	[tilespmem:s30], [sflag:$0x2] =	stream.linear.gather @!p0 [hbm4b:s24+s29], $0x80, $0x38;
	[tilespmem:$0x1BD00] =	vst v63  }
0x5d: {  	s23 =	sadd.s32 $0x800, s23;
	p1 =	seq.s32 s1, $0x1;
	s24 =	sadd.s32 $0x10, s24  }
0x5e: {  	[tilespmem:s31], [sflag:$0x2] =	stream.linear.gather @!p0 [hbm4b:s28+s29], $0x4000, $0x38;
	[tilespmem:$0x1BD00] =	vst v63  }
0x5f: {  	s0 =	simm.s32 @p1 $0x2  }
0x60: {  	[spmem:s2] =	stream.indirect.scatter.add.f32 @!p0 [tilespmem:s26], [sflag:$0x3], $0x80, s29, s30, $0xb8;
	[tilespmem:$0x1BD00] =	vst v63  }
0x61: {  	_ =	swait.ge @p1 [sflag:s0], $0x80  }
0x62: {  	p0 =	por p1, p1;
	[sflag:s0] =	ssyncset.done @p1 $0x0  }
0x63: {  	[sflag:s0] =	ssyncadd.s32 @p0 $0xFFFFFF80  }
0x64: {  	_ =	swait.ge @p0 [sflag:s0], $0x4000  }
0x65: {  	[sflag:s0] =	ssyncset.done @p0 $0x0  }
0x66: {  	[sflag:s0] =	ssyncadd.s32 @p0 $0xFFFFC000;
	s0 =	simm.s32 @p0 $0x3  }
0x67: {  	_ =	swait.ge @p0 [sflag:s0], $0x4000  }
0x68: {  	[sflag:s0] =	ssyncset.done @p0 $0x0  }
0x69: {  	[sflag:s0] =	ssyncadd.s32 @p0 $0xFFFFC000;
	s0 =	simm.s32 @p0 $0x0  }
0x6a: {  	[tilespmem:s0], [sflag:$0x1] =	stream.linear.gather @p0 [hbm4b:s24+s0], $0x80, $0x38;
	[tilespmem:$0x1BD00] =	vst v63  }
0x6b: {  	s1 =	simm.s32 @p0 $0x100  }
0x6c: {  	[tilespmem:s1], [sflag:$0x1] =	stream.linear.gather @p0 [hbm4b:s23+s0], $0x4000, $0x38;
	[tilespmem:$0x1BD00] =	vst v63  }
0x6d: {  	s25 =	simm.s32 @!p0 $0x1;
	s0 =	simm.s32 @p0 $0x80;
	s1 =	simm.s32 @p0 $0x4100  }
0x6e: {  	[spmem:s2] =	stream.indirect.scatter.add.f32 @p0 [tilespmem:s1], [sflag:$0x4], $0x80, s0, s0, $0xb8;
	[tilespmem:$0x1BD00] =	vst v63  }
0x6f: {  	_ =	swait.ge @!p0 [sflag:s25], $0x80  }
0x70: {  	[sflag:s25] =	ssyncset.done @!p0 $0x0  }
0x71: {  	[sflag:s25] =	ssyncadd.s32 @!p0 $0xFFFFFF80  }
0x72: {  	_ =	swait.ge @!p0 [sflag:s25], $0x4000  }
0x73: {  	[sflag:s25] =	ssyncset.done @!p0 $0x0  }
0x74: {  	s0 =	simm.s32 @!p0 $0x4;
	[sflag:s25] =	ssyncadd.s32 @!p0 $0xFFFFC000  }
0x75: {  	_ =	swait.ge @!p0 [sflag:s0], $0x4000  }
0x76: {  	[sflag:s0] =	ssyncset.done @!p0 $0x0  }
0x77: {  	s1 =	simm.s32 @!p0 $0x80;
	[sflag:s0] =	ssyncadd.s32 @!p0 $0xFFFFC000;
	s0 =	simm.s32 @!p0 $0x0  }
0x78: {  	[tilespmem:s1], [sflag:$0x2] =	stream.linear.gather @!p0 [hbm4b:s24+s0], $0x80, $0x38;
	[tilespmem:$0x1BD00] =	vst v63  }
0x79: {  	s24 =	simm.s32 @!p0 $0x4100  }
0x7a: {  	[tilespmem:s24], [sflag:$0x2] =	stream.linear.gather @!p0 [hbm4b:s23+s0], $0x4000, $0x38;
	[tilespmem:$0x1BD00] =	vst v63  }
0x7b: {  	s23 =	simm.s32 @!p1 $0x100  }
0x7c: {  	[spmem:s2] =	stream.indirect.scatter.add.f32 @!p0 [tilespmem:s23], [sflag:$0x3], $0x80, s0, s1, $0xb8;
	[tilespmem:$0x1BD00] =	vst v63  }
0x7d: {  	_ =	swait.ge [sflag:s19], $0x80  }
0x7e: {  	[sflag:s19] =	ssyncset.done $0x0  }
0x7f: {  	[sflag:s19] =	ssyncadd.s32 $0xFFFFFF80  }
0x80: {  	_ =	swait.ge [sflag:s19], $0x4000  }
0x81: {  	[sflag:s19] =	ssyncset.done $0x0  }
0x82: {  	[sflag:s19] =	ssyncadd.s32 $0xFFFFC000  }
0x83: {  	_ =	swait.ge [sflag:s20], $0x4000  }
0x84: {  	[sflag:s20] =	ssyncset.done $0x0  }
0x85: {  	[sflag:s20] =	ssyncadd.s32 $0xFFFFC000  }
0x86: {  	[spmem:s2] =	stream.indirect.scatter.add.f32 [tilespmem:s18], [sflag:$0x4], $0x80, s17, s17, $0xb8;
	[tilespmem:$0x1BD00] =	vst v63  }
0x87: {  	_ =	swait.ge [sflag:s21], $0x4000  }
0x88: {  	s22 =	sadd.s32 $0x1, s22;
	[sflag:s21] =	ssyncset.done $0x0  }
0x89: {  	p0 =	sne.s32 s22, s9;
	[sflag:s21] =	ssyncadd.s32 $0xFFFFC000  }
.Ltmp1:
0x8a: {  	[bflag:$0x0] =	sbarrier.arrive $0xFFFF;
	(pc) =	sbr.rel @p0 .LBB2_1-.Ltmp1, $4  }
0x8b: {  	[hbm:s8], [sflag:s5] =	dma.local [spmem:s14], $0x2780  }
0x8c: {  	_ =	swait.ge [sflag:s15], $0x2780  }
0x8d: {  	[sflag:s15] =	ssyncset.done $0x0  }
0x8e: {  	[sflag:s15] =	ssyncadd.s32 $0xFFFFD880  }
0x8f: {  	_ =	sfence.sel $0x180000  }
0x90: {  	[bflag:$0x0] =	sbarrier.arrive $0xFFFF  }
0x91: {  	_ =	strace $0x9000004D  }
0x92: {  	s0 =	stileid.u32;
	[bflag:$0x2] =	sbarrier.arrive $0xFFFF  }
0x93: {  	p0 =	sne.s32 s0, $0x0;
	s0 =	rddreg [dreg:$0x2]  }
0x94: {  	s0 =	sadd.s32 @!p0 $0x100000, s0  }
0x95: {  	[sflag:s0] =	ssyncadd.tile.s32 @!p0 $0x1;
	_ =	shalt  }
.Lfunc_end2:
_tile_overlayer_lowered:
.L_overlay_start_2:
0x96: {  	(tag) =	ssettag $0x2  }
0x97: {  	s0 =	rddreg [dreg:$0x0];
	s2 =	stileid.u32  }
0x98: {  	s1 =	rddreg [dreg:$0x1];
	p0 =	sne.s32 s2, $0x0  }
0x99: {  	s3 =	rddreg [dreg:$0x2];
	[bflag:$0x3] =	sbarrier.arrive $0xFFFF;
	s2 =	simm.s32 @!p0 $0x1C05  }
0x9a: {  	[timem:s3], [sflag:s2] =	dma.local @!p0 [hbm:s0], s1  }
0x9b: {  	s0 =	simm.s32 @!p0 $0x5  }
0x9c: {  	_ =	swait.ge @!p0 [sflag:s0], s1  }
0x9d: {  	s1 =	ssub.s32 @!p0 $0x0, s1;
	[sflag:s0] =	ssyncset.done @!p0 $0x0  }
0x9e: {  	[sflag:s0] =	ssyncadd.s32 @!p0 s1  }
0x9f: {  	[bflag:$0x3] =	sbarrier.arrive $0xFFFF  }
0xa0: {  	_ =	shalt  }

// kernel: kernel.15.cloned.1.call-start
scs
__scs_entry_jumppad:
0x0: {  	(pc) =	sbr.rel $0x88, $3  }
0x1: {  	(tag) =	ssettag $0x0;
	lr =	simm.s32 $0x1  }
0x2: {  	[smem:$0x3F97] =	sst lr;
	_ =	strace $0xD0000000  }
0x3: {  	_ = 	snop  }
0x4: {  	_ = 	snop  }
0x5: {  	_ = 	snop  }
0x6: {  	_ = 	snop  }
0x7: {  	_ = 	snop  }
__scs_overlays_trampoline_lowered:
0x8: {  	[smem:$0x3FA6] =	sst s0  }
0x9: {  	[smem:$0x3FA7] =	sst s1  }
0xa: {  	[smem:$0x3FA8] =	sst s2  }
0xb: {  	[smem:$0x3FA9] =	sst s3  }
0xc: {  	[smem:$0x3FAA] =	sst s4  }
0xd: {  	[smem:$0x3FAB] =	sst s5  }
0xe: {  	[smem:$0x3FAC] =	sst s6  }
0xf: {  	[smem:$0x3FAD] =	sst s7  }
0x10: {  	[smem:$0x3FAE] =	sst s8  }
0x11: {  	[smem:$0x3FAF] =	sst s9;
	s0 =	simm.s32 @!p0 $0x0  }
0x12: {  	s1 =	sld [smem:$0x3F95];
	s0 =	simm.s32 @p0 $0x1  }
0x13: {  	[smem:$0x3FB0] =	sst s0;
	s0 =	simm.s32 @!p1 $0x0  }
0x14: {  	s2 =	sld [smem:$0x3F94];
	s0 =	simm.s32 @p1 $0x1  }
0x15: {  	[smem:$0x3FB1] =	sst s0;
	s0 =	simm.s32 @!p2 $0x0  }
0x16: {  	s3 =	sld [smem:$0x3FDB];
	s0 =	simm.s32 @p2 $0x1  }
0x17: {  	s4 =	simm.s32 $0x1BF5;
	[smem:$0x3FB3] =	sst s0  }
0x18: {  	s0 =	sld [smem:$0x3F96];
	_ =	swait.ge [sflag:s4], $0x0  }
0x19: {  	s7 =	sld [smem:$0x3F97]  }
0x1a: {  	s8 =	sadd.s32 $0xFFFFE003, lr  }
0x1b: {  	s9 =	sadd.s32 $0xFFFFFEF7, lr;
	s5 =	simm.s32 $0xFFFFFFFF;
	p2 =	slt.u32 s8, $0xFFFFF086  }
0x1c: {  	p1 =	slt.u32 s9, $0xF7A;
	s5 =	simm.s32 @!p2 $0x0  }
0x1d: {  	s5 =	simm.s32 @p1 $0x1;
	p0 =	seq.s32 s7, s2  }
0x1e: {  	s7 =	smul.u32 @!p0 $0xF7A, s2;
	p2 =	seq.s32 @!p0 s5, $0x0  }
0x1f: {  	s9 =	smul.u32 $0xF7A, s1;
	s8 =	simm.s32 @!p0 $0x1BF5;
	p2 =	por !p2, p0  }
0x20: {  	[sflag:s8] =	ssyncset.s32 @!p0 $0xFFFFF086;
	s6 =	sadd.s32 @!p0 s3, s7;
	s7 =	simm.s32 @!p0 $0x108  }
0x21: {  	s3 =	sadd.s32 s3, s9;
	s6 =	sadd.s32 @!p0 $0x88, s6;
	s7 =	simm.s32 @p2 $0x1082  }
0x22: {  	[simem:s7], [sflag:s8] =	dma.local @!p0 [hbm:s6], $0xF7A  }
0x23: {  	s9 =	sor.u32 $0xD0000000, s2;
	s6 =	simm.s32 $0x108;
	_ =	swait.ge @!p0 [sflag:s8], $0x0  }
0x24: {  	s3 =	sadd.s32 $0x88, s3;
	s6 =	simm.s32 @!p1 $0x1082;
	[sflag:s4] =	ssyncset.s32 $0xFFFFF086  }
0x25: {  	[simem:s6], [sflag:s4] =	dma.local [hbm:s3], $0xF7A  }
0x26: {  	[smem:$0x3F97] =	sst s1;
	(tag) =	ssettag s2;
	_ =	strace s9  }
0x27: {  	s1 =	sld [smem:$0x3FA7]  }
0x28: {  	s2 =	sld [smem:$0x3FA8]  }
0x29: {  	s4 =	sld [smem:$0x3FAA]  }
0x2a: {  	p0 =	seq.s32 s5, $0x0;
	s5 =	sld [smem:$0x3FAB]  }
0x2b: {  	s6 =	sld [smem:$0x3FAC]  }
0x2c: {  	s7 =	sld [smem:$0x3FAD]  }
0x2d: {  	s3 =	simm.s32 $0x108;
	s8 =	sld [smem:$0x3FAE]  }
0x2e: {  	s3 =	simm.s32 @!p0 $0x1082;
	s9 =	sld [smem:$0x3FAF]  }
0x2f: {  	lr =	sadd.s32 s0, s3;
	s0 =	sld [smem:$0x3FA6]  }
0x30: {  	s3 =	sld [smem:$0x3FA9]  }
0x31: {  	[smem:$0x3FB2] =	sst s10  }
0x32: {  	s10 =	sld [smem:$0x3FB0];
	_ =	sdelay $0x3  }
0x33: {  	p0 =	seq.s32 s10, $0x1;
	s10 =	sld [smem:$0x3FB2];
	_ =	sdelay $0x3  }
0x34: {  	[smem:$0x3FB2] =	sst s10  }
0x35: {  	s10 =	sld [smem:$0x3FB1];
	_ =	sdelay $0x3  }
0x36: {  	p1 =	seq.s32 s10, $0x1;
	s10 =	sld [smem:$0x3FB2];
	_ =	sdelay $0x3  }
0x37: {  	[smem:$0x3FB2] =	sst s10  }
0x38: {  	s10 =	sld [smem:$0x3FB3]  }
0x39: {  	_ = 	snop;
	(pc) =	sbr.ind lr, $3  }
0x3a: {  	_ = 	snop  }
0x3b: {  	_ = 	snop  }
0x3c: {  	p2 =	seq.s32 s10, $0x1;
	s10 =	sld [smem:$0x3FB2]  }
0x3d: {  	_ =	shalt  }
0x3e: {  	_ =	shalt  }
0x3f: {  	_ =	shalt  }
0x40: {  	_ =	shalt  }
0x41: {  	_ =	shalt  }
0x42: {  	_ =	shalt  }
0x43: {  	_ =	shalt  }
0x44: {  	_ =	shalt  }
0x45: {  	_ =	shalt  }
0x46: {  	_ =	shalt  }
0x47: {  	_ =	shalt  }
0x48: {  	_ =	shalt  }
0x49: {  	_ =	shalt  }
0x4a: {  	_ =	shalt  }
0x4b: {  	_ =	shalt  }
0x4c: {  	_ =	shalt  }
0x4d: {  	_ =	shalt  }
0x4e: {  	_ =	shalt  }
0x4f: {  	_ =	shalt  }
0x50: {  	_ =	shalt  }
0x51: {  	_ =	shalt  }
0x52: {  	_ =	shalt  }
0x53: {  	_ =	shalt  }
0x54: {  	_ =	shalt  }
0x55: {  	_ =	shalt  }
0x56: {  	_ =	shalt  }
0x57: {  	_ =	shalt  }
0x58: {  	_ =	shalt  }
0x59: {  	_ =	shalt  }
0x5a: {  	_ =	shalt  }
0x5b: {  	_ =	shalt  }
0x5c: {  	_ =	shalt  }
0x5d: {  	_ =	shalt  }
0x5e: {  	_ =	shalt  }
0x5f: {  	_ =	shalt  }
0x60: {  	_ =	shalt  }
0x61: {  	_ =	shalt  }
0x62: {  	_ =	shalt  }
0x63: {  	_ =	shalt  }
0x64: {  	_ =	shalt  }
0x65: {  	_ =	shalt  }
0x66: {  	_ =	shalt  }
0x67: {  	_ =	shalt  }
0x68: {  	_ =	shalt  }
0x69: {  	_ =	shalt  }
0x6a: {  	_ =	shalt  }
0x6b: {  	_ =	shalt  }
0x6c: {  	_ =	shalt  }
0x6d: {  	_ =	shalt  }
0x6e: {  	_ =	shalt  }
0x6f: {  	_ =	shalt  }
0x70: {  	_ =	shalt  }
0x71: {  	_ =	shalt  }
0x72: {  	_ =	shalt  }
0x73: {  	_ =	shalt  }
0x74: {  	_ =	shalt  }
0x75: {  	_ =	shalt  }
0x76: {  	_ =	shalt  }
0x77: {  	_ =	shalt  }
0x78: {  	_ =	shalt  }
0x79: {  	_ =	shalt  }
0x7a: {  	_ =	shalt  }
0x7b: {  	_ =	shalt  }
0x7c: {  	_ =	shalt  }
0x7d: {  	_ =	shalt  }
0x7e: {  	_ =	shalt  }
0x7f: {  	_ =	shalt  }
0x80: {  	_ =	shalt  }
0x81: {  	_ =	shalt  }
0x82: {  	_ =	shalt  }
0x83: {  	_ =	shalt  }
0x84: {  	_ =	shalt  }
0x85: {  	_ =	shalt  }
0x86: {  	_ =	shalt  }
0x87: {  	_ =	shalt  }
.Lfunc_end0:
.L_simem_size_0:
called_computation.2_lowered:
.L_overlay_start_0:
0x88: {  	s2 =	sld [smem:$0x3FD9]  }
0x89: {  	s3 =	sld [smem:$0x3FFE];
	_ =	sdelay $0x1  }
0x8a: {  	s1 =	srdreg.scid  }
0x8b: {  	s0 =	sand.u32 $0x1, s1  }
0x8c: {  	s17 =	sshll.u32 s0, $0xA;
	s2 =	sadd.s32 s3, s2  }
0x8d: {  	s2 =	sadd.s32 s2, s17  }
0x8e: {  	[smem:$0x3FBE] =	sst s2  }
0x8f: {  	_ = 	snop  }
0x90: {  	s18 =	sld [smem:$0x3FC9]  }
0x91: {  	s4 =	sld [smem:$0x3FC5];
	(tm) =	ssettm $0x1  }
0x92: {  	s19 =	sld [smem:$0x3FFB];
	_ =	sdelay $0x3  }
0x93: {  	_ =	strace s19  }
0x94: {  	s2 =	sld [smem:$0x3FFC];
	_ =	sdelay $0x3  }
0x95: {  	_ =	strace s2  }
0x96: {  	s2 =	sld [smem:$0x3FFD];
	_ =	sdelay $0x3  }
0x97: {  	_ =	strace s2  }
0x98: {  	_ =	strace $0x8FFFFFFF  }
0x99: {  	s20 =	sld [smem:$0x3FDB];
	_ =	sdelay $0x1  }
0x9a: {  	s5 =	simm.s32 $_scs_section_size  }
0x9b: {  	s6 =	simm.s32 $_size__tile_overlayer_lowered;
	s7 =	simm.s32 $_tile_overlayer_lowered  }
0x9c: {  	s8 =	simm.s32 $0x1BFF;
	s21 =	sshll.u32 s7, $0x1;
	s5 =	sadd.s32 s5, s20  }
0x9d: {  	s22 =	simm.s32 $0x0;
	s6 =	sshll.u32 s6, $0x1;
	s7 =	sadd.s32 s21, s5  }
0x9e: {  	[timem:s22], [sflag:s8] =	dma.local [hbm:s7], s6  }
0x9f: {  	_ =	swait.ge [sflag:s8], s6  }
0xa0: {  	s6 =	ssub.s32 $0x0, s6;
	[sflag:s8] =	ssyncset.done $0x0  }
0xa1: {  	[sflag:s8] =	ssyncadd.s32 s6;
	_ =	sdelay $0x1  }
0xa2: {  	s23 =	simm.s32 $0x1B8B  }
0xa3: {  	_ =	swait.ge [sflag:s23], $0x1  }
0xa4: {  	[sflag:s23] =	ssyncset.done $0x0  }
0xa5: {  	[sflag:s23] =	ssyncadd.s32 $0xFFFFFFFF  }
0xa6: {  	s6 =	sld [smem:$0x0]  }
0xa7: {  	s7 =	sand.u32 $0xFFFFFFFE, s1  }
0xa8: {  	p0 =	sne.s32 s1, s7  }
0xa9: {  	s7 =	sshll.u32 @p0 s7, $0xE  }
0xaa: {  	s7 =	sadd.s32 @p0 $0x11B8D, s7;
	s8 =	sshll.u32 @p0 s6, $0x11  }
0xab: {  	s7 =	sor.u32 @p0 s8, s7  }
0xac: {  	[sflag:s7] =	ssyncadd.remote.s32 @p0 $0x1;
	_ =	sdelay $0x1  }
0xad: {  	s7 =	simm.s32 @p0 $0x1B8D  }
0xae: {  	_ =	swait.eq @p0 [sflag:s7], $0x1  }
0xaf: {  	[sflag:s7] =	ssyncadd.s32 @p0 $0xFFFFFFFF  }
0xb0: {  	s8 =	sshll.u32 @!p0 s1, $0xE  }
0xb1: {  	s8 =	sor.u32 @!p0 $0x4000, s8;
	s7 =	simm.s32 @!p0 $0x1B8D  }
0xb2: {  	s6 =	sshll.u32 @!p0 s6, $0x11;
	s8 =	sadd.s32 @!p0 $0x11B8D, s8;
	_ =	swait.eq @!p0 [sflag:s7], $0x1  }
0xb3: {  	s6 =	sor.u32 @!p0 s6, s8;
	[sflag:s7] =	ssyncadd.s32 @!p0 $0xFFFFFFFF  }
0xb4: {  	s25 =	simm.s32 $0x1B8E;
	s24 =	sld [smem:$0x3FFE];
	[sflag:s6] =	ssyncadd.remote.s32 @!p0 $0x1  }
0xb5: {  	s26 =	simm.s32 $execute0_lowered;
	[smem:$0x3FD2] =	sst s25  }
0xb6: {  	s7 =	sshll.u32 s26, $0x1;
	_ =	strace $0x80000049;
	[dreg:$0x1] =	wrdreg $0xFFFFFFFF  }
0xb7: {  	s28 =	simm.s32 $_size_execute0_lowered;
	s5 =	sadd.s32 s5, s7;
	[dreg:$0x0] =	wrdreg $0x0  }
0xb8: {  	s7 =	sshll.u32 s28, $0x1;
	[dreg:$0x2] =	wrdreg s5  }
0xb9: {  	[dreg:$0x3] =	wrdreg s7  }
0xba: {  	[dreg:$0x4] =	wrdreg $0xC0  }
0xbb: {  	_ =	task [dreg:s22], $0x5FFFF  }
0xbc: {  	[dreg:$0x1] =	wrdreg $0xFFFFFFFF  }
0xbd: {  	[dreg:$0x0] =	wrdreg $0x60  }
0xbe: {  	[dreg:$0x2] =	wrdreg s18  }
0xbf: {  	[dreg:$0x3] =	wrdreg s4  }
0xc0: {  	[dreg:$0x4] =	wrdreg s24  }
0xc1: {  	[dreg:$0x5] =	wrdreg $0xA  }
0xc2: {  	_ =	task.clear_ibuf [dreg:s22], $0x6FFFF;
	_ =	strace $0x90000049  }
0xc3: {  	s29 =	simm.s32 $0xA;
	_ =	strace $0x8000004B  }
0xc4: {  	_ =	swait.ge [sflag:s29], $0x1  }
0xc5: {  	[sflag:s29] =	ssyncadd.s32 $0xFFFFFFFF  }
0xc6: {  	_ =	strace $0x9000004B  }
0xc7: {  	_ =	sfence  }
0xc8: {  	s30 =	sld [smem:$0x0];
	_ =	sdelay $0x2  }
0xc9: {  	s31 =	sshll.u32 s1, $0xD;
	s1 =	sshrl.u32 s1, $0x2  }
0xca: {  	s4 =	sand.u32 $0x4000, s31;
	s1 =	sadd.s32 s1, s30  }
0xcb: {  	s0 =	sor.u32 s4, s0;
	s1 =	sshll.u32 s1, $0x11  }
0xcc: {  	s0 =	sor.u32 s1, s0  }
0xcd: {  	s0 =	sadd.s32 $0x8F2B, s0  }
0xce: {  	[sflag:s0] =	ssyncadd.remote.s32 $0x1  }
0xcf: {  	_ =	sfence.sel $0xFFFF  }
0xd0: {  	[dreg:$0x0] =	wrdreg $0xFFFFFFFF;
	(pc) =	sbr.abs _section_cstart, $3  }
0xd1: {  	[dreg:$0x1] =	wrdreg $0xFFFFFFFF  }
0xd2: {  	_ =	task.clear_ibuf [dreg:s22], $0x2FFFF;
	_ =	strace $0x9FFFFFFF  }
0xd3: {  	(tm) =	ssettm $0x7FFFFFFF  }
tec
execute0_lowered:
.L_overlay_start_1:
0x0: {  	(tag) =	ssettag $0x1  }
0x1: {  	s1 =	rddreg [dreg:$0x0]  }
0x2: {  	s2 =	rddreg [dreg:$0x1]  }
0x3: {  	s0 =	rddreg [dreg:$0x2]  }
0x4: {  	s4 =	simm.s32 $0x0;
	s3 =	srdreg.scid;
	s5 =	stileid.u32  }
0x5: {  	s14 =	simm.s32 $0x100;
	s15 =	simm.s32 $0x1;
	s16 =	simm.s32 $0x78  }
0x6: {  	s17 =	simm.s32 $0x200;
	s19 =	simm.s32 $0x80;
	s20 =	simm.s32 $0x180  }
0x7: {  	s21 =	simm.s32 $0x4;
	s22 =	simm.s32 $0x3E00;
	s23 =	simm.s32 $0x5  }
0x8: {  	s24 =	simm.s32 $0x6;
	s25 =	simm.s32 $0x2;
	s28 =	simm.s32 $0x3  }
0x9: {  	s29 =	simm.s32 $0x0;
	s3 =	sand.u32 $0x1, s3;
	s5 =	sshll.u32 s5, $0x1  }
0xa: {  	[smem:$0x7FF] =	sst s4;
	s7 =	sadd.s32 $0x32B200, s0;
	s6 =	sor.u32 s3, s5  }
0xb: {  	s8 =	sadd.s32 $0x32EC00, s0;
	s3 =	ssub.s32 $0x2, s3;
	s6 =	smul.u32 $0xE10, s6  }
.Ltmp0:
0xc: {  	_ =	strace $0x8000004A;
	s26 =	sshrl.u32 s3, $0x1;
	(pc) =	sbr.rel .LBB2_1-.Ltmp0, $4  }
0xd: {  	s5 =	sadd.s32 $0x327800, s0;
	s0 =	ssub.s32 s3, s26;
	s26 =	simm.s32 $0xB600  }
0xe: {  	s30 =	sshrl.u32 s6, $0x3;
	s11 =	sadd.s32 $0x78, s6;
	s13 =	smax.u32 s0, $0x1  }
0xf: {  	s9 =	sadd.s32 s5, s30;
	s10 =	sadd.s32 s7, s30;
	s31 =	sshrl.u32 s11, $0x3  }
0x10: {  	[dreg:$0x4] =	wrdreg s9;
	s11 =	sadd.s32 s5, s31;
	s12 =	sadd.s32 s7, s31  }
.LBB2_10:
0x11: {  	s29 =	sadd.s32 $0x1, s29  }
0x12: {  	_ =	swait.ge [sflag:s23], $0x3C00;
	p0 =	sne.s32 s29, s13  }
.Ltmp1:
0x13: {  	[sflag:s23] =	ssyncset.done $0x0;
	(pc) =	sbr.rel @!p0 .LBB2_11-.Ltmp1, $4  }
0x14: {  	[sflag:s23] =	ssyncadd.s32 $0xFFFFC400  }
0x15: {  	_ =	swait.ge [sflag:s24], $0x3C00  }
0x16: {  	[sflag:s24] =	ssyncset.done $0x0  }
0x17: {  	[sflag:s24] =	ssyncadd.s32 $0xFFFFC400  }
.LBB2_1:
0x18: {  	s0 =	rddreg [dreg:$0x4]  }
0x19: {  	[tilespmem:s4], [sflag:$0x1] =	stream.linear.gather [hbm4b:s0+s4], $0x78, $0x38;
	[tilespmem:$0xF200] =	vst v63  }
0x1a: {  	_ = 	snop  }
0x1b: {  	[tilespmem:s14], [sflag:$0x1] =	stream.linear.gather [hbm4b:s10+s4], $0x78, $0x38;
	[tilespmem:$0xF200] =	vst v63  }
0x1c: {  	_ =	swait.ge [sflag:s15], $0x78  }
0x1d: {  	[sflag:s15] =	ssyncset.done $0x0  }
0x1e: {  	[sflag:s15] =	ssyncadd.s32 $0xFFFFFF88  }
0x1f: {  	_ =	swait.ge [sflag:s15], $0x78  }
0x20: {  	[sflag:s15] =	ssyncset.done $0x0  }
0x21: {  	[sflag:s15] =	ssyncadd.s32 $0xFFFFFF88  }
0x22: {  	[tilespmem:s17], [sflag:$0x3] =	stream.indirect.gather [hbm4b:s1+s16], $0x80, s4, s16, $0xb8;
	[tilespmem:$0xF200] =	vst v63  }
0x23: {  	s31 =	simm.s32 $0x7A00  }
0x24: {  	[tilespmem:s31], [sflag:$0x3] =	stream.indirect.gather [hbm4b:s2+s16], $0x80, s14, s16, $0xb8;
	[tilespmem:$0xF200] =	vst v63  }
.Ltmp2:
0x25: {  	_ = 	snop;
	(pc) =	sbr.rel .LBB2_2-.Ltmp2, $4  }
0x26: {  	_ = 	snop  }
0x27: {  	[tilespmem:s19], [sflag:$0x2] =	stream.linear.gather [hbm4b:s11+s4], $0x78, $0x38;
	[tilespmem:$0xF200] =	vst v63  }
0x28: {  	s30 =	simm.s32 $0x0  }
0x29: {  	[tilespmem:s20], [sflag:$0x2] =	stream.linear.gather [hbm4b:s12+s4], $0x78, $0x38;
	[tilespmem:$0xF200] =	vst v63  }
.LBB2_9:
0x2a: {  	s30 =	sadd.s32 $0x1, s30  }
0x2b: {  	p0 =	sne.s32 s30, $0x1E  }
.Ltmp3:
0x2c: {  	_ = 	snop;
	(pc) =	sbr.rel @!p0 .LBB2_10-.Ltmp3, $1  }
0x2d: {  	_ =	sdelay $0x3  }
.LBB2_2:
0x2e: {  	s0 =	sand.u32 $0x1, s30  }
0x2f: {  	p0 =	seq.s32 s0, $0x1  }
.Ltmp4:
0x30: {  	_ = 	snop;
	(pc) =	sbr.rel @p0 .LBB2_6-.Ltmp4, $3  }
0x31: {  	_ = 	snop  }
0x32: {  	s3 =	smul.u32 $0x78, s30;
	_ =	sdelay $0x1  }
0x33: {  	s31 =	sadd.s32 s6, s3  }
0x34: {  	_ =	swait.ge [sflag:s25], $0x78  }
0x35: {  	[sflag:s25] =	ssyncset.done $0x0  }
0x36: {  	[sflag:s25] =	ssyncadd.s32 $0xFFFFFF88  }
0x37: {  	_ =	swait.ge [sflag:s25], $0x78  }
0x38: {  	p0 =	seq.s32 s30, $0x0;
	[sflag:s25] =	ssyncset.done $0x0  }
0x39: {  	s3 =	simm.s32 @!p0 $0x6;
	[sflag:s25] =	ssyncadd.s32 $0xFFFFFF88  }
0x3a: {  	_ =	swait.ge @!p0 [sflag:s3], $0x3C00  }
0x3b: {  	[sflag:s3] =	ssyncset.done @!p0 $0x0  }
0x3c: {  	[sflag:s3] =	ssyncadd.s32 @!p0 $0xFFFFC400  }
0x3d: {  	[tilespmem:s22], [sflag:$0x4] =	stream.indirect.gather [hbm4b:s1+s16], $0x80, s19, s16, $0xb8;
	[tilespmem:$0xF200] =	vst v63  }
0x3e: {  	_ = 	snop  }
0x3f: {  	[tilespmem:s26], [sflag:$0x4] =	stream.indirect.gather [hbm4b:s2+s16], $0x80, s20, s16, $0xb8;
	[tilespmem:$0xF200] =	vst v63  }
0x40: {  	_ =	swait.ge [sflag:s28], $0x3C00  }
0x41: {  	[sflag:s28] =	ssyncset.done $0x0  }
0x42: {  	[sflag:s28] =	ssyncadd.s32 $0xFFFFC400  }
0x43: {  	_ =	swait.ge [sflag:s28], $0x3C00  }
0x44: {  	[sflag:s28] =	ssyncset.done $0x0  }
0x45: {  	s3 =	simm.s32 $0x0;
	[sflag:s28] =	ssyncadd.s32 $0xFFFFC400  }
0x46: {  	v7 =	vld [tilespmem:s3+$0x7A00]  }
0x47: {  	v11 =	vld [tilespmem:s3+$0x7A10]  }
0x48: {  	v5 =	vld [tilespmem:s3+$0x7A20]  }
0x49: {  	v4 =	vld [tilespmem:s3+$0x7A30]  }
0x4a: {  	v3 =	vld [tilespmem:s3+$0x7A40]  }
0x4b: {  	v2 =	vld [tilespmem:s3+$0x7A50]  }
0x4c: {  	v1 =	vld [tilespmem:s3+$0x7A60]  }
0x4d: {  	v0 =	vld [tilespmem:s3+$0x7A70]  }
0x4e: {  	v12 =	vld [tilespmem:s3+$0x200]  }
0x4f: {  	v13 =	vld [tilespmem:s3+$0x210]  }
0x50: {  	v10 =	vld [tilespmem:s3+$0x220]  }
0x51: {  	v9 =	vld [tilespmem:s3+$0x230]  }
0x52: {  	v8 =	vld [tilespmem:s3+$0x240]  }
0x53: {  	v6 =	vld [tilespmem:s3+$0x250];
	v12 =	vadd.f32 v7, v12  }
0x54: {  	s18 =	simm.s32 $0x200;
	v11 =	vadd.f32 v11, v13;
	v7 =	vld [tilespmem:s3+$0x260]  }
.LBB2_4:
0x55: {  	s9 =	sshra.s32 s18, $0x2;
	p0 =	sne.s32 s18, $0xEE00;
	[tilespmem:s3+$0x200] =	vst v12;
	v5 =	vadd.f32 v5, v10;
	v10 =	vld [tilespmem:s3+$0x270]  }
0x56: {  	v12 =	vld [tilespmem:s9+$0x7A00];
	[tilespmem:s3+$0x210] =	vst v11;
	v4 =	vadd.f32 v4, v9  }
0x57: {  	v11 =	vld [tilespmem:s9+$0x7A10];
	[tilespmem:s3+$0x220] =	vst v5;
	v3 =	vadd.f32 v3, v8  }
0x58: {  	v5 =	vld [tilespmem:s9+$0x7A20];
	[tilespmem:s3+$0x230] =	vst v4;
	v2 =	vadd.f32 v2, v6  }
0x59: {  	v4 =	vld [tilespmem:s9+$0x7A30];
	[tilespmem:s3+$0x240] =	vst v3;
	v1 =	vadd.f32 v1, v7  }
0x5a: {  	v3 =	vld [tilespmem:s9+$0x7A40];
	[tilespmem:s3+$0x250] =	vst v2;
	v0 =	vadd.f32 v0, v10  }
0x5b: {  	v2 =	vld [tilespmem:s9+$0x7A50];
	[tilespmem:s3+$0x260] =	vst v1  }
0x5c: {  	v1 =	vld [tilespmem:s9+$0x7A60];
	[tilespmem:s3+$0x270] =	vst v0;
	s3 =	smov.u32 s9  }
0x5d: {  	v0 =	vld [tilespmem:s3+$0x7A70]  }
0x5e: {  	v6 =	vld [tilespmem:s3+$0x200]  }
0x5f: {  	v7 =	vld [tilespmem:s3+$0x210]  }
.Ltmp5:
0x60: {  	v10 =	vld [tilespmem:s3+$0x220];
	(pc) =	sbr.rel @p0 .LBB2_4-.Ltmp5, $4  }
0x61: {  	v9 =	vld [tilespmem:s3+$0x230]  }
0x62: {  	v8 =	vld [tilespmem:s3+$0x240]  }
0x63: {  	v12 =	vadd.f32 v12, v6;
	v6 =	vld [tilespmem:s3+$0x250]  }
0x64: {  	s18 =	sadd.s32 $0x200, s18;
	v11 =	vadd.f32 v11, v7;
	v7 =	vld [tilespmem:s3+$0x260]  }
0x65: {  	[tilespmem:s3+$0x200] =	vst v12;
	v5 =	vadd.f32 v5, v10;
	v63 =	vld [tilespmem:s3+$0x270]  }
0x66: {  	[tilespmem:s3+$0x210] =	vst v11;
	v4 =	vadd.f32 v4, v9  }
0x67: {  	[tilespmem:s3+$0x220] =	vst v5;
	v3 =	vadd.f32 v3, v8  }
0x68: {  	[tilespmem:s3+$0x230] =	vst v4;
	v2 =	vadd.f32 v2, v6  }
0x69: {  	[tilespmem:s3+$0x240] =	vst v3;
	v1 =	vadd.f32 v1, v7  }
0x6a: {  	[tilespmem:s3+$0x250] =	vst v2;
	v0 =	vadd.f32 v0, v63  }
0x6b: {  	s9 =	sshll.u32 s31, $0x4;
	p0 =	sgt.u32 s30, $0x1B;
	[tilespmem:s3+$0x260] =	vst v1  }
0x6c: {  	s18 =	sadd.s32 s8, s9;
	[tilespmem:s3+$0x270] =	vst v0;
	s3 =	sshrl.u32 @!p0 s31, $0x3  }
0x6d: {  	[hbm4b:s18+s4] =	stream.linear.scatter [tilespmem:s17], [sflag:$0x5], $0x3C00, $0x38;
	[tilespmem:$0xF200] =	vst v63  }
0x6e: {  	s3 =	sadd.s32 @!p0 $0x1E, s3  }
0x6f: {  	s18 =	simm.s32 @!p0 $0x0;
	s9 =	sadd.s32 @!p0 s5, s3  }
0x70: {  	[tilespmem:s18], [sflag:$0x1] =	stream.linear.gather @!p0 [hbm4b:s9+s18], $0x78, $0x38;
	[tilespmem:$0xF200] =	vst v63  }
0x71: {  	s3 =	sadd.s32 @!p0 s7, s3;
	s9 =	simm.s32 @!p0 $0x100  }
0x72: {  	[tilespmem:s9], [sflag:$0x1] =	stream.linear.gather @!p0 [hbm4b:s3+s18], $0x78, $0x38;
	[tilespmem:$0xF200] =	vst v63  }
0x73: {  	p0 =	seq.s32 s0, $0x0  }
.Ltmp6:
0x74: {  	_ = 	snop;
	(pc) =	sbr.rel @p0 .LBB2_9-.Ltmp6, $1  }
0x75: {  	_ =	sdelay $0x3  }
.LBB2_6:
0x76: {  	p0 =	seq.s32 s30, $0x1D  }
0x77: {  	s0 =	simm.s32 @!p0 $0x1  }
0x78: {  	_ =	swait.ge @!p0 [sflag:s0], $0x78  }
0x79: {  	[sflag:s0] =	ssyncset.done @!p0 $0x0  }
0x7a: {  	[sflag:s0] =	ssyncadd.s32 @!p0 $0xFFFFFF88  }
0x7b: {  	_ =	swait.ge @!p0 [sflag:s0], $0x78  }
0x7c: {  	[sflag:s0] =	ssyncset.done @!p0 $0x0  }
0x7d: {  	[sflag:s0] =	ssyncadd.s32 @!p0 $0xFFFFFF88;
	s0 =	simm.s32 @!p0 $0x5  }
0x7e: {  	_ =	swait.ge @!p0 [sflag:s0], $0x3C00  }
0x7f: {  	s3 =	simm.s32 @!p0 $0x0;
	[sflag:s0] =	ssyncset.done @!p0 $0x0  }
0x80: {  	s9 =	simm.s32 @!p0 $0x200;
	[sflag:s0] =	ssyncadd.s32 @!p0 $0xFFFFC400;
	s0 =	simm.s32 @!p0 $0x78  }
0x81: {  	[tilespmem:s9], [sflag:$0x3] =	stream.indirect.gather @!p0 [hbm4b:s1+s0], $0x80, s3, s0, $0xb8;
	[tilespmem:$0xF200] =	vst v63  }
0x82: {  	s3 =	simm.s32 @!p0 $0x100;
	s9 =	simm.s32 @!p0 $0x7A00  }
0x83: {  	[tilespmem:s9], [sflag:$0x3] =	stream.indirect.gather @!p0 [hbm4b:s2+s0], $0x80, s3, s0, $0xb8;
	[tilespmem:$0xF200] =	vst v63  }
0x84: {  	_ =	swait.ge [sflag:s21], $0x3C00  }
0x85: {  	[sflag:s21] =	ssyncset.done $0x0  }
0x86: {  	[sflag:s21] =	ssyncadd.s32 $0xFFFFC400  }
0x87: {  	_ =	swait.ge [sflag:s21], $0x3C00  }
0x88: {  	[sflag:s21] =	ssyncset.done $0x0  }
0x89: {  	s0 =	simm.s32 $0x0;
	[sflag:s21] =	ssyncadd.s32 $0xFFFFC400  }
0x8a: {  	v7 =	vld [tilespmem:s0+$0xB600]  }
0x8b: {  	v11 =	vld [tilespmem:s0+$0xB610]  }
0x8c: {  	v5 =	vld [tilespmem:s0+$0xB620]  }
0x8d: {  	v4 =	vld [tilespmem:s0+$0xB630]  }
0x8e: {  	v3 =	vld [tilespmem:s0+$0xB640]  }
0x8f: {  	v2 =	vld [tilespmem:s0+$0xB650]  }
0x90: {  	v1 =	vld [tilespmem:s0+$0xB660]  }
0x91: {  	v0 =	vld [tilespmem:s0+$0xB670]  }
0x92: {  	v12 =	vld [tilespmem:s0+$0x3E00]  }
0x93: {  	v13 =	vld [tilespmem:s0+$0x3E10]  }
0x94: {  	v10 =	vld [tilespmem:s0+$0x3E20]  }
0x95: {  	v9 =	vld [tilespmem:s0+$0x3E30]  }
0x96: {  	v8 =	vld [tilespmem:s0+$0x3E40]  }
0x97: {  	v6 =	vld [tilespmem:s0+$0x3E50];
	v12 =	vadd.f32 v7, v12  }
0x98: {  	s3 =	simm.s32 $0x200;
	v11 =	vadd.f32 v11, v13;
	v7 =	vld [tilespmem:s0+$0x3E60]  }
.LBB2_7:
0x99: {  	s9 =	sshra.s32 s3, $0x2;
	p0 =	sne.s32 s3, $0xEE00;
	[tilespmem:s0+$0x3E00] =	vst v12;
	v5 =	vadd.f32 v5, v10;
	v10 =	vld [tilespmem:s0+$0x3E70]  }
0x9a: {  	v12 =	vld [tilespmem:s9+$0xB600];
	[tilespmem:s0+$0x3E10] =	vst v11;
	v4 =	vadd.f32 v4, v9  }
0x9b: {  	v11 =	vld [tilespmem:s9+$0xB610];
	[tilespmem:s0+$0x3E20] =	vst v5;
	v3 =	vadd.f32 v3, v8  }
0x9c: {  	v5 =	vld [tilespmem:s9+$0xB620];
	[tilespmem:s0+$0x3E30] =	vst v4;
	v2 =	vadd.f32 v2, v6  }
0x9d: {  	v4 =	vld [tilespmem:s9+$0xB630];
	[tilespmem:s0+$0x3E40] =	vst v3;
	v1 =	vadd.f32 v1, v7  }
0x9e: {  	v3 =	vld [tilespmem:s9+$0xB640];
	[tilespmem:s0+$0x3E50] =	vst v2;
	v0 =	vadd.f32 v0, v10  }
0x9f: {  	v2 =	vld [tilespmem:s9+$0xB650];
	[tilespmem:s0+$0x3E60] =	vst v1  }
0xa0: {  	v1 =	vld [tilespmem:s9+$0xB660];
	[tilespmem:s0+$0x3E70] =	vst v0;
	s0 =	smov.u32 s9  }
0xa1: {  	v0 =	vld [tilespmem:s0+$0xB670]  }
0xa2: {  	v6 =	vld [tilespmem:s0+$0x3E00]  }
0xa3: {  	v7 =	vld [tilespmem:s0+$0x3E10]  }
.Ltmp7:
0xa4: {  	v10 =	vld [tilespmem:s0+$0x3E20];
	(pc) =	sbr.rel @p0 .LBB2_7-.Ltmp7, $4  }
0xa5: {  	v9 =	vld [tilespmem:s0+$0x3E30]  }
0xa6: {  	v8 =	vld [tilespmem:s0+$0x3E40]  }
0xa7: {  	v12 =	vadd.f32 v12, v6;
	v6 =	vld [tilespmem:s0+$0x3E50]  }
0xa8: {  	s3 =	sadd.s32 $0x200, s3;
	v11 =	vadd.f32 v11, v7;
	v7 =	vld [tilespmem:s0+$0x3E60]  }
0xa9: {  	[tilespmem:s0+$0x3E00] =	vst v12;
	v5 =	vadd.f32 v5, v10;
	v63 =	vld [tilespmem:s0+$0x3E70]  }
0xaa: {  	[tilespmem:s0+$0x3E10] =	vst v11;
	v4 =	vadd.f32 v4, v9  }
0xab: {  	[tilespmem:s0+$0x3E20] =	vst v5;
	v3 =	vadd.f32 v3, v8  }
0xac: {  	[tilespmem:s0+$0x3E30] =	vst v4;
	v2 =	vadd.f32 v2, v6  }
0xad: {  	[tilespmem:s0+$0x3E40] =	vst v3;
	v1 =	vadd.f32 v1, v7  }
0xae: {  	[tilespmem:s0+$0x3E50] =	vst v2;
	v0 =	vadd.f32 v0, v63  }
0xaf: {  	s3 =	sshll.u32 s31, $0x4;
	p0 =	sgt.u32 s30, $0x1B;
	[tilespmem:s0+$0x3E60] =	vst v1  }
0xb0: {  	s18 =	sadd.s32 s8, s3;
	[tilespmem:s0+$0x3E70] =	vst v0;
	s0 =	sshrl.u32 @!p0 s31, $0x3  }
0xb1: {  	[hbm4b:s18+s4] =	stream.linear.scatter [tilespmem:s22], [sflag:$0x6], $0x3C00, $0x38;
	[tilespmem:$0xF200] =	vst v63  }
.Ltmp8:
0xb2: {  	s0 =	sadd.s32 @!p0 $0x1E, s0;
	(pc) =	sbr.rel .LBB2_9-.Ltmp8, $4  }
0xb3: {  	s9 =	simm.s32 @!p0 $0x0;
	s18 =	simm.s32 @!p0 $0x80;
	s3 =	sadd.s32 @!p0 s5, s0  }
0xb4: {  	[tilespmem:s18], [sflag:$0x2] =	stream.linear.gather @!p0 [hbm4b:s3+s9], $0x78, $0x38;
	[tilespmem:$0xF200] =	vst v63  }
0xb5: {  	s0 =	sadd.s32 @!p0 s7, s0;
	s3 =	simm.s32 @!p0 $0x180  }
0xb6: {  	[tilespmem:s3], [sflag:$0x2] =	stream.linear.gather @!p0 [hbm4b:s0+s9], $0x78, $0x38;
	[tilespmem:$0xF200] =	vst v63  }
.LBB2_11:
0xb7: {  	_ =	sfence.sel $0x180000  }
0xb8: {  	[bflag:$0x0] =	sbarrier.arrive $0xFFFF  }
0xb9: {  	_ =	strace $0x9000004A  }
0xba: {  	s0 =	stileid.u32;
	[bflag:$0x2] =	sbarrier.arrive $0xFFFF  }
0xbb: {  	p0 =	sne.s32 s0, $0x0;
	s0 =	rddreg [dreg:$0x3]  }
0xbc: {  	s0 =	sadd.s32 @!p0 $0x100000, s0  }
0xbd: {  	[sflag:s0] =	ssyncadd.tile.s32 @!p0 $0x1;
	_ =	shalt  }
.Lfunc_end2:
_tile_overlayer_lowered:
.L_overlay_start_2:
0xbe: {  	(tag) =	ssettag $0x2  }
0xbf: {  	s0 =	rddreg [dreg:$0x0];
	s2 =	stileid.u32  }
0xc0: {  	s1 =	rddreg [dreg:$0x1];
	p0 =	sne.s32 s2, $0x0  }
0xc1: {  	s3 =	rddreg [dreg:$0x2];
	[bflag:$0x3] =	sbarrier.arrive $0xFFFF;
	s2 =	simm.s32 @!p0 $0x1C07  }
0xc2: {  	[timem:s3], [sflag:s2] =	dma.local @!p0 [hbm:s0], s1  }
0xc3: {  	s0 =	simm.s32 @!p0 $0x7  }
0xc4: {  	_ =	swait.ge @!p0 [sflag:s0], s1  }
0xc5: {  	s1 =	ssub.s32 @!p0 $0x0, s1;
	[sflag:s0] =	ssyncset.done @!p0 $0x0  }
0xc6: {  	[sflag:s0] =	ssyncadd.s32 @!p0 s1  }
0xc7: {  	[bflag:$0x3] =	sbarrier.arrive $0xFFFF  }
0xc8: {  	_ =	shalt  }

// kernel: kernel.18.cloned.1.call-start
scs
__scs_entry_jumppad:
0x0: {  	(pc) =	sbr.rel $0x88, $3  }
0x1: {  	(tag) =	ssettag $0x0;
	lr =	simm.s32 $0x1  }
0x2: {  	[smem:$0x3F97] =	sst lr;
	_ =	strace $0xD0000000  }
0x3: {  	_ = 	snop  }
0x4: {  	_ = 	snop  }
0x5: {  	_ = 	snop  }
0x6: {  	_ = 	snop  }
0x7: {  	_ = 	snop  }
__scs_overlays_trampoline_lowered:
0x8: {  	[smem:$0x3FA6] =	sst s0  }
0x9: {  	[smem:$0x3FA7] =	sst s1  }
0xa: {  	[smem:$0x3FA8] =	sst s2  }
0xb: {  	[smem:$0x3FA9] =	sst s3  }
0xc: {  	[smem:$0x3FAA] =	sst s4  }
0xd: {  	[smem:$0x3FAB] =	sst s5  }
0xe: {  	[smem:$0x3FAC] =	sst s6  }
0xf: {  	[smem:$0x3FAD] =	sst s7  }
0x10: {  	[smem:$0x3FAE] =	sst s8  }
0x11: {  	[smem:$0x3FAF] =	sst s9;
	s0 =	simm.s32 @!p0 $0x0  }
0x12: {  	s1 =	sld [smem:$0x3F95];
	s0 =	simm.s32 @p0 $0x1  }
0x13: {  	[smem:$0x3FB0] =	sst s0;
	s0 =	simm.s32 @!p1 $0x0  }
0x14: {  	s2 =	sld [smem:$0x3F94];
	s0 =	simm.s32 @p1 $0x1  }
0x15: {  	[smem:$0x3FB1] =	sst s0;
	s0 =	simm.s32 @!p2 $0x0  }
0x16: {  	s3 =	sld [smem:$0x3FDB];
	s0 =	simm.s32 @p2 $0x1  }
0x17: {  	s4 =	simm.s32 $0x1BF5;
	[smem:$0x3FB3] =	sst s0  }
0x18: {  	s0 =	sld [smem:$0x3F96];
	_ =	swait.ge [sflag:s4], $0x0  }
0x19: {  	s7 =	sld [smem:$0x3F97]  }
0x1a: {  	s8 =	sadd.s32 $0xFFFFE003, lr  }
0x1b: {  	s9 =	sadd.s32 $0xFFFFFEF7, lr;
	s5 =	simm.s32 $0xFFFFFFFF;
	p2 =	slt.u32 s8, $0xFFFFF086  }
0x1c: {  	p1 =	slt.u32 s9, $0xF7A;
	s5 =	simm.s32 @!p2 $0x0  }
0x1d: {  	s5 =	simm.s32 @p1 $0x1;
	p0 =	seq.s32 s7, s2  }
0x1e: {  	s7 =	smul.u32 @!p0 $0xF7A, s2;
	p2 =	seq.s32 @!p0 s5, $0x0  }
0x1f: {  	s9 =	smul.u32 $0xF7A, s1;
	s8 =	simm.s32 @!p0 $0x1BF5;
	p2 =	por !p2, p0  }
0x20: {  	[sflag:s8] =	ssyncset.s32 @!p0 $0xFFFFF086;
	s6 =	sadd.s32 @!p0 s3, s7;
	s7 =	simm.s32 @!p0 $0x108  }
0x21: {  	s3 =	sadd.s32 s3, s9;
	s6 =	sadd.s32 @!p0 $0x88, s6;
	s7 =	simm.s32 @p2 $0x1082  }
0x22: {  	[simem:s7], [sflag:s8] =	dma.local @!p0 [hbm:s6], $0xF7A  }
0x23: {  	s9 =	sor.u32 $0xD0000000, s2;
	s6 =	simm.s32 $0x108;
	_ =	swait.ge @!p0 [sflag:s8], $0x0  }
0x24: {  	s3 =	sadd.s32 $0x88, s3;
	s6 =	simm.s32 @!p1 $0x1082;
	[sflag:s4] =	ssyncset.s32 $0xFFFFF086  }
0x25: {  	[simem:s6], [sflag:s4] =	dma.local [hbm:s3], $0xF7A  }
0x26: {  	[smem:$0x3F97] =	sst s1;
	(tag) =	ssettag s2;
	_ =	strace s9  }
0x27: {  	s1 =	sld [smem:$0x3FA7]  }
0x28: {  	s2 =	sld [smem:$0x3FA8]  }
0x29: {  	s4 =	sld [smem:$0x3FAA]  }
0x2a: {  	p0 =	seq.s32 s5, $0x0;
	s5 =	sld [smem:$0x3FAB]  }
0x2b: {  	s6 =	sld [smem:$0x3FAC]  }
0x2c: {  	s7 =	sld [smem:$0x3FAD]  }
0x2d: {  	s3 =	simm.s32 $0x108;
	s8 =	sld [smem:$0x3FAE]  }
0x2e: {  	s3 =	simm.s32 @!p0 $0x1082;
	s9 =	sld [smem:$0x3FAF]  }
0x2f: {  	lr =	sadd.s32 s0, s3;
	s0 =	sld [smem:$0x3FA6]  }
0x30: {  	s3 =	sld [smem:$0x3FA9]  }
0x31: {  	[smem:$0x3FB2] =	sst s10  }
0x32: {  	s10 =	sld [smem:$0x3FB0];
	_ =	sdelay $0x3  }
0x33: {  	p0 =	seq.s32 s10, $0x1;
	s10 =	sld [smem:$0x3FB2];
	_ =	sdelay $0x3  }
0x34: {  	[smem:$0x3FB2] =	sst s10  }
0x35: {  	s10 =	sld [smem:$0x3FB1];
	_ =	sdelay $0x3  }
0x36: {  	p1 =	seq.s32 s10, $0x1;
	s10 =	sld [smem:$0x3FB2];
	_ =	sdelay $0x3  }
0x37: {  	[smem:$0x3FB2] =	sst s10  }
0x38: {  	s10 =	sld [smem:$0x3FB3]  }
0x39: {  	_ = 	snop;
	(pc) =	sbr.ind lr, $3  }
0x3a: {  	_ = 	snop  }
0x3b: {  	_ = 	snop  }
0x3c: {  	p2 =	seq.s32 s10, $0x1;
	s10 =	sld [smem:$0x3FB2]  }
0x3d: {  	_ =	shalt  }
0x3e: {  	_ =	shalt  }
0x3f: {  	_ =	shalt  }
0x40: {  	_ =	shalt  }
0x41: {  	_ =	shalt  }
0x42: {  	_ =	shalt  }
0x43: {  	_ =	shalt  }
0x44: {  	_ =	shalt  }
0x45: {  	_ =	shalt  }
0x46: {  	_ =	shalt  }
0x47: {  	_ =	shalt  }
0x48: {  	_ =	shalt  }
0x49: {  	_ =	shalt  }
0x4a: {  	_ =	shalt  }
0x4b: {  	_ =	shalt  }
0x4c: {  	_ =	shalt  }
0x4d: {  	_ =	shalt  }
0x4e: {  	_ =	shalt  }
0x4f: {  	_ =	shalt  }
0x50: {  	_ =	shalt  }
0x51: {  	_ =	shalt  }
0x52: {  	_ =	shalt  }
0x53: {  	_ =	shalt  }
0x54: {  	_ =	shalt  }
0x55: {  	_ =	shalt  }
0x56: {  	_ =	shalt  }
0x57: {  	_ =	shalt  }
0x58: {  	_ =	shalt  }
0x59: {  	_ =	shalt  }
0x5a: {  	_ =	shalt  }
0x5b: {  	_ =	shalt  }
0x5c: {  	_ =	shalt  }
0x5d: {  	_ =	shalt  }
0x5e: {  	_ =	shalt  }
0x5f: {  	_ =	shalt  }
0x60: {  	_ =	shalt  }
0x61: {  	_ =	shalt  }
0x62: {  	_ =	shalt  }
0x63: {  	_ =	shalt  }
0x64: {  	_ =	shalt  }
0x65: {  	_ =	shalt  }
0x66: {  	_ =	shalt  }
0x67: {  	_ =	shalt  }
0x68: {  	_ =	shalt  }
0x69: {  	_ =	shalt  }
0x6a: {  	_ =	shalt  }
0x6b: {  	_ =	shalt  }
0x6c: {  	_ =	shalt  }
0x6d: {  	_ =	shalt  }
0x6e: {  	_ =	shalt  }
0x6f: {  	_ =	shalt  }
0x70: {  	_ =	shalt  }
0x71: {  	_ =	shalt  }
0x72: {  	_ =	shalt  }
0x73: {  	_ =	shalt  }
0x74: {  	_ =	shalt  }
0x75: {  	_ =	shalt  }
0x76: {  	_ =	shalt  }
0x77: {  	_ =	shalt  }
0x78: {  	_ =	shalt  }
0x79: {  	_ =	shalt  }
0x7a: {  	_ =	shalt  }
0x7b: {  	_ =	shalt  }
0x7c: {  	_ =	shalt  }
0x7d: {  	_ =	shalt  }
0x7e: {  	_ =	shalt  }
0x7f: {  	_ =	shalt  }
0x80: {  	_ =	shalt  }
0x81: {  	_ =	shalt  }
0x82: {  	_ =	shalt  }
0x83: {  	_ =	shalt  }
0x84: {  	_ =	shalt  }
0x85: {  	_ =	shalt  }
0x86: {  	_ =	shalt  }
0x87: {  	_ =	shalt  }
.Lfunc_end0:
.L_simem_size_0:
called_computation.3_lowered:
.L_overlay_start_0:
0x88: {  	s2 =	sld [smem:$0x3FD9]  }
0x89: {  	s3 =	sld [smem:$0x3FFE];
	_ =	sdelay $0x1  }
0x8a: {  	s1 =	srdreg.scid  }
0x8b: {  	s0 =	sand.u32 $0x1, s1  }
0x8c: {  	s17 =	sshll.u32 s0, $0xA;
	s2 =	sadd.s32 s3, s2  }
0x8d: {  	s2 =	sadd.s32 s2, s17  }
0x8e: {  	[smem:$0x3FBE] =	sst s2  }
0x8f: {  	_ = 	snop  }
0x90: {  	(tm) =	ssettm $0x1  }
0x91: {  	s18 =	sld [smem:$0x3FFB];
	_ =	sdelay $0x3  }
0x92: {  	_ =	strace s18  }
0x93: {  	s2 =	sld [smem:$0x3FFC];
	_ =	sdelay $0x3  }
0x94: {  	_ =	strace s2  }
0x95: {  	s2 =	sld [smem:$0x3FFD];
	_ =	sdelay $0x3  }
0x96: {  	_ =	strace s2  }
0x97: {  	_ =	strace $0x8FFFFFFF  }
0x98: {  	s19 =	sld [smem:$0x3FDB];
	_ =	sdelay $0x1  }
0x99: {  	s20 =	simm.s32 $_scs_section_size  }
0x9a: {  	s4 =	simm.s32 $_size__tile_overlayer_lowered;
	s5 =	simm.s32 $_tile_overlayer_lowered  }
0x9b: {  	s6 =	simm.s32 $0x1BFF;
	s21 =	sshll.u32 s5, $0x1;
	s3 =	sadd.s32 s20, s19  }
0x9c: {  	s22 =	simm.s32 $0x0;
	s4 =	sshll.u32 s4, $0x1;
	s5 =	sadd.s32 s21, s3  }
0x9d: {  	[timem:s22], [sflag:s6] =	dma.local [hbm:s5], s4  }
0x9e: {  	_ =	swait.ge [sflag:s6], s4  }
0x9f: {  	s4 =	ssub.s32 $0x0, s4;
	[sflag:s6] =	ssyncset.done $0x0  }
0xa0: {  	[sflag:s6] =	ssyncadd.s32 s4;
	_ =	sdelay $0x1  }
0xa1: {  	s23 =	simm.s32 $0x1B8B  }
0xa2: {  	_ =	swait.ge [sflag:s23], $0x1  }
0xa3: {  	[sflag:s23] =	ssyncset.done $0x0  }
0xa4: {  	[sflag:s23] =	ssyncadd.s32 $0xFFFFFFFF  }
0xa5: {  	s4 =	sld [smem:$0x0]  }
0xa6: {  	s5 =	sand.u32 $0xFFFFFFFE, s1  }
0xa7: {  	p0 =	sne.s32 s1, s5  }
0xa8: {  	s5 =	sshll.u32 @p0 s5, $0xE  }
0xa9: {  	s5 =	sadd.s32 @p0 $0x11B8D, s5;
	s6 =	sshll.u32 @p0 s4, $0x11  }
0xaa: {  	s5 =	sor.u32 @p0 s6, s5  }
0xab: {  	[sflag:s5] =	ssyncadd.remote.s32 @p0 $0x1;
	_ =	sdelay $0x1  }
0xac: {  	s5 =	simm.s32 @p0 $0x1B8D  }
0xad: {  	_ =	swait.eq @p0 [sflag:s5], $0x1  }
0xae: {  	[sflag:s5] =	ssyncadd.s32 @p0 $0xFFFFFFFF  }
0xaf: {  	s6 =	sshll.u32 @!p0 s1, $0xE  }
0xb0: {  	s6 =	sor.u32 @!p0 $0x4000, s6;
	s5 =	simm.s32 @!p0 $0x1B8D  }
0xb1: {  	s4 =	sshll.u32 @!p0 s4, $0x11;
	s6 =	sadd.s32 @!p0 $0x11B8D, s6;
	_ =	swait.eq @!p0 [sflag:s5], $0x1  }
0xb2: {  	s4 =	sor.u32 @!p0 s4, s6;
	[sflag:s5] =	ssyncadd.s32 @!p0 $0xFFFFFFFF  }
0xb3: {  	s25 =	simm.s32 $0x1B8E;
	s24 =	sld [smem:$0x3FFE];
	[sflag:s4] =	ssyncadd.remote.s32 @!p0 $0x1  }
0xb4: {  	s26 =	simm.s32 $execute0_lowered;
	[smem:$0x3FD2] =	sst s25  }
0xb5: {  	s5 =	sshll.u32 s26, $0x1;
	_ =	strace $0x8000004F;
	[dreg:$0x1] =	wrdreg $0xFFFFFFFF  }
0xb6: {  	s28 =	simm.s32 $_size_execute0_lowered;
	s3 =	sadd.s32 s3, s5;
	[dreg:$0x0] =	wrdreg $0x0  }
0xb7: {  	s5 =	sshll.u32 s28, $0x1;
	[dreg:$0x2] =	wrdreg s3  }
0xb8: {  	[dreg:$0x3] =	wrdreg s5  }
0xb9: {  	[dreg:$0x4] =	wrdreg $0xC0  }
0xba: {  	_ =	task [dreg:s22], $0x5FFFF  }
0xbb: {  	[dreg:$0x1] =	wrdreg $0xFFFFFFFF  }
0xbc: {  	[dreg:$0x0] =	wrdreg $0x60  }
0xbd: {  	[dreg:$0x2] =	wrdreg s24  }
0xbe: {  	[dreg:$0x3] =	wrdreg $0x79000  }
0xbf: {  	[dreg:$0x4] =	wrdreg $0xA  }
0xc0: {  	_ =	task.clear_ibuf [dreg:s22], $0x5FFFF;
	_ =	strace $0x9000004F  }
0xc1: {  	s29 =	simm.s32 $0xA;
	_ =	strace $0x80000051  }
0xc2: {  	_ =	swait.ge [sflag:s29], $0x1  }
0xc3: {  	[sflag:s29] =	ssyncadd.s32 $0xFFFFFFFF  }
0xc4: {  	_ =	strace $0x90000051  }
0xc5: {  	_ =	sfence  }
0xc6: {  	s30 =	sld [smem:$0x0];
	_ =	sdelay $0x2  }
0xc7: {  	s31 =	sshll.u32 s1, $0xD;
	s1 =	sshrl.u32 s1, $0x2  }
0xc8: {  	s4 =	sand.u32 $0x4000, s31;
	s1 =	sadd.s32 s1, s30  }
0xc9: {  	s0 =	sor.u32 s4, s0;
	s1 =	sshll.u32 s1, $0x11  }
0xca: {  	s0 =	sor.u32 s1, s0  }
0xcb: {  	s0 =	sadd.s32 $0x8F2B, s0  }
0xcc: {  	[sflag:s0] =	ssyncadd.remote.s32 $0x1  }
0xcd: {  	_ =	sfence.sel $0xFFFF  }
0xce: {  	[dreg:$0x0] =	wrdreg $0xFFFFFFFF;
	(pc) =	sbr.abs _section_cstart, $3  }
0xcf: {  	[dreg:$0x1] =	wrdreg $0xFFFFFFFF  }
0xd0: {  	_ =	task.clear_ibuf [dreg:s22], $0x2FFFF;
	_ =	strace $0x9FFFFFFF  }
0xd1: {  	(tm) =	ssettm $0x7FFFFFFF  }
tec
execute0_lowered:
.L_overlay_start_1:
0x0: {  	(tag) =	ssettag $0x1  }
0x1: {  	s0 =	rddreg [dreg:$0x0];
	s1 =	stileid.u32  }
0x2: {  	s2 =	rddreg [dreg:$0x1];
	s5 =	smul.u32 $0x13C00, s1  }
0x3: {  	s4 =	srdreg.scid;
	s7 =	smul.u32 $0x4F000, s1  }
0x4: {  	s3 =	simm.s32 $0x0;
	s10 =	sand.u32 $0x1, s4;
	s26 =	smul.u32 $0xE10, s1  }
0x5: {  	[smem:$0x7FF] =	sst s3;
	s11 =	sadd.s32 $0xB37200, s0;
	s28 =	smul.u32 $0xE100, s1  }
0x6: {  	s13 =	sadd.s32 $0x77C00, s0;
	s20 =	sshll.u32 s1, $0x6;
	s4 =	smul.u32 $0x13C000, s10  }
0x7: {  	_ =	strace $0x80000050;
	s17 =	ssub.s32 $0x2, s10;
	s8 =	sshll.u32 s10, $0x4  }
0x8: {  	s15 =	smul.u32 $0xE100, s10;
	s6 =	sshrl.u32 s5, $0x3;
	s18 =	sshrl.u32 s17, $0x1  }
0x9: {  	s8 =	sor.u32 s1, s8;
	s19 =	sshrl.u32 s7, $0x2;
	s4 =	sadd.s32 s5, s4  }
0xa: {  	s16 =	sadd.s32 s6, s0;
	s9 =	ssub.s32 s17, s18;
	s12 =	smul.u32 $0xE10, s8  }
0xb: {  	s14 =	sadd.s32 s19, s2;
	s21 =	smul.u32 $0xE100, s8;
	s5 =	sor.u32 $0x1C05, s20  }
0xc: {  	s17 =	smul.u32 $0xE1000, s10;
	s18 =	simm.s32 $0x3D00;
	s19 =	simm.s32 $0x78  }
0xd: {  	s20 =	simm.s32 $0x2;
	s4 =	sshrl.u32 s4, $0x3;
	s22 =	sadd.s32 $0x1400, s16  }
0xe: {  	s9 =	smax.u32 s9, $0x1;
	s14 =	sshrl.u32 s14, $0x3;
	s0 =	sadd.s32 s4, s0  }
0xf: {  	[dreg:$0x3] =	wrdreg s22;
	s23 =	sshrl.u32 s12, $0x3;
	s7 =	sadd.s32 s11, s21  }
0x10: {  	s25 =	sadd.s32 $0x78, s12;
	s12 =	sadd.s32 s26, s15;
	s29 =	sadd.s32 s17, s11  }
0x11: {  	s15 =	simm.s32 $0x5;
	s17 =	simm.s32 $0x80;
	s21 =	simm.s32 $0x3  }
0x12: {  	s22 =	simm.s32 $0x4;
	s24 =	sadd.s32 s13, s23;
	s8 =	sadd.s32 $0x23D600, s0  }
0x13: {  	s16 =	sshrl.u32 s25, $0x3;
	s0 =	sshll.u32 s25, $0x4;
	s12 =	sadd.s32 $0xF0, s12  }
0x14: {  	s30 =	sadd.s32 s28, s29;
	s23 =	simm.s32 $0x0;
	[dreg:$0x4] =	wrdreg s24  }
0x15: {  	s10 =	sadd.s32 s13, s16;
	s11 =	sadd.s32 s11, s0;
	s31 =	sshrl.u32 s12, $0x3  }
0x16: {  	s12 =	sadd.s32 $0xF00, s30;
	s16 =	simm.s32 $0x100;
	s13 =	sadd.s32 s31, s13  }
.LBB2_1:
0x17: {  	s0 =	rddreg [dreg:$0x3]  }
0x18: {  	[spmem:s14], [sflag:s5] =	dma.local [hbm:s0], $0x2780  }
0x19: {  	_ =	swait.ge [sflag:s15], $0x2780  }
0x1a: {  	[sflag:s15] =	ssyncset.done $0x0  }
0x1b: {  	[sflag:s15] =	ssyncadd.s32 $0xFFFFD880  }
0x1c: {  	[bflag:$0x0] =	sbarrier.arrive $0xFFFF  }
0x1d: {  	s6 =	rddreg [dreg:$0x4]  }
0x1e: {  	[tilespmem:s3], [sflag:$0x1] =	stream.linear.gather [hbm4b:s6+s3], $0x78, $0x38;
	[tilespmem:$0x1B500] =	vst v63  }
0x1f: {  	s24 =	simm.s32 $0x1  }
0x20: {  	[tilespmem:s16], [sflag:$0x1] =	stream.linear.gather [hbm4b:s7+s3], $0x3C00, $0x38;
	[tilespmem:$0x1B500] =	vst v63  }
0x21: {  	_ =	swait.ge [sflag:s24], $0x78  }
0x22: {  	[sflag:s24] =	ssyncset.done $0x0  }
0x23: {  	[sflag:s24] =	ssyncadd.s32 $0xFFFFFF88  }
0x24: {  	_ =	swait.ge [sflag:s24], $0x3C00  }
0x25: {  	[sflag:s24] =	ssyncset.done $0x0  }
0x26: {  	s0 =	sand.u32 $0x1, s24;
	[sflag:s24] =	ssyncadd.s32 $0xFFFFC400  }
0x27: {  	[tilespmem:s17], [sflag:$0x2] =	stream.linear.gather [hbm4b:s10+s3], $0x78, $0x38;
	[tilespmem:$0x1B500] =	vst v63  }
0x28: {  	p1 =	seq.s32 s0, $0x1  }
0x29: {  	[tilespmem:s18], [sflag:$0x2] =	stream.linear.gather [hbm4b:s11+s3], $0x3C00, $0x38;
	[tilespmem:$0x1B500] =	vst v63  }
0x2a: {  	s0 =	simm.s32 @p1 $0x2  }
0x2b: {  	[spmem:s2] =	stream.indirect.scatter.add.f32 [tilespmem:s16], [sflag:$0x3], $0x80, s3, s19, $0xb8;
	[tilespmem:$0x1B500] =	vst v63  }
0x2c: {  	_ =	swait.ge @p1 [sflag:s0], $0x78  }
0x2d: {  	[sflag:s0] =	ssyncset.done @p1 $0x0  }
0x2e: {  	p0 =	por p1, p1;
	[sflag:s0] =	ssyncadd.s32 @p1 $0xFFFFFF88  }
0x2f: {  	_ =	swait.ge @p0 [sflag:s0], $0x3C00  }
0x30: {  	[sflag:s0] =	ssyncset.done @p0 $0x0  }
0x31: {  	[sflag:s0] =	ssyncadd.s32 @p0 $0xFFFFC400;
	s0 =	simm.s32 @p0 $0x3  }
0x32: {  	_ =	swait.ge @p0 [sflag:s0], $0x3C00  }
0x33: {  	[sflag:s0] =	ssyncset.done @p0 $0x0  }
0x34: {  	[sflag:s0] =	ssyncadd.s32 @p0 $0xFFFFC400;
	s0 =	simm.s32 @p0 $0x0  }
0x35: {  	[tilespmem:s0], [sflag:$0x1] =	stream.linear.gather @p0 [hbm4b:s13+s0], $0x78, $0x38;
	[tilespmem:$0x1B500] =	vst v63  }
0x36: {  	s25 =	simm.s32 @!p0 $0x1;
	s24 =	simm.s32 @p0 $0x100  }
0x37: {  	[tilespmem:s24], [sflag:$0x1] =	stream.linear.gather @p0 [hbm4b:s12+s0], $0x3C00, $0x38;
	[tilespmem:$0x1B500] =	vst v63  }
0x38: {  	s26 =	simm.s32 @p0 $0x3D00;
	s0 =	simm.s32 @p0 $0x78;
	s24 =	simm.s32 @p0 $0x80  }
0x39: {  	[spmem:s2] =	stream.indirect.scatter.add.f32 @p0 [tilespmem:s26], [sflag:$0x4], $0x80, s24, s0, $0xb8;
	[tilespmem:$0x1B500] =	vst v63  }
0x3a: {  	_ =	swait.ge @!p0 [sflag:s25], $0x78  }
0x3b: {  	[sflag:s25] =	ssyncset.done @!p0 $0x0  }
0x3c: {  	[sflag:s25] =	ssyncadd.s32 @!p0 $0xFFFFFF88  }
0x3d: {  	_ =	swait.ge @!p0 [sflag:s25], $0x3C00  }
0x3e: {  	s29 =	simm.s32 $0x3;
	s30 =	smov.u32 s12;
	[sflag:s25] =	ssyncset.done @!p0 $0x0  }
0x3f: {  	s28 =	simm.s32 @!p1 $0x100;
	s0 =	simm.s32 @!p0 $0x4;
	[sflag:s25] =	ssyncadd.s32 @!p0 $0xFFFFC400  }
0x40: {  	s31 =	simm.s32 @!p0 $0x0;
	s25 =	simm.s32 $0x2;
	_ =	swait.ge @!p0 [sflag:s0], $0x3C00  }
0x41: {  	s26 =	simm.s32 @!p1 $0x78;
	s24 =	sand.u32 $0x1, s25;
	[sflag:s0] =	ssyncset.done @!p0 $0x0  }
0x42: {  	s25 =	sadd.s32 $0xF, s13;
	[sflag:s0] =	ssyncadd.s32 @!p0 $0xFFFFC400;
	s0 =	simm.s32 @!p0 $0x80  }
0x43: {  	[tilespmem:s0], [sflag:$0x2] =	stream.linear.gather @!p0 [hbm4b:s13+s31], $0x78, $0x38;
	[tilespmem:$0x1B500] =	vst v63  }
0x44: {  	p1 =	seq.s32 s24, $0x1;
	s24 =	sadd.s32 $0x780, s12;
	s0 =	simm.s32 @!p0 $0x3D00  }
.LBB2_2:
0x45: {  	[tilespmem:s0], [sflag:$0x2] =	stream.linear.gather @!p0 [hbm4b:s30+s31], $0x3C00, $0x38;
	[tilespmem:$0x1B500] =	vst v63  }
0x46: {  	s0 =	smov.u32 s29;
	s30 =	smov.u32 s24  }
0x47: {  	s1 =	simm.s32 @p1 $0x2;
	s4 =	simm.s32 @!p1 $0x78;
	s6 =	simm.s32 @!p1 $0x100  }
0x48: {  	[spmem:s2] =	stream.indirect.scatter.add.f32 @!p0 [tilespmem:s28], [sflag:$0x3], $0x80, s31, s26, $0xb8;
	[tilespmem:$0x1B500] =	vst v63  }
0x49: {  	s29 =	sadd.s32 $0x1, s29;
	s26 =	smov.u32 s4;
	_ =	swait.ge @p1 [sflag:s1], $0x78  }
0x4a: {  	p2 =	sne.s32 s29, $0x1D;
	s28 =	smov.u32 s6;
	[sflag:s1] =	ssyncset.done @p1 $0x0  }
0x4b: {  	p0 =	por p1, p1;
	[sflag:s1] =	ssyncadd.s32 @p1 $0xFFFFFF88  }
0x4c: {  	_ =	swait.ge @p0 [sflag:s1], $0x3C00  }
0x4d: {  	[sflag:s1] =	ssyncset.done @p0 $0x0  }
0x4e: {  	[sflag:s1] =	ssyncadd.s32 @p0 $0xFFFFC400;
	s1 =	simm.s32 @p0 $0x3  }
0x4f: {  	_ =	swait.ge @p0 [sflag:s1], $0x3C00  }
0x50: {  	[sflag:s1] =	ssyncset.done @p0 $0x0  }
0x51: {  	[sflag:s1] =	ssyncadd.s32 @p0 $0xFFFFC400;
	s1 =	simm.s32 @p0 $0x0  }
0x52: {  	[tilespmem:s1], [sflag:$0x1] =	stream.linear.gather @p0 [hbm4b:s25+s1], $0x78, $0x38;
	[tilespmem:$0x1B500] =	vst v63  }
0x53: {  	s4 =	simm.s32 @p0 $0x100;
	s6 =	simm.s32 @!p0 $0x1  }
0x54: {  	[tilespmem:s4], [sflag:$0x1] =	stream.linear.gather @p0 [hbm4b:s24+s1], $0x3C00, $0x38;
	[tilespmem:$0x1B500] =	vst v63  }
0x55: {  	s31 =	simm.s32 @p0 $0x3D00;
	s1 =	simm.s32 @p0 $0x78;
	s4 =	simm.s32 @p0 $0x80  }
0x56: {  	[spmem:s2] =	stream.indirect.scatter.add.f32 @p0 [tilespmem:s31], [sflag:$0x4], $0x80, s4, s1, $0xb8;
	[tilespmem:$0x1B500] =	vst v63  }
0x57: {  	_ =	swait.ge @!p0 [sflag:s6], $0x78  }
0x58: {  	[sflag:s6] =	ssyncset.done @!p0 $0x0  }
0x59: {  	[sflag:s6] =	ssyncadd.s32 @!p0 $0xFFFFFF88  }
0x5a: {  	_ =	swait.ge @!p0 [sflag:s6], $0x3C00  }
0x5b: {  	[sflag:s6] =	ssyncset.done @!p0 $0x0  }
0x5c: {  	s1 =	simm.s32 @!p0 $0x4;
	[sflag:s6] =	ssyncadd.s32 @!p0 $0xFFFFC400  }
.Ltmp0:
0x5d: {  	_ =	swait.ge @!p0 [sflag:s1], $0x3C00;
	(pc) =	sbr.rel @p2 .LBB2_2-.Ltmp0, $4  }
0x5e: {  	s4 =	sand.u32 $0x1, s0;
	s0 =	simm.s32 @!p0 $0x3D00;
	[sflag:s1] =	ssyncset.done @!p0 $0x0  }
0x5f: {  	s31 =	simm.s32 @!p0 $0x0;
	[sflag:s1] =	ssyncadd.s32 @!p0 $0xFFFFC400;
	s1 =	simm.s32 @!p0 $0x80  }
0x60: {  	[tilespmem:s1], [sflag:$0x2] =	stream.linear.gather @!p0 [hbm4b:s25+s31], $0x78, $0x38;
	[tilespmem:$0x1B500] =	vst v63  }
0x61: {  	s24 =	sadd.s32 $0x780, s24;
	p1 =	seq.s32 s4, $0x1;
	s25 =	sadd.s32 $0xF, s25  }
0x62: {  	[tilespmem:s0], [sflag:$0x2] =	stream.linear.gather @!p0 [hbm4b:s30+s31], $0x3C00, $0x38;
	[tilespmem:$0x1B500] =	vst v63  }
0x63: {  	s0 =	simm.s32 @p1 $0x2  }
0x64: {  	[spmem:s2] =	stream.indirect.scatter.add.f32 @!p0 [tilespmem:s28], [sflag:$0x3], $0x80, s31, s26, $0xb8;
	[tilespmem:$0x1B500] =	vst v63  }
0x65: {  	_ =	swait.ge @p1 [sflag:s0], $0x78  }
0x66: {  	[sflag:s0] =	ssyncset.done @p1 $0x0  }
0x67: {  	p0 =	por p1, p1;
	[sflag:s0] =	ssyncadd.s32 @p1 $0xFFFFFF88  }
0x68: {  	_ =	swait.ge @p0 [sflag:s0], $0x3C00  }
0x69: {  	[sflag:s0] =	ssyncset.done @p0 $0x0  }
0x6a: {  	[sflag:s0] =	ssyncadd.s32 @p0 $0xFFFFC400;
	s0 =	simm.s32 @p0 $0x3  }
0x6b: {  	_ =	swait.ge @p0 [sflag:s0], $0x3C00  }
0x6c: {  	[sflag:s0] =	ssyncset.done @p0 $0x0  }
0x6d: {  	[sflag:s0] =	ssyncadd.s32 @p0 $0xFFFFC400;
	s0 =	simm.s32 @p0 $0x0  }
0x6e: {  	[tilespmem:s0], [sflag:$0x1] =	stream.linear.gather @p0 [hbm4b:s25+s0], $0x78, $0x38;
	[tilespmem:$0x1B500] =	vst v63  }
0x6f: {  	s1 =	simm.s32 @p0 $0x100;
	s4 =	simm.s32 @!p0 $0x1  }
0x70: {  	[tilespmem:s1], [sflag:$0x1] =	stream.linear.gather @p0 [hbm4b:s24+s0], $0x3C00, $0x38;
	[tilespmem:$0x1B500] =	vst v63  }
0x71: {  	s6 =	simm.s32 @p0 $0x3D00;
	s0 =	simm.s32 @p0 $0x78;
	s1 =	simm.s32 @p0 $0x80  }
0x72: {  	[spmem:s2] =	stream.indirect.scatter.add.f32 @p0 [tilespmem:s6], [sflag:$0x4], $0x80, s1, s0, $0xb8;
	[tilespmem:$0x1B500] =	vst v63  }
0x73: {  	_ =	swait.ge @!p0 [sflag:s4], $0x78  }
0x74: {  	[sflag:s4] =	ssyncset.done @!p0 $0x0  }
0x75: {  	[sflag:s4] =	ssyncadd.s32 @!p0 $0xFFFFFF88  }
0x76: {  	_ =	swait.ge @!p0 [sflag:s4], $0x3C00  }
0x77: {  	[sflag:s4] =	ssyncset.done @!p0 $0x0  }
0x78: {  	s0 =	simm.s32 @!p0 $0x4;
	[sflag:s4] =	ssyncadd.s32 @!p0 $0xFFFFC400  }
0x79: {  	_ =	swait.ge @!p0 [sflag:s0], $0x3C00  }
0x7a: {  	[sflag:s0] =	ssyncset.done @!p0 $0x0  }
0x7b: {  	s1 =	simm.s32 @!p0 $0x80;
	[sflag:s0] =	ssyncadd.s32 @!p0 $0xFFFFC400;
	s0 =	simm.s32 @!p0 $0x0  }
0x7c: {  	[tilespmem:s1], [sflag:$0x2] =	stream.linear.gather @!p0 [hbm4b:s25+s0], $0x78, $0x38;
	[tilespmem:$0x1B500] =	vst v63  }
0x7d: {  	s1 =	simm.s32 @!p0 $0x3D00  }
0x7e: {  	[tilespmem:s1], [sflag:$0x2] =	stream.linear.gather @!p0 [hbm4b:s24+s0], $0x3C00, $0x38;
	[tilespmem:$0x1B500] =	vst v63  }
0x7f: {  	s4 =	simm.s32 @!p1 $0x100;
	s1 =	simm.s32 @!p1 $0x78  }
0x80: {  	[spmem:s2] =	stream.indirect.scatter.add.f32 @!p0 [tilespmem:s4], [sflag:$0x3], $0x80, s0, s1, $0xb8;
	[tilespmem:$0x1B500] =	vst v63  }
0x81: {  	_ =	swait.ge [sflag:s20], $0x78  }
0x82: {  	[sflag:s20] =	ssyncset.done $0x0  }
0x83: {  	[sflag:s20] =	ssyncadd.s32 $0xFFFFFF88  }
0x84: {  	_ =	swait.ge [sflag:s20], $0x3C00  }
0x85: {  	[sflag:s20] =	ssyncset.done $0x0  }
0x86: {  	[sflag:s20] =	ssyncadd.s32 $0xFFFFC400  }
0x87: {  	_ =	swait.ge [sflag:s21], $0x3C00  }
0x88: {  	[sflag:s21] =	ssyncset.done $0x0  }
0x89: {  	[sflag:s21] =	ssyncadd.s32 $0xFFFFC400  }
0x8a: {  	[spmem:s2] =	stream.indirect.scatter.add.f32 [tilespmem:s18], [sflag:$0x4], $0x80, s17, s19, $0xb8;
	[tilespmem:$0x1B500] =	vst v63  }
0x8b: {  	_ =	swait.ge [sflag:s22], $0x3C00  }
0x8c: {  	s23 =	sadd.s32 $0x1, s23;
	[sflag:s22] =	ssyncset.done $0x0  }
0x8d: {  	p0 =	sne.s32 s23, s9;
	[sflag:s22] =	ssyncadd.s32 $0xFFFFC400  }
.Ltmp1:
0x8e: {  	[bflag:$0x0] =	sbarrier.arrive $0xFFFF;
	(pc) =	sbr.rel @p0 .LBB2_1-.Ltmp1, $4  }
0x8f: {  	[hbm:s8], [sflag:s5] =	dma.local [spmem:s14], $0x2780  }
0x90: {  	_ =	swait.ge [sflag:s15], $0x2780  }
0x91: {  	[sflag:s15] =	ssyncset.done $0x0  }
0x92: {  	[sflag:s15] =	ssyncadd.s32 $0xFFFFD880  }
0x93: {  	_ =	sfence.sel $0x180000  }
0x94: {  	[bflag:$0x0] =	sbarrier.arrive $0xFFFF  }
0x95: {  	_ =	strace $0x90000050  }
0x96: {  	s0 =	stileid.u32;
	[bflag:$0x2] =	sbarrier.arrive $0xFFFF  }
0x97: {  	p0 =	sne.s32 s0, $0x0;
	s0 =	rddreg [dreg:$0x2]  }
0x98: {  	s0 =	sadd.s32 @!p0 $0x100000, s0  }
0x99: {  	[sflag:s0] =	ssyncadd.tile.s32 @!p0 $0x1;
	_ =	shalt  }
.Lfunc_end2:
_tile_overlayer_lowered:
.L_overlay_start_2:
0x9a: {  	(tag) =	ssettag $0x2  }
0x9b: {  	s0 =	rddreg [dreg:$0x0];
	s2 =	stileid.u32  }
0x9c: {  	s1 =	rddreg [dreg:$0x1];
	p0 =	sne.s32 s2, $0x0  }
0x9d: {  	s3 =	rddreg [dreg:$0x2];
	[bflag:$0x3] =	sbarrier.arrive $0xFFFF;
	s2 =	simm.s32 @!p0 $0x1C05  }
0x9e: {  	[timem:s3], [sflag:s2] =	dma.local @!p0 [hbm:s0], s1  }
0x9f: {  	s0 =	simm.s32 @!p0 $0x5  }
0xa0: {  	_ =	swait.ge @!p0 [sflag:s0], s1  }
0xa1: {  	s1 =	ssub.s32 @!p0 $0x0, s1;
	[sflag:s0] =	ssyncset.done @!p0 $0x0  }
0xa2: {  	[sflag:s0] =	ssyncadd.s32 @!p0 s1  }
0xa3: {  	[bflag:$0x3] =	sbarrier.arrive $0xFFFF  }
0xa4: {  	_ =	shalt  }

// kernel: kernel.9.cloned.1.call-start
scs
__scs_entry_jumppad:
0x0: {  	(pc) =	sbr.rel $0x88, $3  }
0x1: {  	(tag) =	ssettag $0x0;
	lr =	simm.s32 $0x1  }
0x2: {  	[smem:$0x3F97] =	sst lr;
	_ =	strace $0xD0000000  }
0x3: {  	_ = 	snop  }
0x4: {  	_ = 	snop  }
0x5: {  	_ = 	snop  }
0x6: {  	_ = 	snop  }
0x7: {  	_ = 	snop  }
__scs_overlays_trampoline_lowered:
0x8: {  	[smem:$0x3FA6] =	sst s0  }
0x9: {  	[smem:$0x3FA7] =	sst s1  }
0xa: {  	[smem:$0x3FA8] =	sst s2  }
0xb: {  	[smem:$0x3FA9] =	sst s3  }
0xc: {  	[smem:$0x3FAA] =	sst s4  }
0xd: {  	[smem:$0x3FAB] =	sst s5  }
0xe: {  	[smem:$0x3FAC] =	sst s6  }
0xf: {  	[smem:$0x3FAD] =	sst s7  }
0x10: {  	[smem:$0x3FAE] =	sst s8  }
0x11: {  	[smem:$0x3FAF] =	sst s9;
	s0 =	simm.s32 @!p0 $0x0  }
0x12: {  	s1 =	sld [smem:$0x3F95];
	s0 =	simm.s32 @p0 $0x1  }
0x13: {  	[smem:$0x3FB0] =	sst s0;
	s0 =	simm.s32 @!p1 $0x0  }
0x14: {  	s2 =	sld [smem:$0x3F94];
	s0 =	simm.s32 @p1 $0x1  }
0x15: {  	[smem:$0x3FB1] =	sst s0;
	s0 =	simm.s32 @!p2 $0x0  }
0x16: {  	s3 =	sld [smem:$0x3FDB];
	s0 =	simm.s32 @p2 $0x1  }
0x17: {  	s4 =	simm.s32 $0x1BF5;
	[smem:$0x3FB3] =	sst s0  }
0x18: {  	s0 =	sld [smem:$0x3F96];
	_ =	swait.ge [sflag:s4], $0x0  }
0x19: {  	s7 =	sld [smem:$0x3F97]  }
0x1a: {  	s8 =	sadd.s32 $0xFFFFE003, lr  }
0x1b: {  	s9 =	sadd.s32 $0xFFFFFEF7, lr;
	s5 =	simm.s32 $0xFFFFFFFF;
	p2 =	slt.u32 s8, $0xFFFFF086  }
0x1c: {  	p1 =	slt.u32 s9, $0xF7A;
	s5 =	simm.s32 @!p2 $0x0  }
0x1d: {  	s5 =	simm.s32 @p1 $0x1;
	p0 =	seq.s32 s7, s2  }
0x1e: {  	s7 =	smul.u32 @!p0 $0xF7A, s2;
	p2 =	seq.s32 @!p0 s5, $0x0  }
0x1f: {  	s9 =	smul.u32 $0xF7A, s1;
	s8 =	simm.s32 @!p0 $0x1BF5;
	p2 =	por !p2, p0  }
0x20: {  	[sflag:s8] =	ssyncset.s32 @!p0 $0xFFFFF086;
	s6 =	sadd.s32 @!p0 s3, s7;
	s7 =	simm.s32 @!p0 $0x108  }
0x21: {  	s3 =	sadd.s32 s3, s9;
	s6 =	sadd.s32 @!p0 $0x88, s6;
	s7 =	simm.s32 @p2 $0x1082  }
0x22: {  	[simem:s7], [sflag:s8] =	dma.local @!p0 [hbm:s6], $0xF7A  }
0x23: {  	s9 =	sor.u32 $0xD0000000, s2;
	s6 =	simm.s32 $0x108;
	_ =	swait.ge @!p0 [sflag:s8], $0x0  }
0x24: {  	s3 =	sadd.s32 $0x88, s3;
	s6 =	simm.s32 @!p1 $0x1082;
	[sflag:s4] =	ssyncset.s32 $0xFFFFF086  }
0x25: {  	[simem:s6], [sflag:s4] =	dma.local [hbm:s3], $0xF7A  }
0x26: {  	[smem:$0x3F97] =	sst s1;
	(tag) =	ssettag s2;
	_ =	strace s9  }
0x27: {  	s1 =	sld [smem:$0x3FA7]  }
0x28: {  	s2 =	sld [smem:$0x3FA8]  }
0x29: {  	s4 =	sld [smem:$0x3FAA]  }
0x2a: {  	p0 =	seq.s32 s5, $0x0;
	s5 =	sld [smem:$0x3FAB]  }
0x2b: {  	s6 =	sld [smem:$0x3FAC]  }
0x2c: {  	s7 =	sld [smem:$0x3FAD]  }
0x2d: {  	s3 =	simm.s32 $0x108;
	s8 =	sld [smem:$0x3FAE]  }
0x2e: {  	s3 =	simm.s32 @!p0 $0x1082;
	s9 =	sld [smem:$0x3FAF]  }
0x2f: {  	lr =	sadd.s32 s0, s3;
	s0 =	sld [smem:$0x3FA6]  }
0x30: {  	s3 =	sld [smem:$0x3FA9]  }
0x31: {  	[smem:$0x3FB2] =	sst s10  }
0x32: {  	s10 =	sld [smem:$0x3FB0];
	_ =	sdelay $0x3  }
0x33: {  	p0 =	seq.s32 s10, $0x1;
	s10 =	sld [smem:$0x3FB2];
	_ =	sdelay $0x3  }
0x34: {  	[smem:$0x3FB2] =	sst s10  }
0x35: {  	s10 =	sld [smem:$0x3FB1];
	_ =	sdelay $0x3  }
0x36: {  	p1 =	seq.s32 s10, $0x1;
	s10 =	sld [smem:$0x3FB2];
	_ =	sdelay $0x3  }
0x37: {  	[smem:$0x3FB2] =	sst s10  }
0x38: {  	s10 =	sld [smem:$0x3FB3]  }
0x39: {  	_ = 	snop;
	(pc) =	sbr.ind lr, $3  }
0x3a: {  	_ = 	snop  }
0x3b: {  	_ = 	snop  }
0x3c: {  	p2 =	seq.s32 s10, $0x1;
	s10 =	sld [smem:$0x3FB2]  }
0x3d: {  	_ =	shalt  }
0x3e: {  	_ =	shalt  }
0x3f: {  	_ =	shalt  }
0x40: {  	_ =	shalt  }
0x41: {  	_ =	shalt  }
0x42: {  	_ =	shalt  }
0x43: {  	_ =	shalt  }
0x44: {  	_ =	shalt  }
0x45: {  	_ =	shalt  }
0x46: {  	_ =	shalt  }
0x47: {  	_ =	shalt  }
0x48: {  	_ =	shalt  }
0x49: {  	_ =	shalt  }
0x4a: {  	_ =	shalt  }
0x4b: {  	_ =	shalt  }
0x4c: {  	_ =	shalt  }
0x4d: {  	_ =	shalt  }
0x4e: {  	_ =	shalt  }
0x4f: {  	_ =	shalt  }
0x50: {  	_ =	shalt  }
0x51: {  	_ =	shalt  }
0x52: {  	_ =	shalt  }
0x53: {  	_ =	shalt  }
0x54: {  	_ =	shalt  }
0x55: {  	_ =	shalt  }
0x56: {  	_ =	shalt  }
0x57: {  	_ =	shalt  }
0x58: {  	_ =	shalt  }
0x59: {  	_ =	shalt  }
0x5a: {  	_ =	shalt  }
0x5b: {  	_ =	shalt  }
0x5c: {  	_ =	shalt  }
0x5d: {  	_ =	shalt  }
0x5e: {  	_ =	shalt  }
0x5f: {  	_ =	shalt  }
0x60: {  	_ =	shalt  }
0x61: {  	_ =	shalt  }
0x62: {  	_ =	shalt  }
0x63: {  	_ =	shalt  }
0x64: {  	_ =	shalt  }
0x65: {  	_ =	shalt  }
0x66: {  	_ =	shalt  }
0x67: {  	_ =	shalt  }
0x68: {  	_ =	shalt  }
0x69: {  	_ =	shalt  }
0x6a: {  	_ =	shalt  }
0x6b: {  	_ =	shalt  }
0x6c: {  	_ =	shalt  }
0x6d: {  	_ =	shalt  }
0x6e: {  	_ =	shalt  }
0x6f: {  	_ =	shalt  }
0x70: {  	_ =	shalt  }
0x71: {  	_ =	shalt  }
0x72: {  	_ =	shalt  }
0x73: {  	_ =	shalt  }
0x74: {  	_ =	shalt  }
0x75: {  	_ =	shalt  }
0x76: {  	_ =	shalt  }
0x77: {  	_ =	shalt  }
0x78: {  	_ =	shalt  }
0x79: {  	_ =	shalt  }
0x7a: {  	_ =	shalt  }
0x7b: {  	_ =	shalt  }
0x7c: {  	_ =	shalt  }
0x7d: {  	_ =	shalt  }
0x7e: {  	_ =	shalt  }
0x7f: {  	_ =	shalt  }
0x80: {  	_ =	shalt  }
0x81: {  	_ =	shalt  }
0x82: {  	_ =	shalt  }
0x83: {  	_ =	shalt  }
0x84: {  	_ =	shalt  }
0x85: {  	_ =	shalt  }
0x86: {  	_ =	shalt  }
0x87: {  	_ =	shalt  }
.Lfunc_end0:
.L_simem_size_0:
called_computation_lowered:
.L_overlay_start_0:
0x88: {  	s2 =	sld [smem:$0x3FD9]  }
0x89: {  	s3 =	sld [smem:$0x3FFE];
	_ =	sdelay $0x1  }
0x8a: {  	s1 =	srdreg.scid  }
0x8b: {  	s0 =	sand.u32 $0x1, s1  }
0x8c: {  	s14 =	sshll.u32 s0, $0xA;
	s2 =	sadd.s32 s3, s2  }
0x8d: {  	s2 =	sadd.s32 s2, s14  }
0x8e: {  	[smem:$0x3FBE] =	sst s2  }
0x8f: {  	_ = 	snop  }
0x90: {  	s2 =	sld [smem:$0x3FD0];
	_ =	sdelay $0x1  }
0x91: {  	s15 =	sld [smem:$0x3FC9]  }
0x92: {  	s5 =	simm.s32 $0xB;
	s6 =	simm.s32 $0x10;
	s4 =	sld [smem:$0x3FC5]  }
0x93: {  	[smem:s6], [sflag:s5] =	dma.local [hbm:s2], $0x1  }
0x94: {  	_ =	swait.eq [sflag:s5], $0x1  }
0x95: {  	[sflag:s5] =	ssyncset.done $0x0  }
0x96: {  	[sflag:s5] =	ssyncadd.s32 $0xFFFFFFFF  }
0x97: {  	s16 =	sld [smem:$0x11];
	(tm) =	ssettm $0x1  }
0x98: {  	s17 =	sld [smem:$0x3FFB];
	_ =	sdelay $0x3  }
0x99: {  	_ =	strace s17  }
0x9a: {  	s5 =	sld [smem:$0x3FFC];
	_ =	sdelay $0x3  }
0x9b: {  	_ =	strace s5  }
0x9c: {  	s5 =	sld [smem:$0x3FFD];
	_ =	sdelay $0x3  }
0x9d: {  	_ =	strace s5  }
0x9e: {  	_ =	strace $0x8FFFFFFF  }
0x9f: {  	s18 =	sld [smem:$0x3FDB];
	_ =	sdelay $0x1  }
0xa0: {  	s19 =	simm.s32 $_scs_section_size  }
0xa1: {  	s7 =	simm.s32 $_size__tile_overlayer_lowered;
	s8 =	simm.s32 $_tile_overlayer_lowered  }
0xa2: {  	s22 =	simm.s32 $0x1BFF;
	s21 =	sshll.u32 s8, $0x1;
	s5 =	sadd.s32 s19, s18  }
0xa3: {  	s9 =	simm.s32 $0x0;
	s20 =	sshll.u32 s7, $0x1;
	s7 =	sadd.s32 s21, s5  }
0xa4: {  	[timem:s9], [sflag:s22] =	dma.local [hbm:s7], s20  }
0xa5: {  	_ =	swait.ge [sflag:s22], s20  }
0xa6: {  	s6 =	ssub.s32 $0x0, s20;
	[sflag:s22] =	ssyncset.done $0x0  }
0xa7: {  	[sflag:s22] =	ssyncadd.s32 s6;
	_ =	sdelay $0x1  }
0xa8: {  	s23 =	simm.s32 $0x1B8B  }
0xa9: {  	_ =	swait.ge [sflag:s23], $0x1  }
0xaa: {  	[sflag:s23] =	ssyncset.done $0x0  }
0xab: {  	s25 =	simm.s32 $0x1B8E;
	s24 =	sld [smem:$0x3FFE];
	[sflag:s23] =	ssyncadd.s32 $0xFFFFFFFF  }
0xac: {  	s26 =	simm.s32 $execute0_lowered;
	[smem:$0x3FD2] =	sst s25  }
0xad: {  	s7 =	sshll.u32 s26, $0x1;
	_ =	strace $0x80000046;
	[dreg:$0x1] =	wrdreg $0xFFFFFFFF  }
0xae: {  	s28 =	simm.s32 $_size_execute0_lowered;
	s5 =	sadd.s32 s5, s7;
	[dreg:$0x0] =	wrdreg $0x0  }
0xaf: {  	s7 =	sshll.u32 s28, $0x1;
	[dreg:$0x2] =	wrdreg s5  }
0xb0: {  	[dreg:$0x3] =	wrdreg s7  }
0xb1: {  	[dreg:$0x4] =	wrdreg $0xC0  }
0xb2: {  	_ =	task [dreg:s9], $0x5FFFF  }
0xb3: {  	[dreg:$0x1] =	wrdreg $0xFFFFFFFF  }
0xb4: {  	[dreg:$0x0] =	wrdreg $0x60  }
0xb5: {  	[dreg:$0x2] =	wrdreg s15  }
0xb6: {  	[dreg:$0x3] =	wrdreg s4  }
0xb7: {  	[dreg:$0x4] =	wrdreg s24  }
0xb8: {  	[dreg:$0x5] =	wrdreg s16  }
0xb9: {  	[dreg:$0x6] =	wrdreg $0x9  }
0xba: {  	_ =	task.clear_ibuf [dreg:s9], $0x7FFFF;
	_ =	strace $0x90000046  }
0xbb: {  	s29 =	simm.s32 $0x9;
	_ =	strace $0x80000048  }
0xbc: {  	_ =	swait.ge [sflag:s29], $0x1  }
0xbd: {  	[sflag:s29] =	ssyncadd.s32 $0xFFFFFFFF  }
0xbe: {  	_ =	strace $0x90000048  }
0xbf: {  	_ =	sfence  }
0xc0: {  	s30 =	sld [smem:$0x0];
	_ =	sdelay $0x2  }
0xc1: {  	s31 =	sshll.u32 s1, $0xD;
	s1 =	sshrl.u32 s1, $0x2  }
0xc2: {  	s3 =	sand.u32 $0x4000, s31;
	s1 =	sadd.s32 s1, s30  }
0xc3: {  	s0 =	sor.u32 s3, s0;
	s1 =	sshll.u32 s1, $0x11  }
0xc4: {  	s0 =	sor.u32 s1, s0  }
0xc5: {  	s0 =	sadd.s32 $0x8F2B, s0  }
0xc6: {  	[sflag:s0] =	ssyncadd.remote.s32 $0x1  }
0xc7: {  	_ =	sfence.sel $0xFFFF  }
0xc8: {  	[dreg:$0x0] =	wrdreg $0xFFFFFFFF;
	(pc) =	sbr.abs _section_cstart, $3  }
0xc9: {  	[dreg:$0x1] =	wrdreg $0xFFFFFFFF  }
0xca: {  	_ =	task.clear_ibuf [dreg:s9], $0x2FFFF;
	_ =	strace $0x9FFFFFFF  }
0xcb: {  	(tm) =	ssettm $0x7FFFFFFF  }
tec
execute0_lowered:
.L_overlay_start_1:
0x0: {  	(tag) =	ssettag $0x1  }
0x1: {  	s1 =	rddreg [dreg:$0x0]  }
0x2: {  	s2 =	rddreg [dreg:$0x1]  }
0x3: {  	s0 =	rddreg [dreg:$0x2];
	s3 =	srdreg.scid  }
0x4: {  	s5 =	stileid.u32;
	s4 =	rddreg [dreg:$0x3]  }
0x5: {  	s14 =	simm.s32 $0x100;
	s15 =	simm.s32 $0x1;
	s16 =	simm.s32 $0x80  }
0x6: {  	s17 =	simm.s32 $0x200;
	s19 =	simm.s32 $0x180;
	s20 =	simm.s32 $0x4  }
0x7: {  	s21 =	simm.s32 $0x4200;
	s22 =	simm.s32 $0x5;
	s23 =	simm.s32 $0x6  }
0x8: {  	s24 =	simm.s32 $0x2;
	s3 =	sand.u32 $0x1, s3;
	s6 =	sshll.u32 s5, $0x1  }
0x9: {  	s25 =	simm.s32 $0xC200;
	s26 =	simm.s32 $0x3;
	s6 =	sor.u32 s3, s6  }
0xa: {  	s28 =	simm.s32 $0x0;
	s5 =	simm.s32 $0x0;
	s6 =	smul.u32 $0x1900, s6  }
.Ltmp0:
0xb: {  	s7 =	sadd.s32 $0x1400, s0;
	s3 =	ssub.s32 $0x2, s3;
	(pc) =	sbr.rel .LBB2_1-.Ltmp0, $4  }
0xc: {  	s8 =	sadd.s32 $0x7800, s0;
	[smem:$0x7FF] =	sst s5;
	s30 =	sshrl.u32 s3, $0x1  }
0xd: {  	_ =	strace $0x80000047;
	s0 =	ssub.s32 s3, s30;
	s10 =	sshrl.u32 s6, $0x3  }
0xe: {  	s13 =	smax.u32 s0, $0x1;
	s9 =	sadd.s32 s7, s10;
	s31 =	sor.u32 $0x10, s10  }
0xf: {  	s10 =	sadd.s32 s4, s10;
	s11 =	sadd.s32 s7, s31;
	s12 =	sadd.s32 s4, s31  }
.LBB2_10:
0x10: {  	s28 =	sadd.s32 $0x1, s28  }
0x11: {  	_ =	swait.ge [sflag:s22], $0x4000;
	p0 =	sne.s32 s28, s13  }
.Ltmp1:
0x12: {  	[sflag:s22] =	ssyncset.done $0x0;
	(pc) =	sbr.rel @!p0 .LBB2_11-.Ltmp1, $4  }
0x13: {  	[sflag:s22] =	ssyncadd.s32 $0xFFFFC000  }
0x14: {  	_ =	swait.ge [sflag:s23], $0x4000  }
0x15: {  	[sflag:s23] =	ssyncset.done $0x0  }
0x16: {  	[sflag:s23] =	ssyncadd.s32 $0xFFFFC000  }
.LBB2_1:
0x17: {  	[tilespmem:s5], [sflag:$0x1] =	stream.linear.gather [hbm4b:s9+s5], $0x80, $0x38;
	[tilespmem:$0x10200] =	vst v63  }
0x18: {  	_ = 	snop  }
0x19: {  	[tilespmem:s14], [sflag:$0x1] =	stream.linear.gather [hbm4b:s10+s5], $0x80, $0x38;
	[tilespmem:$0x10200] =	vst v63  }
0x1a: {  	_ =	swait.ge [sflag:s15], $0x80  }
0x1b: {  	[sflag:s15] =	ssyncset.done $0x0  }
0x1c: {  	[sflag:s15] =	ssyncadd.s32 $0xFFFFFF80  }
0x1d: {  	_ =	swait.ge [sflag:s15], $0x80  }
0x1e: {  	[sflag:s15] =	ssyncset.done $0x0  }
0x1f: {  	[sflag:s15] =	ssyncadd.s32 $0xFFFFFF80  }
0x20: {  	[tilespmem:s17], [sflag:$0x3] =	stream.indirect.gather [hbm4b:s1+s16], $0x80, s5, s16, $0xb8;
	[tilespmem:$0x10200] =	vst v63  }
0x21: {  	s0 =	simm.s32 $0x8200  }
0x22: {  	[tilespmem:s0], [sflag:$0x3] =	stream.indirect.gather [hbm4b:s2+s16], $0x80, s14, s16, $0xb8;
	[tilespmem:$0x10200] =	vst v63  }
.Ltmp2:
0x23: {  	_ = 	snop;
	(pc) =	sbr.rel .LBB2_2-.Ltmp2, $4  }
0x24: {  	_ = 	snop  }
0x25: {  	[tilespmem:s16], [sflag:$0x2] =	stream.linear.gather [hbm4b:s11+s5], $0x80, $0x38;
	[tilespmem:$0x10200] =	vst v63  }
0x26: {  	s29 =	simm.s32 $0x0  }
0x27: {  	[tilespmem:s19], [sflag:$0x2] =	stream.linear.gather [hbm4b:s12+s5], $0x80, $0x38;
	[tilespmem:$0x10200] =	vst v63  }
.LBB2_9:
0x28: {  	s29 =	sadd.s32 $0x1, s29  }
0x29: {  	p0 =	sne.s32 s29, $0x32  }
.Ltmp3:
0x2a: {  	_ = 	snop;
	(pc) =	sbr.rel @!p0 .LBB2_10-.Ltmp3, $1  }
0x2b: {  	_ =	sdelay $0x3  }
.LBB2_2:
0x2c: {  	s31 =	sand.u32 $0x1, s29  }
0x2d: {  	p0 =	seq.s32 s31, $0x1  }
.Ltmp4:
0x2e: {  	_ = 	snop;
	(pc) =	sbr.rel @p0 .LBB2_6-.Ltmp4, $3  }
0x2f: {  	_ =	sdelay $0x1  }
0x30: {  	s0 =	sshll.u32 s29, $0x7  }
0x31: {  	s30 =	sadd.s32 s6, s0  }
0x32: {  	_ =	swait.ge [sflag:s24], $0x80  }
0x33: {  	[sflag:s24] =	ssyncset.done $0x0  }
0x34: {  	[sflag:s24] =	ssyncadd.s32 $0xFFFFFF80  }
0x35: {  	_ =	swait.ge [sflag:s24], $0x80  }
0x36: {  	p0 =	seq.s32 s29, $0x0;
	[sflag:s24] =	ssyncset.done $0x0  }
0x37: {  	s0 =	simm.s32 @!p0 $0x6;
	[sflag:s24] =	ssyncadd.s32 $0xFFFFFF80  }
0x38: {  	_ =	swait.ge @!p0 [sflag:s0], $0x4000  }
0x39: {  	[sflag:s0] =	ssyncset.done @!p0 $0x0  }
0x3a: {  	[sflag:s0] =	ssyncadd.s32 @!p0 $0xFFFFC000  }
0x3b: {  	[tilespmem:s21], [sflag:$0x4] =	stream.indirect.gather [hbm4b:s1+s16], $0x80, s16, s16, $0xb8;
	[tilespmem:$0x10200] =	vst v63  }
0x3c: {  	_ = 	snop  }
0x3d: {  	[tilespmem:s25], [sflag:$0x4] =	stream.indirect.gather [hbm4b:s2+s16], $0x80, s19, s16, $0xb8;
	[tilespmem:$0x10200] =	vst v63  }
0x3e: {  	_ =	swait.ge [sflag:s26], $0x4000  }
0x3f: {  	[sflag:s26] =	ssyncset.done $0x0  }
0x40: {  	[sflag:s26] =	ssyncadd.s32 $0xFFFFC000  }
0x41: {  	_ =	swait.ge [sflag:s26], $0x4000  }
0x42: {  	[sflag:s26] =	ssyncset.done $0x0  }
0x43: {  	s3 =	simm.s32 $0x0;
	[sflag:s26] =	ssyncadd.s32 $0xFFFFC000  }
0x44: {  	v7 =	vld [tilespmem:s3+$0x8200]  }
0x45: {  	v11 =	vld [tilespmem:s3+$0x8210]  }
0x46: {  	v5 =	vld [tilespmem:s3+$0x8220]  }
0x47: {  	v4 =	vld [tilespmem:s3+$0x8230]  }
0x48: {  	v3 =	vld [tilespmem:s3+$0x8240]  }
0x49: {  	v2 =	vld [tilespmem:s3+$0x8250]  }
0x4a: {  	v1 =	vld [tilespmem:s3+$0x8260]  }
0x4b: {  	v0 =	vld [tilespmem:s3+$0x8270]  }
0x4c: {  	v12 =	vld [tilespmem:s3+$0x200]  }
0x4d: {  	v13 =	vld [tilespmem:s3+$0x210]  }
0x4e: {  	v10 =	vld [tilespmem:s3+$0x220]  }
0x4f: {  	v9 =	vld [tilespmem:s3+$0x230]  }
0x50: {  	v8 =	vld [tilespmem:s3+$0x240]  }
0x51: {  	v6 =	vld [tilespmem:s3+$0x250];
	v12 =	vadd.f32 v7, v12  }
0x52: {  	s0 =	simm.s32 $0x200;
	v11 =	vadd.f32 v11, v13;
	v7 =	vld [tilespmem:s3+$0x260]  }
.LBB2_4:
0x53: {  	s18 =	sshra.s32 s0, $0x2;
	p0 =	sne.s32 s0, $0xFE00;
	[tilespmem:s3+$0x200] =	vst v12;
	v5 =	vadd.f32 v5, v10;
	v10 =	vld [tilespmem:s3+$0x270]  }
0x54: {  	v12 =	vld [tilespmem:s18+$0x8200];
	[tilespmem:s3+$0x210] =	vst v11;
	v4 =	vadd.f32 v4, v9  }
0x55: {  	v11 =	vld [tilespmem:s18+$0x8210];
	[tilespmem:s3+$0x220] =	vst v5;
	v3 =	vadd.f32 v3, v8  }
0x56: {  	v5 =	vld [tilespmem:s18+$0x8220];
	[tilespmem:s3+$0x230] =	vst v4;
	v2 =	vadd.f32 v2, v6  }
0x57: {  	v4 =	vld [tilespmem:s18+$0x8230];
	[tilespmem:s3+$0x240] =	vst v3;
	v1 =	vadd.f32 v1, v7  }
0x58: {  	v3 =	vld [tilespmem:s18+$0x8240];
	[tilespmem:s3+$0x250] =	vst v2;
	v0 =	vadd.f32 v0, v10  }
0x59: {  	v2 =	vld [tilespmem:s18+$0x8250];
	[tilespmem:s3+$0x260] =	vst v1  }
0x5a: {  	v1 =	vld [tilespmem:s18+$0x8260];
	[tilespmem:s3+$0x270] =	vst v0;
	s3 =	smov.u32 s18  }
0x5b: {  	v0 =	vld [tilespmem:s3+$0x8270]  }
0x5c: {  	v6 =	vld [tilespmem:s3+$0x200]  }
0x5d: {  	v7 =	vld [tilespmem:s3+$0x210]  }
.Ltmp5:
0x5e: {  	v10 =	vld [tilespmem:s3+$0x220];
	(pc) =	sbr.rel @p0 .LBB2_4-.Ltmp5, $4  }
0x5f: {  	v9 =	vld [tilespmem:s3+$0x230]  }
0x60: {  	v8 =	vld [tilespmem:s3+$0x240]  }
0x61: {  	v12 =	vadd.f32 v12, v6;
	v6 =	vld [tilespmem:s3+$0x250]  }
0x62: {  	s0 =	sadd.s32 $0x200, s0;
	v11 =	vadd.f32 v11, v7;
	v7 =	vld [tilespmem:s3+$0x260]  }
0x63: {  	[tilespmem:s3+$0x200] =	vst v12;
	v5 =	vadd.f32 v5, v10;
	v63 =	vld [tilespmem:s3+$0x270]  }
0x64: {  	[tilespmem:s3+$0x210] =	vst v11;
	v4 =	vadd.f32 v4, v9  }
0x65: {  	[tilespmem:s3+$0x220] =	vst v5;
	v3 =	vadd.f32 v3, v8  }
0x66: {  	[tilespmem:s3+$0x230] =	vst v4;
	v2 =	vadd.f32 v2, v6  }
0x67: {  	[tilespmem:s3+$0x240] =	vst v3;
	v1 =	vadd.f32 v1, v7  }
0x68: {  	[tilespmem:s3+$0x250] =	vst v2;
	v0 =	vadd.f32 v0, v63  }
0x69: {  	s0 =	sshll.u32 s30, $0x4;
	[tilespmem:s3+$0x260] =	vst v1  }
0x6a: {  	p0 =	sgt.u32 s29, $0x2F;
	s0 =	sadd.s32 s8, s0;
	[tilespmem:s3+$0x270] =	vst v0  }
0x6b: {  	[hbm4b:s0+s5] =	stream.linear.scatter [tilespmem:s17], [sflag:$0x5], $0x4000, $0x38;
	[tilespmem:$0x10200] =	vst v63  }
0x6c: {  	s0 =	sshrl.u32 @!p0 s30, $0x3  }
0x6d: {  	s0 =	sadd.s32 @!p0 $0x20, s0  }
0x6e: {  	s18 =	simm.s32 @!p0 $0x0;
	s3 =	sadd.s32 @!p0 s7, s0  }
0x6f: {  	[tilespmem:s18], [sflag:$0x1] =	stream.linear.gather @!p0 [hbm4b:s3+s18], $0x80, $0x38;
	[tilespmem:$0x10200] =	vst v63  }
0x70: {  	s0 =	sadd.s32 @!p0 s4, s0;
	s3 =	simm.s32 @!p0 $0x100  }
0x71: {  	[tilespmem:s3], [sflag:$0x1] =	stream.linear.gather @!p0 [hbm4b:s0+s18], $0x80, $0x38;
	[tilespmem:$0x10200] =	vst v63  }
0x72: {  	p0 =	seq.s32 s31, $0x0  }
.Ltmp6:
0x73: {  	_ = 	snop;
	(pc) =	sbr.rel @p0 .LBB2_9-.Ltmp6, $1  }
0x74: {  	_ =	sdelay $0x3  }
.LBB2_6:
0x75: {  	p0 =	seq.s32 s29, $0x31  }
0x76: {  	s0 =	simm.s32 @!p0 $0x1  }
0x77: {  	_ =	swait.ge @!p0 [sflag:s0], $0x80  }
0x78: {  	[sflag:s0] =	ssyncset.done @!p0 $0x0  }
0x79: {  	[sflag:s0] =	ssyncadd.s32 @!p0 $0xFFFFFF80  }
0x7a: {  	_ =	swait.ge @!p0 [sflag:s0], $0x80  }
0x7b: {  	[sflag:s0] =	ssyncset.done @!p0 $0x0  }
0x7c: {  	[sflag:s0] =	ssyncadd.s32 @!p0 $0xFFFFFF80;
	s0 =	simm.s32 @!p0 $0x5  }
0x7d: {  	_ =	swait.ge @!p0 [sflag:s0], $0x4000  }
0x7e: {  	s3 =	simm.s32 @!p0 $0x0;
	[sflag:s0] =	ssyncset.done @!p0 $0x0  }
0x7f: {  	s18 =	simm.s32 @!p0 $0x200;
	[sflag:s0] =	ssyncadd.s32 @!p0 $0xFFFFC000;
	s0 =	simm.s32 @!p0 $0x80  }
0x80: {  	[tilespmem:s18], [sflag:$0x3] =	stream.indirect.gather @!p0 [hbm4b:s1+s0], $0x80, s3, s0, $0xb8;
	[tilespmem:$0x10200] =	vst v63  }
0x81: {  	s3 =	simm.s32 @!p0 $0x100;
	s18 =	simm.s32 @!p0 $0x8200  }
0x82: {  	[tilespmem:s18], [sflag:$0x3] =	stream.indirect.gather @!p0 [hbm4b:s2+s0], $0x80, s3, s0, $0xb8;
	[tilespmem:$0x10200] =	vst v63  }
0x83: {  	_ =	swait.ge [sflag:s20], $0x4000  }
0x84: {  	[sflag:s20] =	ssyncset.done $0x0  }
0x85: {  	[sflag:s20] =	ssyncadd.s32 $0xFFFFC000  }
0x86: {  	_ =	swait.ge [sflag:s20], $0x4000  }
0x87: {  	[sflag:s20] =	ssyncset.done $0x0  }
0x88: {  	s3 =	simm.s32 $0x0;
	[sflag:s20] =	ssyncadd.s32 $0xFFFFC000  }
0x89: {  	v7 =	vld [tilespmem:s3+$0xC200]  }
0x8a: {  	v11 =	vld [tilespmem:s3+$0xC210]  }
0x8b: {  	v5 =	vld [tilespmem:s3+$0xC220]  }
0x8c: {  	v4 =	vld [tilespmem:s3+$0xC230]  }
0x8d: {  	v3 =	vld [tilespmem:s3+$0xC240]  }
0x8e: {  	v2 =	vld [tilespmem:s3+$0xC250]  }
0x8f: {  	v1 =	vld [tilespmem:s3+$0xC260]  }
0x90: {  	v0 =	vld [tilespmem:s3+$0xC270]  }
0x91: {  	v12 =	vld [tilespmem:s3+$0x4200]  }
0x92: {  	v13 =	vld [tilespmem:s3+$0x4210]  }
0x93: {  	v10 =	vld [tilespmem:s3+$0x4220]  }
0x94: {  	v9 =	vld [tilespmem:s3+$0x4230]  }
0x95: {  	v8 =	vld [tilespmem:s3+$0x4240]  }
0x96: {  	v6 =	vld [tilespmem:s3+$0x4250];
	v12 =	vadd.f32 v7, v12  }
0x97: {  	s0 =	simm.s32 $0x200;
	v11 =	vadd.f32 v11, v13;
	v7 =	vld [tilespmem:s3+$0x4260]  }
.LBB2_7:
0x98: {  	s18 =	sshra.s32 s0, $0x2;
	p0 =	sne.s32 s0, $0xFE00;
	[tilespmem:s3+$0x4200] =	vst v12;
	v5 =	vadd.f32 v5, v10;
	v10 =	vld [tilespmem:s3+$0x4270]  }
0x99: {  	v12 =	vld [tilespmem:s18+$0xC200];
	[tilespmem:s3+$0x4210] =	vst v11;
	v4 =	vadd.f32 v4, v9  }
0x9a: {  	v11 =	vld [tilespmem:s18+$0xC210];
	[tilespmem:s3+$0x4220] =	vst v5;
	v3 =	vadd.f32 v3, v8  }
0x9b: {  	v5 =	vld [tilespmem:s18+$0xC220];
	[tilespmem:s3+$0x4230] =	vst v4;
	v2 =	vadd.f32 v2, v6  }
0x9c: {  	v4 =	vld [tilespmem:s18+$0xC230];
	[tilespmem:s3+$0x4240] =	vst v3;
	v1 =	vadd.f32 v1, v7  }
0x9d: {  	v3 =	vld [tilespmem:s18+$0xC240];
	[tilespmem:s3+$0x4250] =	vst v2;
	v0 =	vadd.f32 v0, v10  }
0x9e: {  	v2 =	vld [tilespmem:s18+$0xC250];
	[tilespmem:s3+$0x4260] =	vst v1  }
0x9f: {  	v1 =	vld [tilespmem:s18+$0xC260];
	[tilespmem:s3+$0x4270] =	vst v0;
	s3 =	smov.u32 s18  }
0xa0: {  	v0 =	vld [tilespmem:s3+$0xC270]  }
0xa1: {  	v6 =	vld [tilespmem:s3+$0x4200]  }
0xa2: {  	v7 =	vld [tilespmem:s3+$0x4210]  }
.Ltmp7:
0xa3: {  	v10 =	vld [tilespmem:s3+$0x4220];
	(pc) =	sbr.rel @p0 .LBB2_7-.Ltmp7, $4  }
0xa4: {  	v9 =	vld [tilespmem:s3+$0x4230]  }
0xa5: {  	v8 =	vld [tilespmem:s3+$0x4240]  }
0xa6: {  	v12 =	vadd.f32 v12, v6;
	v6 =	vld [tilespmem:s3+$0x4250]  }
0xa7: {  	s0 =	sadd.s32 $0x200, s0;
	v11 =	vadd.f32 v11, v7;
	v7 =	vld [tilespmem:s3+$0x4260]  }
0xa8: {  	[tilespmem:s3+$0x4200] =	vst v12;
	v5 =	vadd.f32 v5, v10;
	v63 =	vld [tilespmem:s3+$0x4270]  }
0xa9: {  	[tilespmem:s3+$0x4210] =	vst v11;
	v4 =	vadd.f32 v4, v9  }
0xaa: {  	[tilespmem:s3+$0x4220] =	vst v5;
	v3 =	vadd.f32 v3, v8  }
0xab: {  	[tilespmem:s3+$0x4230] =	vst v4;
	v2 =	vadd.f32 v2, v6  }
0xac: {  	[tilespmem:s3+$0x4240] =	vst v3;
	v1 =	vadd.f32 v1, v7  }
0xad: {  	[tilespmem:s3+$0x4250] =	vst v2;
	v0 =	vadd.f32 v0, v63  }
0xae: {  	s0 =	sshll.u32 s30, $0x4;
	[tilespmem:s3+$0x4260] =	vst v1  }
0xaf: {  	p0 =	sgt.u32 s29, $0x2F;
	s0 =	sadd.s32 s8, s0;
	[tilespmem:s3+$0x4270] =	vst v0  }
0xb0: {  	[hbm4b:s0+s5] =	stream.linear.scatter [tilespmem:s21], [sflag:$0x6], $0x4000, $0x38;
	[tilespmem:$0x10200] =	vst v63  }
0xb1: {  	s0 =	sshrl.u32 @!p0 s30, $0x3  }
.Ltmp8:
0xb2: {  	s0 =	sadd.s32 @!p0 $0x20, s0;
	(pc) =	sbr.rel .LBB2_9-.Ltmp8, $4  }
0xb3: {  	s18 =	simm.s32 @!p0 $0x0;
	s30 =	simm.s32 @!p0 $0x80;
	s3 =	sadd.s32 @!p0 s7, s0  }
0xb4: {  	[tilespmem:s30], [sflag:$0x2] =	stream.linear.gather @!p0 [hbm4b:s3+s18], $0x80, $0x38;
	[tilespmem:$0x10200] =	vst v63  }
0xb5: {  	s0 =	sadd.s32 @!p0 s4, s0;
	s3 =	simm.s32 @!p0 $0x180  }
0xb6: {  	[tilespmem:s3], [sflag:$0x2] =	stream.linear.gather @!p0 [hbm4b:s0+s18], $0x80, $0x38;
	[tilespmem:$0x10200] =	vst v63  }
.LBB2_11:
0xb7: {  	_ =	sfence.sel $0x180000  }
0xb8: {  	[bflag:$0x0] =	sbarrier.arrive $0xFFFF  }
0xb9: {  	_ =	strace $0x90000047  }
0xba: {  	s0 =	stileid.u32;
	[bflag:$0x2] =	sbarrier.arrive $0xFFFF  }
0xbb: {  	p0 =	sne.s32 s0, $0x0;
	s0 =	rddreg [dreg:$0x4]  }
0xbc: {  	s0 =	sadd.s32 @!p0 $0x100000, s0  }
0xbd: {  	[sflag:s0] =	ssyncadd.tile.s32 @!p0 $0x1;
	_ =	shalt  }
.Lfunc_end2:
_tile_overlayer_lowered:
.L_overlay_start_2:
0xbe: {  	(tag) =	ssettag $0x2  }
0xbf: {  	s0 =	rddreg [dreg:$0x0];
	s2 =	stileid.u32  }
0xc0: {  	s1 =	rddreg [dreg:$0x1];
	p0 =	sne.s32 s2, $0x0  }
0xc1: {  	s3 =	rddreg [dreg:$0x2];
	[bflag:$0x3] =	sbarrier.arrive $0xFFFF;
	s2 =	simm.s32 @!p0 $0x1C07  }
0xc2: {  	[timem:s3], [sflag:s2] =	dma.local @!p0 [hbm:s0], s1  }
0xc3: {  	s0 =	simm.s32 @!p0 $0x7  }
0xc4: {  	_ =	swait.ge @!p0 [sflag:s0], s1  }
0xc5: {  	s1 =	ssub.s32 @!p0 $0x0, s1;
	[sflag:s0] =	ssyncset.done @!p0 $0x0  }
0xc6: {  	[sflag:s0] =	ssyncadd.s32 @!p0 s1  }
0xc7: {  	[bflag:$0x3] =	sbarrier.arrive $0xFFFF  }
0xc8: {  	_ =	shalt  }

</sc_bundles>
